<compile_context>
chip_gen: v7x
topology: tpu7x:2x2x1
jax: 0.10.2.dev20260603
libtpu: 0.0.44.dev20260713+nightly
codegen_flags: <defaults>
</compile_context>

<pallas_src>
import functools

import jax
import jax.numpy as jnp
from jax import lax
from jax.experimental import pallas as pl
from jax.experimental.pallas import tpu as pltpu
from jax.experimental.pallas import tpu_sc as plsc

N = 10000
E = 320000
D = 128

NC = 2
NS = 16
NW = NC * NS
LANES = 16

K = 80
CHUNKS = 125
EPW = CHUNKS * K
EPAD = NW * EPW - E
NPAD = 10240
ROWS_PS = NPAD // NS
WB = 80
RBLK = 2048
GRID = NPAD // RBLK

_mesh = plsc.VectorSubcoreMesh(core_axis_name="c", subcore_axis_name="s")

_F32 = jnp.float32
_I32 = jnp.int32
_PREC = jax.lax.Precision.HIGHEST



@functools.partial(
    pl.kernel,
    out_type=[jax.ShapeDtypeStruct((NPAD,), _F32),
              jax.ShapeDtypeStruct((NPAD,), _F32)],
    mesh=_mesh,
    scratch_types=[
        pltpu.VMEM_SHARED((NPAD,), _F32),
        pltpu.VMEM((CHUNKS, K), jnp.int32),
        pltpu.VMEM((128,), _F32),
        pltpu.VMEM((ROWS_PS,), _F32),
    ],
)
def _sc_degree(dst_hbm, out0_hbm, out1_hbm, deg_sh, didx, ones_v, zeros_v):
    c = lax.axis_index("c")
    s = lax.axis_index("s")
    wid = s * NC + c

    @pl.loop(0, ROWS_PS // LANES)
    def _(i):
        zeros_v[pl.ds(i * LANES, LANES)] = jnp.zeros((LANES,), _F32)

    @pl.loop(0, 128 // LANES)
    def _(i):
        ones_v[pl.ds(i * LANES, LANES)] = jnp.ones((LANES,), _F32)

    pltpu.sync_copy(zeros_v, deg_sh.at[pl.ds(s * ROWS_PS, ROWS_PS)])
    plsc.subcore_barrier()

    pltpu.sync_copy(dst_hbm.at[wid], didx)

    @pl.loop(0, CHUNKS)
    def _(j):
        pltpu.sync_copy(ones_v.at[pl.ds(0, K)], deg_sh.at[didx.at[j]],
                        add=True)

    plsc.subcore_barrier()

    @pl.when(c == 0)
    def _():
        pltpu.sync_copy(deg_sh.at[pl.ds(s * ROWS_PS, ROWS_PS)],
                        out0_hbm.at[pl.ds(s * ROWS_PS, ROWS_PS)])

    @pl.when(c == 1)
    def _():
        pltpu.sync_copy(deg_sh.at[pl.ds(s * ROWS_PS, ROWS_PS)],
                        out1_hbm.at[pl.ds(s * ROWS_PS, ROWS_PS)])


@functools.partial(
    pl.kernel,
    out_type=jax.ShapeDtypeStruct((NC, NPAD, D), _F32),
    mesh=_mesh,
    scratch_types=[
        pltpu.VMEM_SHARED((NPAD, D), _F32),
        pltpu.VMEM((EPW,), jnp.int32),
        pltpu.VMEM((CHUNKS, K), jnp.int32),
        pltpu.VMEM((K, D), _F32),
        pltpu.VMEM((K, D), _F32),
        pltpu.SemaphoreType.DMA,
        pltpu.SemaphoreType.DMA,
    ],
)
def _sc_aggregate(hs_hbm, src_hbm, dst_hbm, out_hbm, agg_sh, sidx, didx,
                  rows_a, rows_b, sem_a, sem_b):
    c = lax.axis_index("c")
    s = lax.axis_index("s")
    wid = s * NC + c

    @pl.loop(0, (WB * D) // LANES)
    def _(t):
        r = t // (D // LANES)
        q = t % (D // LANES)
        rows_a[r, pl.ds(q * LANES, LANES)] = jnp.zeros((LANES,), _F32)

    @pl.loop(0, ROWS_PS // WB)
    def _(i):
        pltpu.sync_copy(rows_a.at[pl.ds(0, WB)],
                        agg_sh.at[pl.ds(s * ROWS_PS + i * WB, WB)])

    plsc.subcore_barrier()

    pltpu.sync_copy(src_hbm.at[pl.ds(wid * EPW, EPW)], sidx)
    pltpu.sync_copy(dst_hbm.at[wid], didx)

    def g(j, rows, sem):
        return pltpu.async_copy(hs_hbm.at[sidx.at[pl.ds(j * K, K)]],
                                rows, sem)

    g(0, rows_a, sem_a)

    @pl.loop(0, CHUNKS - 1, step=2)
    def _(j):
        g(j + 1, rows_b, sem_b)
        pltpu.make_async_copy(hs_hbm.at[sidx.at[pl.ds(0, K)]], rows_a,
                              sem_a).wait()
        pltpu.sync_copy(rows_a, agg_sh.at[didx.at[j]], add=True)
        g(j + 2, rows_a, sem_a)
        pltpu.make_async_copy(hs_hbm.at[sidx.at[pl.ds(0, K)]], rows_b,
                              sem_b).wait()
        pltpu.sync_copy(rows_b, agg_sh.at[didx.at[j + 1]], add=True)

    pltpu.make_async_copy(hs_hbm.at[sidx.at[pl.ds(0, K)]], rows_a,
                          sem_a).wait()
    pltpu.sync_copy(rows_a, agg_sh.at[didx.at[CHUNKS - 1]], add=True)

    plsc.subcore_barrier()

    @pl.loop(0, ROWS_PS // WB)
    def _(i):
        pltpu.sync_copy(agg_sh.at[pl.ds(s * ROWS_PS + i * WB, WB)],
                        out_hbm.at[c].at[pl.ds(s * ROWS_PS + i * WB, WB)])



def _pre_body(x_ref, w_ref, b_ref, dis_ref, h_ref, hs_ref):
    h = jnp.dot(x_ref[...], w_ref[...], precision=_PREC,
                preferred_element_type=_F32)
    h = jnp.maximum(h + b_ref[...], 0.0)
    h_ref[...] = h
    hs_ref[...] = h * dis_ref[...]


def _mid_body(aggp_ref, dis_ref, h_ref, w_ref, b_ref, hn_ref, hs_ref):
    agg = (aggp_ref[0] + aggp_ref[1]) * dis_ref[...]
    hn = jnp.dot(agg, w_ref[...], precision=_PREC, preferred_element_type=_F32)
    hn = jnp.maximum(hn + b_ref[...] + h_ref[...], 0.0)
    hn_ref[...] = hn
    hs_ref[...] = hn * dis_ref[...]


def _final_body(aggp_ref, dis_ref, h_ref, w_ref, b_ref, wh_ref, bh_ref,
                out_ref):
    agg = (aggp_ref[0] + aggp_ref[1]) * dis_ref[...]
    h3 = jnp.dot(agg, w_ref[...], precision=_PREC, preferred_element_type=_F32)
    h3 = jnp.maximum(h3 + b_ref[...] + h_ref[...], 0.0)
    out_ref[...] = jnp.dot(h3, wh_ref[...], precision=_PREC,
                           preferred_element_type=_F32) + bh_ref[...]


_row_spec = pl.BlockSpec((RBLK, D), lambda i: (i, 0))
_mat_spec = pl.BlockSpec((D, D), lambda i: (0, 0))
_bias_spec = pl.BlockSpec((1, D), lambda i: (0, 0))
_aggp_spec = pl.BlockSpec((NC, RBLK, D), lambda i: (0, i, 0))
_nd_shape = jax.ShapeDtypeStruct((NPAD, D), _F32)


_tc_pre = pl.pallas_call(
    _pre_body,
    grid=(GRID,),
    in_specs=[_row_spec, _mat_spec, _bias_spec, _row_spec],
    out_specs=[_row_spec, _row_spec],
    out_shape=[_nd_shape, _nd_shape],
)

_tc_mid = pl.pallas_call(
    _mid_body,
    grid=(GRID,),
    in_specs=[_aggp_spec, _row_spec, _row_spec, _mat_spec, _bias_spec],
    out_specs=[_row_spec, _row_spec],
    out_shape=[_nd_shape, _nd_shape],
)

_tc_final = pl.pallas_call(
    _final_body,
    grid=(GRID,),
    in_specs=[_aggp_spec, _row_spec, _row_spec, _mat_spec, _bias_spec,
              _mat_spec, _bias_spec],
    out_specs=_row_spec,
    out_shape=_nd_shape,
)



def kernel(x, edge_index, W_pre, b_pre, W1, b1, W2, b2, W3, b3, W_head,
           b_head):
    pad_dst = N + (jnp.arange(EPAD, dtype=_I32) % (NPAD - N))
    src1 = jnp.concatenate([edge_index[0], jnp.zeros((EPAD,), _I32)])
    dst2 = jnp.concatenate([edge_index[1], pad_dst]).reshape(NW, CHUNKS, K)

    deg0, deg1 = _sc_degree(dst2)
    dis = jax.lax.rsqrt(jnp.maximum(deg0 + deg1, 1.0))
    dis_full = jnp.broadcast_to(dis[:, None], (NPAD, D))

    x_p = jnp.pad(x, ((0, NPAD - N), (0, 0)))
    h, hs = _tc_pre(x_p, W_pre, b_pre.reshape(1, D), dis_full)

    for W, b in ((W1, b1), (W2, b2)):
        aggp = _sc_aggregate(hs, src1, dst2)
        h, hs = _tc_mid(aggp, dis_full, h, W, b.reshape(1, D))

    aggp = _sc_aggregate(hs, src1, dst2)
    out = _tc_final(aggp, dis_full, h, W3, b3.reshape(1, D), W_head,
                    b_head.reshape(1, D))
    return out[:N]

# --- scband reference (transcript-rebuilt; emitter-appended) ---
"""Pipeline reference for scband-custom-gnn-21663815041147 (READ-ONLY COPY).

The authoritative reference and input builder live on the scoring server;
editing this copy changes nothing except your own understanding.
"""

import jax, jax.numpy as jnp
import numpy as np

N = 10000
E = 320000
D = 128


def setup_inputs(seed: int = 0) -> dict:
    key = jax.random.key(seed)
    ks = jax.random.split(key, 12)
    s = 1.0 / np.sqrt(D)
    x = jax.random.normal(ks[0], (N, D), dtype=jnp.float32)
    edge_index = jax.random.randint(ks[1], (2, E), 0, N, dtype=jnp.int32)
    W_pre = jax.random.normal(ks[2], (D, D), dtype=jnp.float32) * s
    b_pre = jnp.zeros((D,), dtype=jnp.float32)
    W1 = jax.random.normal(ks[3], (D, D), dtype=jnp.float32) * s
    b1 = jnp.zeros((D,), dtype=jnp.float32)
    W2 = jax.random.normal(ks[4], (D, D), dtype=jnp.float32) * s
    b2 = jnp.zeros((D,), dtype=jnp.float32)
    W3 = jax.random.normal(ks[5], (D, D), dtype=jnp.float32) * s
    b3 = jnp.zeros((D,), dtype=jnp.float32)
    W_head = jax.random.normal(ks[6], (D, D), dtype=jnp.float32) * s
    b_head = jnp.zeros((D,), dtype=jnp.float32)
    return {"x": x, "edge_index": edge_index, "W_pre": W_pre, "b_pre": b_pre,
            "W1": W1, "b1": b1, "W2": W2, "b2": b2, "W3": W3, "b3": b3,
            "W_head": W_head, "b_head": b_head}


def _gcn_layer(h, W, b, src, dst, deg_inv_sqrt):
    # GCNConvLayer with residual connection + relu (cfg.gnn.residual=True)
    norm = deg_inv_sqrt[src] * deg_inv_sqrt[dst]
    msgs = jnp.take(h, src, axis=0) * norm[:, None]
    agg = jnp.zeros_like(h).at[dst].add(msgs)
    out = agg @ W + b
    return jax.nn.relu(out + h)


def reference(x, edge_index, W_pre, b_pre, W1, b1, W2, b2, W3, b3, W_head, b_head):
    src = edge_index[0]
    dst = edge_index[1]
    deg = jnp.zeros((N,), dtype=jnp.float32).at[dst].add(1.0)
    deg_inv_sqrt = 1.0 / jnp.sqrt(jnp.maximum(deg, 1.0))
    # pre_mp (GNNPreMP: linear + relu)
    h = jax.nn.relu(x @ W_pre + b_pre)
    # message-passing layers (layers_mp = 3, gcnconv)
    h = _gcn_layer(h, W1, b1, src, dst, deg_inv_sqrt)
    h = _gcn_layer(h, W2, b2, src, dst, deg_inv_sqrt)
    h = _gcn_layer(h, W3, b3, src, dst, deg_inv_sqrt)
    # post_mp node head (linear)
    out = h @ W_head + b_head
    return out

if __name__ == "__main__":
    import jax
    _d = setup_inputs()
    print(jax.jit(kernel)(*tuple(_d.values())))

</pallas_src>

<mosaic_0001>
#map = affine_map<(d0, d1) -> (0, 0)>
#map1 = affine_map<(d0, d1) -> (0)>
#map2 = affine_map<(d0, d1) -> (0, 0, 0)>
module attributes {stable_mosaic.version = 14 : i64} {
  func.func @_sc_aggregate(%arg0: i32, %arg1: i32, %arg2: memref<10240x128xf32, #tpu.memory_space<hbm>>, %arg3: memref<320000xi32, #tpu.memory_space<hbm>>, %arg4: memref<32x125x80xi32, #tpu.memory_space<hbm>>, %arg5: memref<2x10240x128xf32, #tpu.memory_space<hbm>>, %arg6: memref<10240x128xf32, #tpu.memory_space<vmem_shared>>, %arg7: memref<10000xi32, #tpu.memory_space<vmem>>, %arg8: memref<125x80xi32, #tpu.memory_space<vmem>>, %arg9: memref<80x128xf32, #tpu.memory_space<vmem>>, %arg10: memref<80x128xf32, #tpu.memory_space<vmem>>, %arg11: memref<!tpu.dma_semaphore, #tpu.memory_space<semaphore_mem>>, %arg12: memref<!tpu.dma_semaphore, #tpu.memory_space<semaphore_mem>>) attributes {dimension_semantics = [#tpu.dimension_semantics<core_parallel>, #tpu.dimension_semantics<subcore_parallel>], iteration_bounds = array<i64: 2, 16>, scalar_prefetch = 0 : i64, scratch_operands = 7 : i64, tpu.core_type = #tpu.core_type<sc_vector_subcore>, window_params = [{transform_indices = #map}, {transform_indices = #map1}, {transform_indices = #map2}, {transform_indices = #map2}]} {
    %mul3A = arith.constant 2 : i32
    %mul3A_0 = arith.muli %arg1, %mul3A : i32
    %add3A = arith.addi %mul3A_0, %arg0 : i32
    %scan3A = arith.constant 0 : i32
    %scan3A_1 = arith.constant 640 : i32
    %scan3A_2 = arith.addi %scan3A, %scan3A_1 : i32
    %scan3A_3 = arith.constant 1 : i32
    scf.for %scan3A_31 = %scan3A to %scan3A_2 step %scan3A_3  : i32 {
      %mul3A_32 = arith.constant 1 : i32
      %mul3A_33 = arith.muli %scan3A_31, %mul3A_32 : i32
      %add3A_34 = arith.constant 0 : i32
      %add3A_35 = arith.addi %add3A_34, %mul3A_33 : i32
      %jit3A = arith.constant 8 : i32
      %div3A = arith.divsi %add3A_35, %jit3A : i32
      %sign3A = arith.constant 0 : i32
      %sign3A_36 = arith.cmpi sgt, %add3A_35, %sign3A : i32
      %sign3A_37 = arith.extui %sign3A_36 : i1 to i32
      %sign3A_38 = arith.constant 0 : i32
      %sign3A_39 = arith.cmpi slt, %add3A_35, %sign3A_38 : i32
      %sign3A_40 = arith.extui %sign3A_39 : i1 to i32
      %sign3A_41 = arith.subi %sign3A_37, %sign3A_40 : i32
      %sign3A_42 = arith.constant 0 : i32
      %sign3A_43 = arith.cmpi sgt, %jit3A, %sign3A_42 : i32
      %sign3A_44 = arith.extui %sign3A_43 : i1 to i32
      %sign3A_45 = arith.constant 0 : i32
      %sign3A_46 = arith.cmpi slt, %jit3A, %sign3A_45 : i32
      %sign3A_47 = arith.extui %sign3A_46 : i1 to i32
      %sign3A_48 = arith.subi %sign3A_44, %sign3A_47 : i32
      %ne3A = arith.cmpi ne, %sign3A_41, %sign3A_48 : i32
      %rem3A = arith.remsi %add3A_35, %jit3A : i32
      %ne3A_49 = arith.constant 0 : i32
      %ne3A_50 = arith.cmpi ne, %rem3A, %ne3A_49 : i32
      %and3A = arith.andi %ne3A, %ne3A_50 : i1
      %sub3A = arith.constant 1 : i32
      %sub3A_51 = arith.subi %div3A, %sub3A : i32
      %select_n3A = arith.select %and3A, %sub3A_51, %div3A : i32
      %jit3A_52 = arith.constant 8 : i32
      %eq3A = arith.constant 0 : i32
      %eq3A_53 = arith.cmpi eq, %jit3A_52, %eq3A : i32
      %jit3A_54 = arith.constant 1 : i32
      %select_n3A_55 = arith.select %eq3A_53, %jit3A_54, %jit3A_52 : i32
      %rem3A_56 = arith.remsi %add3A_35, %select_n3A_55 : i32
      %ne3A_57 = arith.constant 0 : i32
      %ne3A_58 = arith.cmpi ne, %rem3A_56, %ne3A_57 : i32
      %lt3A = arith.constant 0 : i32
      %lt3A_59 = arith.cmpi slt, %rem3A_56, %lt3A : i32
      %lt3A_60 = arith.constant 0 : i32
      %lt3A_61 = arith.cmpi slt, %select_n3A_55, %lt3A_60 : i32
      %ne3A_62 = arith.xori %lt3A_59, %lt3A_61 : i1
      %and3A_63 = arith.andi %ne3A_62, %ne3A_58 : i1
      %add3A_64 = arith.addi %rem3A_56, %select_n3A_55 : i32
      %select_n3A_65 = arith.select %and3A_63, %add3A_64, %rem3A_56 : i32
      %broadcast_in_dim3A = arith.constant 0.000000e+00 : f32
      %broadcast_in_dim3A_66 = vector.broadcast %broadcast_in_dim3A : f32 to vector<16xf32>
      %mul3A_67 = arith.constant 16 : i32
      %mul3A_68 = arith.muli %select_n3A_65, %mul3A_67 : i32
      %swap3A = arith.index_cast %select_n3A : i32 to index
      %swap3A_69 = arith.index_cast %mul3A_68 : i32 to index
      %swap3A_70 = tpu.vector_load %arg9[%swap3A, %swap3A_69] {strides = array<i32>} : memref<80x128xf32, #tpu.memory_space<vmem>>, vector<1x16xf32>,
      %swap3A_71 = vector.shape_cast %swap3A_70 : vector<1x16xf32> to vector<16xf32>
      %swap3A_72 = vector.shape_cast %broadcast_in_dim3A_66 : vector<16xf32> to vector<1x16xf32>
      tpu.vector_store %arg9[%swap3A, %swap3A_69], %swap3A_72 {strides = array<i32>} : memref<80x128xf32, #tpu.memory_space<vmem>>, vector<1x16xf32>,
    }
    %scan3A_4 = arith.constant 640 : i32
    %scan3A_5 = arith.constant 0 : i32
    %scan3A_6 = arith.constant 8 : i32
    %scan3A_7 = arith.addi %scan3A_5, %scan3A_6 : i32
    %scan3A_8 = arith.constant 1 : i32
    scf.for %scan3A_31 = %scan3A_5 to %scan3A_7 step %scan3A_8  : i32 {
      %mul3A_32 = arith.constant 1 : i32
      %mul3A_33 = arith.muli %scan3A_31, %mul3A_32 : i32
      %add3A_34 = arith.constant 0 : i32
      %add3A_35 = arith.addi %add3A_34, %mul3A_33 : i32
      %mul3A_36 = arith.constant 640 : i32
      %mul3A_37 = arith.muli %arg1, %mul3A_36 : i32
      %mul3A_38 = arith.constant 80 : i32
      %mul3A_39 = arith.muli %add3A_35, %mul3A_38 : i32
      %add3A_40 = arith.addi %mul3A_37, %mul3A_39 : i32
      "tpu.region"() ({
        %run_scoped3A_41 = tpu.sem_alloc : memref<!tpu.dma_semaphore, #tpu.memory_space<semaphore_mem>>
        %dma_start3A_42 = arith.constant 0 : i32
        %dma_start3A_43 = arith.constant 0 : i32
        %dma_start3A_44 = tpu.memref_slice %arg9[%dma_start3A_42, %dma_start3A_43] : memref<80x128xf32, #tpu.memory_space<vmem>> -> memref<80x128xf32, #tpu.memory_space<vmem>>
        %dma_start3A_45 = arith.constant 0 : i32
        %dma_start3A_46 = tpu.memref_slice %arg6[%add3A_40, %dma_start3A_45] : memref<10240x128xf32, #tpu.memory_space<vmem_shared>> -> memref<80x128xf32, #tpu.memory_space<vmem_shared>>
        %dma_start3A_47 = arith.constant 0 : i32
        %dma_start3A_48 = tpu.memref_slice %arg6[%add3A_40, %dma_start3A_47] : memref<10240x128xf32, #tpu.memory_space<vmem_shared>> -> memref<80x128xf32, #tpu.memory_space<vmem_shared>>
        %dma_start3A_49 = arith.constant 0 : i32
        %dma_start3A_50 = arith.constant 0 : i32
        %dma_start3A_51 = tpu.memref_slice %arg9[%dma_start3A_49, %dma_start3A_50] : memref<80x128xf32, #tpu.memory_space<vmem>> -> memref<80x128xf32, #tpu.memory_space<vmem>>
        tpu.enqueue_dma source(%dma_start3A_51 : memref<80x128xf32, #tpu.memory_space<vmem>>) target(%dma_start3A_48 : memref<80x128xf32, #tpu.memory_space<vmem_shared>>) target_semaphore(%run_scoped3A_41 : memref<!tpu.dma_semaphore, #tpu.memory_space<semaphore_mem>>)
        %dma_wait3A_52 = arith.constant 0 : i32
        %dma_wait3A_53 = arith.constant 0 : i32
        %dma_wait3A_54 = tpu.memref_slice %arg9[%dma_wait3A_52, %dma_wait3A_53] : memref<80x128xf32, #tpu.memory_space<vmem>> -> memref<80x128xf32, #tpu.memory_space<vmem>>
        %dma_wait3A_55 = arith.constant 0 : i32
        %dma_wait3A_56 = tpu.memref_slice %arg6[%add3A_40, %dma_wait3A_55] : memref<10240x128xf32, #tpu.memory_space<vmem_shared>> -> memref<80x128xf32, #tpu.memory_space<vmem_shared>>
        %dma_wait3A_57 = arith.constant 0 : i32
        %dma_wait3A_58 = tpu.memref_slice %arg6[%add3A_40, %dma_wait3A_57] : memref<10240x128xf32, #tpu.memory_space<vmem_shared>> -> memref<80x128xf32, #tpu.memory_space<vmem_shared>>
        %dma_wait3A_59 = arith.constant 0 : i32
        %dma_wait3A_60 = arith.constant 0 : i32
        %dma_wait3A_61 = tpu.memref_slice %arg9[%dma_wait3A_59, %dma_wait3A_60] : memref<80x128xf32, #tpu.memory_space<vmem>> -> memref<80x128xf32, #tpu.memory_space<vmem>>
        tpu.wait_dma2 semaphore(%run_scoped3A_41 : memref<!tpu.dma_semaphore, #tpu.memory_space<semaphore_mem>>) src(%dma_wait3A_61 : memref<80x128xf32, #tpu.memory_space<vmem>>) dst(%dma_wait3A_58 : memref<80x128xf32, #tpu.memory_space<vmem_shared>>)
        tpu.yield
      }) : () -> ()
    }
    %scan3A_9 = arith.constant 8 : i32
    %barrier3A = arith.constant 0 : index
    tpu.barrier barrier_id(%barrier3A)
    %mul3A_10 = arith.constant 10000 : i32
    %mul3A_11 = arith.muli %add3A, %mul3A_10 : i32
    "tpu.region"() ({
      %run_scoped3A_31 = tpu.sem_alloc : memref<!tpu.dma_semaphore, #tpu.memory_space<semaphore_mem>>
      %dma_start3A_32 = tpu.memref_slice %arg3[%mul3A_11] : memref<320000xi32, #tpu.memory_space<hbm>> -> memref<10000xi32, #tpu.memory_space<hbm>>
      %dma_start3A_33 = tpu.memref_slice %arg3[%mul3A_11] : memref<320000xi32, #tpu.memory_space<hbm>> -> memref<10000xi32, #tpu.memory_space<hbm>>
      tpu.enqueue_dma source(%dma_start3A_33 : memref<10000xi32, #tpu.memory_space<hbm>>) target(%arg7 : memref<10000xi32, #tpu.memory_space<vmem>>) target_semaphore(%run_scoped3A_31 : memref<!tpu.dma_semaphore, #tpu.memory_space<semaphore_mem>>)
      %dma_wait3A_34 = tpu.memref_slice %arg3[%mul3A_11] : memref<320000xi32, #tpu.memory_space<hbm>> -> memref<10000xi32, #tpu.memory_space<hbm>>
      %dma_wait3A_35 = tpu.memref_slice %arg3[%mul3A_11] : memref<320000xi32, #tpu.memory_space<hbm>> -> memref<10000xi32, #tpu.memory_space<hbm>>
      tpu.wait_dma2 semaphore(%run_scoped3A_31 : memref<!tpu.dma_semaphore, #tpu.memory_space<semaphore_mem>>) src(%dma_wait3A_35 : memref<10000xi32, #tpu.memory_space<hbm>>) dst(%arg7 : memref<10000xi32, #tpu.memory_space<vmem>>)
      tpu.yield
    }) : () -> ()
    "tpu.region"() ({
      %run_scoped3A_31 = tpu.sem_alloc : memref<!tpu.dma_semaphore, #tpu.memory_space<semaphore_mem>>
      %dma_start3A_32 = arith.constant 0 : i32
      %dma_start3A_33 = arith.constant 0 : i32
      %dma_start3A_34 = tpu.memref_slice %arg4[%add3A, %dma_start3A_32, %dma_start3A_33] : memref<32x125x80xi32, #tpu.memory_space<hbm>> -> memref<1x125x80xi32, #tpu.memory_space<hbm>>
      %dma_start3A_35 = tpu.memref_squeeze %dma_start3A_34 : memref<1x125x80xi32, #tpu.memory_space<hbm>> -> memref<125x80xi32, #tpu.memory_space<hbm>>
      %dma_start3A_36 = arith.constant 0 : i32
      %dma_start3A_37 = arith.constant 0 : i32
      %dma_start3A_38 = tpu.memref_slice %arg4[%add3A, %dma_start3A_36, %dma_start3A_37] : memref<32x125x80xi32, #tpu.memory_space<hbm>> -> memref<1x125x80xi32, #tpu.memory_space<hbm>>
      %dma_start3A_39 = tpu.memref_squeeze %dma_start3A_38 : memref<1x125x80xi32, #tpu.memory_space<hbm>> -> memref<125x80xi32, #tpu.memory_space<hbm>>
      tpu.enqueue_dma source(%dma_start3A_39 : memref<125x80xi32, #tpu.memory_space<hbm>>) target(%arg8 : memref<125x80xi32, #tpu.memory_space<vmem>>) target_semaphore(%run_scoped3A_31 : memref<!tpu.dma_semaphore, #tpu.memory_space<semaphore_mem>>)
      %dma_wait3A_40 = arith.constant 0 : i32
      %dma_wait3A_41 = arith.constant 0 : i32
      %dma_wait3A_42 = tpu.memref_slice %arg4[%add3A, %dma_wait3A_40, %dma_wait3A_41] : memref<32x125x80xi32, #tpu.memory_space<hbm>> -> memref<1x125x80xi32, #tpu.memory_space<hbm>>
      %dma_wait3A_43 = tpu.memref_squeeze %dma_wait3A_42 : memref<1x125x80xi32, #tpu.memory_space<hbm>> -> memref<125x80xi32, #tpu.memory_space<hbm>>
      %dma_wait3A_44 = arith.constant 0 : i32
      %dma_wait3A_45 = arith.constant 0 : i32
      %dma_wait3A_46 = tpu.memref_slice %arg4[%add3A, %dma_wait3A_44, %dma_wait3A_45] : memref<32x125x80xi32, #tpu.memory_space<hbm>> -> memref<1x125x80xi32, #tpu.memory_space<hbm>>
      %dma_wait3A_47 = tpu.memref_squeeze %dma_wait3A_46 : memref<1x125x80xi32, #tpu.memory_space<hbm>> -> memref<125x80xi32, #tpu.memory_space<hbm>>
      tpu.wait_dma2 semaphore(%run_scoped3A_31 : memref<!tpu.dma_semaphore, #tpu.memory_space<semaphore_mem>>) src(%dma_wait3A_47 : memref<125x80xi32, #tpu.memory_space<hbm>>) dst(%arg8 : memref<125x80xi32, #tpu.memory_space<vmem>>)
      tpu.yield
    }) : () -> ()
    %dma_start3A = arith.constant 0 : i32
    %dma_start3A_12 = tpu.memref_slice %arg7[%dma_start3A] : memref<10000xi32, #tpu.memory_space<vmem>> -> memref<80xi32, #tpu.memory_space<vmem>>
    %dma_start3A_13 = arith.constant 0 : i32
    %dma_start3A_14 = arith.constant 0 : i32
    %dma_start3A_15 = tpu.memref_slice %arg2[%dma_start3A_13, %dma_start3A_14] : memref<10240x128xf32, #tpu.memory_space<hbm>> -> memref<10240x128xf32, #tpu.memory_space<hbm>>
    tpu.enqueue_indirect_dma source(%dma_start3A_15 : memref<10240x128xf32, #tpu.memory_space<hbm>>) target(%arg9 : memref<80x128xf32, #tpu.memory_space<vmem>>) offsets(%dma_start3A_12 : memref<80xi32, #tpu.memory_space<vmem>>) semaphore(%arg11 : memref<!tpu.dma_semaphore, #tpu.memory_space<semaphore_mem>>)
    %scan3A_16 = arith.constant 0 : i32
    %scan3A_17 = arith.constant 62 : i32
    %scan3A_18 = arith.addi %scan3A_16, %scan3A_17 : i32
    %scan3A_19 = arith.constant 1 : i32
    scf.for %scan3A_31 = %scan3A_16 to %scan3A_18 step %scan3A_19  : i32 {
      %mul3A_32 = arith.constant 2 : i32
      %mul3A_33 = arith.muli %scan3A_31, %mul3A_32 : i32
      %add3A_34 = arith.constant 0 : i32
      %add3A_35 = arith.addi %add3A_34, %mul3A_33 : i32
      %add3A_36 = arith.constant 1 : i32
      %add3A_37 = arith.addi %add3A_35, %add3A_36 : i32
      %mul3A_38 = arith.constant 80 : i32
      %mul3A_39 = arith.muli %add3A_37, %mul3A_38 : i32
      %dma_start3A_40 = tpu.memref_slice %arg7[%mul3A_39] : memref<10000xi32, #tpu.memory_space<vmem>> -> memref<80xi32, #tpu.memory_space<vmem>>
      %dma_start3A_41 = arith.constant 0 : i32
      %dma_start3A_42 = arith.constant 0 : i32
      %dma_start3A_43 = tpu.memref_slice %arg2[%dma_start3A_41, %dma_start3A_42] : memref<10240x128xf32, #tpu.memory_space<hbm>> -> memref<10240x128xf32, #tpu.memory_space<hbm>>
      tpu.enqueue_indirect_dma source(%dma_start3A_43 : memref<10240x128xf32, #tpu.memory_space<hbm>>) target(%arg10 : memref<80x128xf32, #tpu.memory_space<vmem>>) offsets(%dma_start3A_40 : memref<80xi32, #tpu.memory_space<vmem>>) semaphore(%arg12 : memref<!tpu.dma_semaphore, #tpu.memory_space<semaphore_mem>>)
      %dma_wait3A_44 = arith.constant 0 : i32
      %dma_wait3A_45 = tpu.memref_slice %arg7[%dma_wait3A_44] : memref<10000xi32, #tpu.memory_space<vmem>> -> memref<80xi32, #tpu.memory_space<vmem>>
      %dma_wait3A_46 = arith.constant 0 : i32
      %dma_wait3A_47 = arith.constant 0 : i32
      %dma_wait3A_48 = tpu.memref_slice %arg2[%dma_wait3A_46, %dma_wait3A_47] : memref<10240x128xf32, #tpu.memory_space<hbm>> -> memref<10240x128xf32, #tpu.memory_space<hbm>>
      tpu.wait_indirect_dma semaphore(%arg11 : memref<!tpu.dma_semaphore, #tpu.memory_space<semaphore_mem>>) src(%dma_wait3A_48 : memref<10240x128xf32, #tpu.memory_space<hbm>>) dst(%arg9 : memref<80x128xf32, #tpu.memory_space<vmem>>)
      "tpu.region"() ({
        %run_scoped3A_64 = tpu.sem_alloc : memref<!tpu.dma_semaphore, #tpu.memory_space<semaphore_mem>>
        %dma_start3A_65 = arith.constant 0 : i32
        %dma_start3A_66 = tpu.memref_slice %arg8[%add3A_35, %dma_start3A_65] : memref<125x80xi32, #tpu.memory_space<vmem>> -> memref<1x80xi32, #tpu.memory_space<vmem>>
        %dma_start3A_67 = tpu.memref_squeeze %dma_start3A_66 : memref<1x80xi32, #tpu.memory_space<vmem>> -> memref<80xi32, #tpu.memory_space<vmem>>
        %dma_start3A_68 = arith.constant 0 : i32
        %dma_start3A_69 = arith.constant 0 : i32
        %dma_start3A_70 = tpu.memref_slice %arg6[%dma_start3A_68, %dma_start3A_69] : memref<10240x128xf32, #tpu.memory_space<vmem_shared>> -> memref<10240x128xf32, #tpu.memory_space<vmem_shared>>
        tpu.enqueue_indirect_dma source(%arg9 : memref<80x128xf32, #tpu.memory_space<vmem>>) target(%dma_start3A_70 : memref<10240x128xf32, #tpu.memory_space<vmem_shared>>) offsets(%dma_start3A_67 : memref<80xi32, #tpu.memory_space<vmem>>) semaphore(%run_scoped3A_64 : memref<!tpu.dma_semaphore, #tpu.memory_space<semaphore_mem>>) {add = true}
        %dma_wait3A_71 = arith.constant 0 : i32
        %dma_wait3A_72 = tpu.memref_slice %arg8[%add3A_35, %dma_wait3A_71] : memref<125x80xi32, #tpu.memory_space<vmem>> -> memref<1x80xi32, #tpu.memory_space<vmem>>
        %dma_wait3A_73 = tpu.memref_squeeze %dma_wait3A_72 : memref<1x80xi32, #tpu.memory_space<vmem>> -> memref<80xi32, #tpu.memory_space<vmem>>
        %dma_wait3A_74 = arith.constant 0 : i32
        %dma_wait3A_75 = arith.constant 0 : i32
        %dma_wait3A_76 = tpu.memref_slice %arg6[%dma_wait3A_74, %dma_wait3A_75] : memref<10240x128xf32, #tpu.memory_space<vmem_shared>> -> memref<10240x128xf32, #tpu.memory_space<vmem_shared>>
        tpu.wait_indirect_dma semaphore(%run_scoped3A_64 : memref<!tpu.dma_semaphore, #tpu.memory_space<semaphore_mem>>) src(%arg9 : memref<80x128xf32, #tpu.memory_space<vmem>>) dst(%dma_wait3A_76 : memref<10240x128xf32, #tpu.memory_space<vmem_shared>>)
        tpu.yield
      }) : () -> ()
      %add3A_49 = arith.constant 2 : i32
      %add3A_50 = arith.addi %add3A_35, %add3A_49 : i32
      %mul3A_51 = arith.constant 80 : i32
      %mul3A_52 = arith.muli %add3A_50, %mul3A_51 : i32
      %dma_start3A_53 = tpu.memref_slice %arg7[%mul3A_52] : memref<10000xi32, #tpu.memory_space<vmem>> -> memref<80xi32, #tpu.memory_space<vmem>>
      %dma_start3A_54 = arith.constant 0 : i32
      %dma_start3A_55 = arith.constant 0 : i32
      %dma_start3A_56 = tpu.memref_slice %arg2[%dma_start3A_54, %dma_start3A_55] : memref<10240x128xf32, #tpu.memory_space<hbm>> -> memref<10240x128xf32, #tpu.memory_space<hbm>>
      tpu.enqueue_indirect_dma source(%dma_start3A_56 : memref<10240x128xf32, #tpu.memory_space<hbm>>) target(%arg9 : memref<80x128xf32, #tpu.memory_space<vmem>>) offsets(%dma_start3A_53 : memref<80xi32, #tpu.memory_space<vmem>>) semaphore(%arg11 : memref<!tpu.dma_semaphore, #tpu.memory_space<semaphore_mem>>)
      %dma_wait3A_57 = arith.constant 0 : i32
      %dma_wait3A_58 = tpu.memref_slice %arg7[%dma_wait3A_57] : memref<10000xi32, #tpu.memory_space<vmem>> -> memref<80xi32, #tpu.memory_space<vmem>>
      %dma_wait3A_59 = arith.constant 0 : i32
      %dma_wait3A_60 = arith.constant 0 : i32
      %dma_wait3A_61 = tpu.memref_slice %arg2[%dma_wait3A_59, %dma_wait3A_60] : memref<10240x128xf32, #tpu.memory_space<hbm>> -> memref<10240x128xf32, #tpu.memory_space<hbm>>
      tpu.wait_indirect_dma semaphore(%arg12 : memref<!tpu.dma_semaphore, #tpu.memory_space<semaphore_mem>>) src(%dma_wait3A_61 : memref<10240x128xf32, #tpu.memory_space<hbm>>) dst(%arg10 : memref<80x128xf32, #tpu.memory_space<vmem>>)
      %add3A_62 = arith.constant 1 : i32
      %add3A_63 = arith.addi %add3A_35, %add3A_62 : i32
      "tpu.region"() ({
        %run_scoped3A_64 = tpu.sem_alloc : memref<!tpu.dma_semaphore, #tpu.memory_space<semaphore_mem>>
        %dma_start3A_65 = arith.constant 0 : i32
        %dma_start3A_66 = tpu.memref_slice %arg8[%add3A_63, %dma_start3A_65] : memref<125x80xi32, #tpu.memory_space<vmem>> -> memref<1x80xi32, #tpu.memory_space<vmem>>
        %dma_start3A_67 = tpu.memref_squeeze %dma_start3A_66 : memref<1x80xi32, #tpu.memory_space<vmem>> -> memref<80xi32, #tpu.memory_space<vmem>>
        %dma_start3A_68 = arith.constant 0 : i32
        %dma_start3A_69 = arith.constant 0 : i32
        %dma_start3A_70 = tpu.memref_slice %arg6[%dma_start3A_68, %dma_start3A_69] : memref<10240x128xf32, #tpu.memory_space<vmem_shared>> -> memref<10240x128xf32, #tpu.memory_space<vmem_shared>>
        tpu.enqueue_indirect_dma source(%arg10 : memref<80x128xf32, #tpu.memory_space<vmem>>) target(%dma_start3A_70 : memref<10240x128xf32, #tpu.memory_space<vmem_shared>>) offsets(%dma_start3A_67 : memref<80xi32, #tpu.memory_space<vmem>>) semaphore(%run_scoped3A_64 : memref<!tpu.dma_semaphore, #tpu.memory_space<semaphore_mem>>) {add = true}
        %dma_wait3A_71 = arith.constant 0 : i32
        %dma_wait3A_72 = tpu.memref_slice %arg8[%add3A_63, %dma_wait3A_71] : memref<125x80xi32, #tpu.memory_space<vmem>> -> memref<1x80xi32, #tpu.memory_space<vmem>>
        %dma_wait3A_73 = tpu.memref_squeeze %dma_wait3A_72 : memref<1x80xi32, #tpu.memory_space<vmem>> -> memref<80xi32, #tpu.memory_space<vmem>>
        %dma_wait3A_74 = arith.constant 0 : i32
        %dma_wait3A_75 = arith.constant 0 : i32
        %dma_wait3A_76 = tpu.memref_slice %arg6[%dma_wait3A_74, %dma_wait3A_75] : memref<10240x128xf32, #tpu.memory_space<vmem_shared>> -> memref<10240x128xf32, #tpu.memory_space<vmem_shared>>
        tpu.wait_indirect_dma semaphore(%run_scoped3A_64 : memref<!tpu.dma_semaphore, #tpu.memory_space<semaphore_mem>>) src(%arg10 : memref<80x128xf32, #tpu.memory_space<vmem>>) dst(%dma_wait3A_76 : memref<10240x128xf32, #tpu.memory_space<vmem_shared>>)
        tpu.yield
      }) : () -> ()
    }
    %scan3A_20 = arith.constant 62 : i32
    %dma_wait3A = arith.constant 0 : i32
    %dma_wait3A_21 = tpu.memref_slice %arg7[%dma_wait3A] : memref<10000xi32, #tpu.memory_space<vmem>> -> memref<80xi32, #tpu.memory_space<vmem>>
    %dma_wait3A_22 = arith.constant 0 : i32
    %dma_wait3A_23 = arith.constant 0 : i32
    %dma_wait3A_24 = tpu.memref_slice %arg2[%dma_wait3A_22, %dma_wait3A_23] : memref<10240x128xf32, #tpu.memory_space<hbm>> -> memref<10240x128xf32, #tpu.memory_space<hbm>>
    tpu.wait_indirect_dma semaphore(%arg11 : memref<!tpu.dma_semaphore, #tpu.memory_space<semaphore_mem>>) src(%dma_wait3A_24 : memref<10240x128xf32, #tpu.memory_space<hbm>>) dst(%arg9 : memref<80x128xf32, #tpu.memory_space<vmem>>)
    %run_scoped3A = arith.constant 124 : i32
    "tpu.region"() ({
      %run_scoped3A_31 = tpu.sem_alloc : memref<!tpu.dma_semaphore, #tpu.memory_space<semaphore_mem>>
      %dma_start3A_32 = arith.constant 0 : i32
      %dma_start3A_33 = tpu.memref_slice %arg8[%run_scoped3A, %dma_start3A_32] : memref<125x80xi32, #tpu.memory_space<vmem>> -> memref<1x80xi32, #tpu.memory_space<vmem>>
      %dma_start3A_34 = tpu.memref_squeeze %dma_start3A_33 : memref<1x80xi32, #tpu.memory_space<vmem>> -> memref<80xi32, #tpu.memory_space<vmem>>
      %dma_start3A_35 = arith.constant 0 : i32
      %dma_start3A_36 = arith.constant 0 : i32
      %dma_start3A_37 = tpu.memref_slice %arg6[%dma_start3A_35, %dma_start3A_36] : memref<10240x128xf32, #tpu.memory_space<vmem_shared>> -> memref<10240x128xf32, #tpu.memory_space<vmem_shared>>
      tpu.enqueue_indirect_dma source(%arg9 : memref<80x128xf32, #tpu.memory_space<vmem>>) target(%dma_start3A_37 : memref<10240x128xf32, #tpu.memory_space<vmem_shared>>) offsets(%dma_start3A_34 : memref<80xi32, #tpu.memory_space<vmem>>) semaphore(%run_scoped3A_31 : memref<!tpu.dma_semaphore, #tpu.memory_space<semaphore_mem>>) {add = true}
      %dma_wait3A_38 = arith.constant 0 : i32
      %dma_wait3A_39 = tpu.memref_slice %arg8[%run_scoped3A, %dma_wait3A_38] : memref<125x80xi32, #tpu.memory_space<vmem>> -> memref<1x80xi32, #tpu.memory_space<vmem>>
      %dma_wait3A_40 = tpu.memref_squeeze %dma_wait3A_39 : memref<1x80xi32, #tpu.memory_space<vmem>> -> memref<80xi32, #tpu.memory_space<vmem>>
      %dma_wait3A_41 = arith.constant 0 : i32
      %dma_wait3A_42 = arith.constant 0 : i32
      %dma_wait3A_43 = tpu.memref_slice %arg6[%dma_wait3A_41, %dma_wait3A_42] : memref<10240x128xf32, #tpu.memory_space<vmem_shared>> -> memref<10240x128xf32, #tpu.memory_space<vmem_shared>>
      tpu.wait_indirect_dma semaphore(%run_scoped3A_31 : memref<!tpu.dma_semaphore, #tpu.memory_space<semaphore_mem>>) src(%arg9 : memref<80x128xf32, #tpu.memory_space<vmem>>) dst(%dma_wait3A_43 : memref<10240x128xf32, #tpu.memory_space<vmem_shared>>)
      tpu.yield
    }) : () -> ()
    %barrier3A_25 = arith.constant 0 : index
    tpu.barrier barrier_id(%barrier3A_25)
    %scan3A_26 = arith.constant 0 : i32
    %scan3A_27 = arith.constant 8 : i32
    %scan3A_28 = arith.addi %scan3A_26, %scan3A_27 : i32
    %scan3A_29 = arith.constant 1 : i32
    scf.for %scan3A_31 = %scan3A_26 to %scan3A_28 step %scan3A_29  : i32 {
      %mul3A_32 = arith.constant 1 : i32
      %mul3A_33 = arith.muli %scan3A_31, %mul3A_32 : i32
      %add3A_34 = arith.constant 0 : i32
      %add3A_35 = arith.addi %add3A_34, %mul3A_33 : i32
      %mul3A_36 = arith.constant 640 : i32
      %mul3A_37 = arith.muli %arg1, %mul3A_36 : i32
      %mul3A_38 = arith.constant 80 : i32
      %mul3A_39 = arith.muli %add3A_35, %mul3A_38 : i32
      %add3A_40 = arith.addi %mul3A_37, %mul3A_39 : i32
      %mul3A_41 = arith.constant 640 : i32
      %mul3A_42 = arith.muli %arg1, %mul3A_41 : i32
      %mul3A_43 = arith.constant 80 : i32
      %mul3A_44 = arith.muli %add3A_35, %mul3A_43 : i32
      %add3A_45 = arith.addi %mul3A_42, %mul3A_44 : i32
      "tpu.region"() ({
        %run_scoped3A_46 = tpu.sem_alloc : memref<!tpu.dma_semaphore, #tpu.memory_space<semaphore_mem>>
        %dma_start3A_47 = arith.constant 0 : i32
        %dma_start3A_48 = arith.constant 0 : i32
        %dma_start3A_49 = tpu.memref_slice %arg5[%arg0, %dma_start3A_47, %dma_start3A_48] : memref<2x10240x128xf32, #tpu.memory_space<hbm>> -> memref<1x10240x128xf32, #tpu.memory_space<hbm>>
        %dma_start3A_50 = tpu.memref_squeeze %dma_start3A_49 : memref<1x10240x128xf32, #tpu.memory_space<hbm>> -> memref<10240x128xf32, #tpu.memory_space<hbm>>
        %dma_start3A_51 = arith.constant 0 : i32
        %dma_start3A_52 = tpu.memref_slice %dma_start3A_50[%add3A_45, %dma_start3A_51] : memref<10240x128xf32, #tpu.memory_space<hbm>> -> memref<80x128xf32, #tpu.memory_space<hbm>>
        %dma_start3A_53 = arith.constant 0 : i32
        %dma_start3A_54 = tpu.memref_slice %arg6[%add3A_40, %dma_start3A_53] : memref<10240x128xf32, #tpu.memory_space<vmem_shared>> -> memref<80x128xf32, #tpu.memory_space<vmem_shared>>
        tpu.enqueue_dma source(%dma_start3A_54 : memref<80x128xf32, #tpu.memory_space<vmem_shared>>) target(%dma_start3A_52 : memref<80x128xf32, #tpu.memory_space<hbm>>) target_semaphore(%run_scoped3A_46 : memref<!tpu.dma_semaphore, #tpu.memory_space<semaphore_mem>>)
        %dma_wait3A_55 = arith.constant 0 : i32
        %dma_wait3A_56 = arith.constant 0 : i32
        %dma_wait3A_57 = tpu.memref_slice %arg5[%arg0, %dma_wait3A_55, %dma_wait3A_56] : memref<2x10240x128xf32, #tpu.memory_space<hbm>> -> memref<1x10240x128xf32, #tpu.memory_space<hbm>>
        %dma_wait3A_58 = tpu.memref_squeeze %dma_wait3A_57 : memref<1x10240x128xf32, #tpu.memory_space<hbm>> -> memref<10240x128xf32, #tpu.memory_space<hbm>>
        %dma_wait3A_59 = arith.constant 0 : i32
        %dma_wait3A_60 = tpu.memref_slice %dma_wait3A_58[%add3A_45, %dma_wait3A_59] : memref<10240x128xf32, #tpu.memory_space<hbm>> -> memref<80x128xf32, #tpu.memory_space<hbm>>
        %dma_wait3A_61 = arith.constant 0 : i32
        %dma_wait3A_62 = tpu.memref_slice %arg6[%add3A_40, %dma_wait3A_61] : memref<10240x128xf32, #tpu.memory_space<vmem_shared>> -> memref<80x128xf32, #tpu.memory_space<vmem_shared>>
        tpu.wait_dma2 semaphore(%run_scoped3A_46 : memref<!tpu.dma_semaphore, #tpu.memory_space<semaphore_mem>>) src(%dma_wait3A_62 : memref<80x128xf32, #tpu.memory_space<vmem_shared>>) dst(%dma_wait3A_60 : memref<80x128xf32, #tpu.memory_space<hbm>>)
        tpu.yield
      }) : () -> ()
    }
    %scan3A_30 = arith.constant 8 : i32
    return
  }
}

#map = affine_map<(d0, d1) -> (0, 0, 0)>
#map1 = affine_map<(d0, d1) -> (0)>
module attributes {stable_mosaic.version = 14 : i64} {
  func.func @_sc_degree(%arg0: i32, %arg1: i32, %arg2: memref<32x125x80xi32, #tpu.memory_space<hbm>>, %arg3: memref<10240xf32, #tpu.memory_space<hbm>>, %arg4: memref<10240xf32, #tpu.memory_space<hbm>>, %arg5: memref<10240xf32, #tpu.memory_space<vmem_shared>>, %arg6: memref<125x80xi32, #tpu.memory_space<vmem>>, %arg7: memref<128xf32, #tpu.memory_space<vmem>>, %arg8: memref<640xf32, #tpu.memory_space<vmem>>) attributes {dimension_semantics = [#tpu.dimension_semantics<core_parallel>, #tpu.dimension_semantics<subcore_parallel>], iteration_bounds = array<i64: 2, 16>, scalar_prefetch = 0 : i64, scratch_operands = 4 : i64, tpu.core_type = #tpu.core_type<sc_vector_subcore>, window_params = [{transform_indices = #map}, {transform_indices = #map1}, {transform_indices = #map1}]} {
    %mul3A = arith.constant 2 : i32
    %mul3A_0 = arith.muli %arg1, %mul3A : i32
    %add3A = arith.addi %mul3A_0, %arg0 : i32
    %scan3A = arith.constant 0 : i32
    %scan3A_1 = arith.constant 40 : i32
    %scan3A_2 = arith.addi %scan3A, %scan3A_1 : i32
    %scan3A_3 = arith.constant 1 : i32
    scf.for %scan3A_25 = %scan3A to %scan3A_2 step %scan3A_3  : i32 {
      %mul3A_26 = arith.constant 1 : i32
      %mul3A_27 = arith.muli %scan3A_25, %mul3A_26 : i32
      %add3A_28 = arith.constant 0 : i32
      %add3A_29 = arith.addi %add3A_28, %mul3A_27 : i32
      %broadcast_in_dim3A = arith.constant 0.000000e+00 : f32
      %broadcast_in_dim3A_30 = vector.broadcast %broadcast_in_dim3A : f32 to vector<16xf32>
      %mul3A_31 = arith.constant 16 : i32
      %mul3A_32 = arith.muli %add3A_29, %mul3A_31 : i32
      %swap3A = arith.index_cast %mul3A_32 : i32 to index
      %swap3A_33 = tpu.vector_load %arg8[%swap3A] {strides = array<i32>} : memref<640xf32, #tpu.memory_space<vmem>>, vector<16xf32>,
      %swap3A_34 = vector.shape_cast %swap3A_33 : vector<16xf32> to vector<16xf32>
      %swap3A_35 = vector.shape_cast %broadcast_in_dim3A_30 : vector<16xf32> to vector<16xf32>
      tpu.vector_store %arg8[%swap3A], %swap3A_35 {strides = array<i32>} : memref<640xf32, #tpu.memory_space<vmem>>, vector<16xf32>,
    }
    %scan3A_4 = arith.constant 40 : i32
    %scan3A_5 = arith.constant 0 : i32
    %scan3A_6 = arith.constant 8 : i32
    %scan3A_7 = arith.addi %scan3A_5, %scan3A_6 : i32
    %scan3A_8 = arith.constant 1 : i32
    scf.for %scan3A_25 = %scan3A_5 to %scan3A_7 step %scan3A_8  : i32 {
      %mul3A_26 = arith.constant 1 : i32
      %mul3A_27 = arith.muli %scan3A_25, %mul3A_26 : i32
      %add3A_28 = arith.constant 0 : i32
      %add3A_29 = arith.addi %add3A_28, %mul3A_27 : i32
      %broadcast_in_dim3A = arith.constant 1.000000e+00 : f32
      %broadcast_in_dim3A_30 = vector.broadcast %broadcast_in_dim3A : f32 to vector<16xf32>
      %mul3A_31 = arith.constant 16 : i32
      %mul3A_32 = arith.muli %add3A_29, %mul3A_31 : i32
      %swap3A = arith.index_cast %mul3A_32 : i32 to index
      %swap3A_33 = tpu.vector_load %arg7[%swap3A] {strides = array<i32>} : memref<128xf32, #tpu.memory_space<vmem>>, vector<16xf32>,
      %swap3A_34 = vector.shape_cast %swap3A_33 : vector<16xf32> to vector<16xf32>
      %swap3A_35 = vector.shape_cast %broadcast_in_dim3A_30 : vector<16xf32> to vector<16xf32>
      tpu.vector_store %arg7[%swap3A], %swap3A_35 {strides = array<i32>} : memref<128xf32, #tpu.memory_space<vmem>>, vector<16xf32>,
    }
    %scan3A_9 = arith.constant 8 : i32
    %mul3A_10 = arith.constant 640 : i32
    %mul3A_11 = arith.muli %arg1, %mul3A_10 : i32
    "tpu.region"() ({
      %run_scoped3A = tpu.sem_alloc : memref<!tpu.dma_semaphore, #tpu.memory_space<semaphore_mem>>
      %dma_start3A = tpu.memref_slice %arg5[%mul3A_11] : memref<10240xf32, #tpu.memory_space<vmem_shared>> -> memref<640xf32, #tpu.memory_space<vmem_shared>>
      %dma_start3A_25 = tpu.memref_slice %arg5[%mul3A_11] : memref<10240xf32, #tpu.memory_space<vmem_shared>> -> memref<640xf32, #tpu.memory_space<vmem_shared>>
      tpu.enqueue_dma source(%arg8 : memref<640xf32, #tpu.memory_space<vmem>>) target(%dma_start3A_25 : memref<640xf32, #tpu.memory_space<vmem_shared>>) target_semaphore(%run_scoped3A : memref<!tpu.dma_semaphore, #tpu.memory_space<semaphore_mem>>)
      %dma_wait3A = tpu.memref_slice %arg5[%mul3A_11] : memref<10240xf32, #tpu.memory_space<vmem_shared>> -> memref<640xf32, #tpu.memory_space<vmem_shared>>
      %dma_wait3A_26 = tpu.memref_slice %arg5[%mul3A_11] : memref<10240xf32, #tpu.memory_space<vmem_shared>> -> memref<640xf32, #tpu.memory_space<vmem_shared>>
      tpu.wait_dma2 semaphore(%run_scoped3A : memref<!tpu.dma_semaphore, #tpu.memory_space<semaphore_mem>>) src(%arg8 : memref<640xf32, #tpu.memory_space<vmem>>) dst(%dma_wait3A_26 : memref<640xf32, #tpu.memory_space<vmem_shared>>)
      tpu.yield
    }) : () -> ()
    %barrier3A = arith.constant 0 : index
    tpu.barrier barrier_id(%barrier3A)
    "tpu.region"() ({
      %run_scoped3A = tpu.sem_alloc : memref<!tpu.dma_semaphore, #tpu.memory_space<semaphore_mem>>
      %dma_start3A = arith.constant 0 : i32
      %dma_start3A_25 = arith.constant 0 : i32
      %dma_start3A_26 = tpu.memref_slice %arg2[%add3A, %dma_start3A, %dma_start3A_25] : memref<32x125x80xi32, #tpu.memory_space<hbm>> -> memref<1x125x80xi32, #tpu.memory_space<hbm>>
      %dma_start3A_27 = tpu.memref_squeeze %dma_start3A_26 : memref<1x125x80xi32, #tpu.memory_space<hbm>> -> memref<125x80xi32, #tpu.memory_space<hbm>>
      %dma_start3A_28 = arith.constant 0 : i32
      %dma_start3A_29 = arith.constant 0 : i32
      %dma_start3A_30 = tpu.memref_slice %arg2[%add3A, %dma_start3A_28, %dma_start3A_29] : memref<32x125x80xi32, #tpu.memory_space<hbm>> -> memref<1x125x80xi32, #tpu.memory_space<hbm>>
      %dma_start3A_31 = tpu.memref_squeeze %dma_start3A_30 : memref<1x125x80xi32, #tpu.memory_space<hbm>> -> memref<125x80xi32, #tpu.memory_space<hbm>>
      tpu.enqueue_dma source(%dma_start3A_31 : memref<125x80xi32, #tpu.memory_space<hbm>>) target(%arg6 : memref<125x80xi32, #tpu.memory_space<vmem>>) target_semaphore(%run_scoped3A : memref<!tpu.dma_semaphore, #tpu.memory_space<semaphore_mem>>)
      %dma_wait3A = arith.constant 0 : i32
      %dma_wait3A_32 = arith.constant 0 : i32
      %dma_wait3A_33 = tpu.memref_slice %arg2[%add3A, %dma_wait3A, %dma_wait3A_32] : memref<32x125x80xi32, #tpu.memory_space<hbm>> -> memref<1x125x80xi32, #tpu.memory_space<hbm>>
      %dma_wait3A_34 = tpu.memref_squeeze %dma_wait3A_33 : memref<1x125x80xi32, #tpu.memory_space<hbm>> -> memref<125x80xi32, #tpu.memory_space<hbm>>
      %dma_wait3A_35 = arith.constant 0 : i32
      %dma_wait3A_36 = arith.constant 0 : i32
      %dma_wait3A_37 = tpu.memref_slice %arg2[%add3A, %dma_wait3A_35, %dma_wait3A_36] : memref<32x125x80xi32, #tpu.memory_space<hbm>> -> memref<1x125x80xi32, #tpu.memory_space<hbm>>
      %dma_wait3A_38 = tpu.memref_squeeze %dma_wait3A_37 : memref<1x125x80xi32, #tpu.memory_space<hbm>> -> memref<125x80xi32, #tpu.memory_space<hbm>>
      tpu.wait_dma2 semaphore(%run_scoped3A : memref<!tpu.dma_semaphore, #tpu.memory_space<semaphore_mem>>) src(%dma_wait3A_38 : memref<125x80xi32, #tpu.memory_space<hbm>>) dst(%arg6 : memref<125x80xi32, #tpu.memory_space<vmem>>)
      tpu.yield
    }) : () -> ()
    %scan3A_12 = arith.constant 0 : i32
    %scan3A_13 = arith.constant 125 : i32
    %scan3A_14 = arith.addi %scan3A_12, %scan3A_13 : i32
    %scan3A_15 = arith.constant 1 : i32
    scf.for %scan3A_25 = %scan3A_12 to %scan3A_14 step %scan3A_15  : i32 {
      %mul3A_26 = arith.constant 1 : i32
      %mul3A_27 = arith.muli %scan3A_25, %mul3A_26 : i32
      %add3A_28 = arith.constant 0 : i32
      %add3A_29 = arith.addi %add3A_28, %mul3A_27 : i32
      "tpu.region"() ({
        %run_scoped3A = tpu.sem_alloc : memref<!tpu.dma_semaphore, #tpu.memory_space<semaphore_mem>>
        %dma_start3A = arith.constant 0 : i32
        %dma_start3A_30 = tpu.memref_slice %arg7[%dma_start3A] : memref<128xf32, #tpu.memory_space<vmem>> -> memref<80xf32, #tpu.memory_space<vmem>>
        %dma_start3A_31 = arith.constant 0 : i32
        %dma_start3A_32 = tpu.memref_slice %arg6[%add3A_29, %dma_start3A_31] : memref<125x80xi32, #tpu.memory_space<vmem>> -> memref<1x80xi32, #tpu.memory_space<vmem>>
        %dma_start3A_33 = tpu.memref_squeeze %dma_start3A_32 : memref<1x80xi32, #tpu.memory_space<vmem>> -> memref<80xi32, #tpu.memory_space<vmem>>
        %dma_start3A_34 = arith.constant 0 : i32
        %dma_start3A_35 = tpu.memref_slice %arg5[%dma_start3A_34] : memref<10240xf32, #tpu.memory_space<vmem_shared>> -> memref<10240xf32, #tpu.memory_space<vmem_shared>>
        tpu.enqueue_indirect_dma source(%dma_start3A_30 : memref<80xf32, #tpu.memory_space<vmem>>) target(%dma_start3A_35 : memref<10240xf32, #tpu.memory_space<vmem_shared>>) offsets(%dma_start3A_33 : memref<80xi32, #tpu.memory_space<vmem>>) semaphore(%run_scoped3A : memref<!tpu.dma_semaphore, #tpu.memory_space<semaphore_mem>>) {add = true}
        %dma_wait3A = arith.constant 0 : i32
        %dma_wait3A_36 = tpu.memref_slice %arg7[%dma_wait3A] : memref<128xf32, #tpu.memory_space<vmem>> -> memref<80xf32, #tpu.memory_space<vmem>>
        %dma_wait3A_37 = arith.constant 0 : i32
        %dma_wait3A_38 = tpu.memref_slice %arg6[%add3A_29, %dma_wait3A_37] : memref<125x80xi32, #tpu.memory_space<vmem>> -> memref<1x80xi32, #tpu.memory_space<vmem>>
        %dma_wait3A_39 = tpu.memref_squeeze %dma_wait3A_38 : memref<1x80xi32, #tpu.memory_space<vmem>> -> memref<80xi32, #tpu.memory_space<vmem>>
        %dma_wait3A_40 = arith.constant 0 : i32
        %dma_wait3A_41 = tpu.memref_slice %arg5[%dma_wait3A_40] : memref<10240xf32, #tpu.memory_space<vmem_shared>> -> memref<10240xf32, #tpu.memory_space<vmem_shared>>
        tpu.wait_indirect_dma semaphore(%run_scoped3A : memref<!tpu.dma_semaphore, #tpu.memory_space<semaphore_mem>>) src(%dma_wait3A_36 : memref<80xf32, #tpu.memory_space<vmem>>) dst(%dma_wait3A_41 : memref<10240xf32, #tpu.memory_space<vmem_shared>>)
        tpu.yield
      }) : () -> ()
    }
    %scan3A_16 = arith.constant 125 : i32
    %barrier3A_17 = arith.constant 0 : index
    tpu.barrier barrier_id(%barrier3A_17)
    %eq3A = arith.constant 0 : i32
    %eq3A_18 = arith.cmpi eq, %arg0, %eq3A : i32
    %convert_element_type3A = arith.extui %eq3A_18 : i1 to i32
    %cond3A = arith.constant 0 : i32
    %cond3A_19 = arith.cmpi ne, %convert_element_type3A, %cond3A : i32
    scf.if %cond3A_19 {
      %mul3A_25 = arith.constant 640 : i32
      %mul3A_26 = arith.muli %arg1, %mul3A_25 : i32
      %mul3A_27 = arith.constant 640 : i32
      %mul3A_28 = arith.muli %arg1, %mul3A_27 : i32
      "tpu.region"() ({
        %run_scoped3A = tpu.sem_alloc : memref<!tpu.dma_semaphore, #tpu.memory_space<semaphore_mem>>
        %dma_start3A = tpu.memref_slice %arg3[%mul3A_28] : memref<10240xf32, #tpu.memory_space<hbm>> -> memref<640xf32, #tpu.memory_space<hbm>>
        %dma_start3A_29 = tpu.memref_slice %arg5[%mul3A_26] : memref<10240xf32, #tpu.memory_space<vmem_shared>> -> memref<640xf32, #tpu.memory_space<vmem_shared>>
        tpu.enqueue_dma source(%dma_start3A_29 : memref<640xf32, #tpu.memory_space<vmem_shared>>) target(%dma_start3A : memref<640xf32, #tpu.memory_space<hbm>>) target_semaphore(%run_scoped3A : memref<!tpu.dma_semaphore, #tpu.memory_space<semaphore_mem>>)
        %dma_wait3A = tpu.memref_slice %arg3[%mul3A_28] : memref<10240xf32, #tpu.memory_space<hbm>> -> memref<640xf32, #tpu.memory_space<hbm>>
        %dma_wait3A_30 = tpu.memref_slice %arg5[%mul3A_26] : memref<10240xf32, #tpu.memory_space<vmem_shared>> -> memref<640xf32, #tpu.memory_space<vmem_shared>>
        tpu.wait_dma2 semaphore(%run_scoped3A : memref<!tpu.dma_semaphore, #tpu.memory_space<semaphore_mem>>) src(%dma_wait3A_30 : memref<640xf32, #tpu.memory_space<vmem_shared>>) dst(%dma_wait3A : memref<640xf32, #tpu.memory_space<hbm>>)
        tpu.yield
      }) : () -> ()
    } else {
    }
    %eq3A_20 = arith.constant 1 : i32
    %eq3A_21 = arith.cmpi eq, %arg0, %eq3A_20 : i32
    %convert_element_type3A_22 = arith.extui %eq3A_21 : i1 to i32
    %cond3A_23 = arith.constant 0 : i32
    %cond3A_24 = arith.cmpi ne, %convert_element_type3A_22, %cond3A_23 : i32
    scf.if %cond3A_24 {
      %mul3A_25 = arith.constant 640 : i32
      %mul3A_26 = arith.muli %arg1, %mul3A_25 : i32
      %mul3A_27 = arith.constant 640 : i32
      %mul3A_28 = arith.muli %arg1, %mul3A_27 : i32
      "tpu.region"() ({
        %run_scoped3A = tpu.sem_alloc : memref<!tpu.dma_semaphore, #tpu.memory_space<semaphore_mem>>
        %dma_start3A = tpu.memref_slice %arg4[%mul3A_28] : memref<10240xf32, #tpu.memory_space<hbm>> -> memref<640xf32, #tpu.memory_space<hbm>>
        %dma_start3A_29 = tpu.memref_slice %arg5[%mul3A_26] : memref<10240xf32, #tpu.memory_space<vmem_shared>> -> memref<640xf32, #tpu.memory_space<vmem_shared>>
        tpu.enqueue_dma source(%dma_start3A_29 : memref<640xf32, #tpu.memory_space<vmem_shared>>) target(%dma_start3A : memref<640xf32, #tpu.memory_space<hbm>>) target_semaphore(%run_scoped3A : memref<!tpu.dma_semaphore, #tpu.memory_space<semaphore_mem>>)
        %dma_wait3A = tpu.memref_slice %arg4[%mul3A_28] : memref<10240xf32, #tpu.memory_space<hbm>> -> memref<640xf32, #tpu.memory_space<hbm>>
        %dma_wait3A_30 = tpu.memref_slice %arg5[%mul3A_26] : memref<10240xf32, #tpu.memory_space<vmem_shared>> -> memref<640xf32, #tpu.memory_space<vmem_shared>>
        tpu.wait_dma2 semaphore(%run_scoped3A : memref<!tpu.dma_semaphore, #tpu.memory_space<semaphore_mem>>) src(%dma_wait3A_30 : memref<640xf32, #tpu.memory_space<vmem_shared>>) dst(%dma_wait3A : memref<640xf32, #tpu.memory_space<hbm>>)
        tpu.yield
      }) : () -> ()
    } else {
    }
    return
  }
}

#map = affine_map<(d0, d1) -> (0, 0)>
#map1 = affine_map<(d0, d1) -> (0)>
#map2 = affine_map<(d0, d1) -> (0, 0, 0)>
module attributes {stable_mosaic.version = 14 : i64} {
  func.func @_sc_aggregate(%arg0: i32, %arg1: i32, %arg2: memref<10240x128xf32, #tpu.memory_space<hbm>>, %arg3: memref<320000xi32, #tpu.memory_space<hbm>>, %arg4: memref<32x125x80xi32, #tpu.memory_space<hbm>>, %arg5: memref<2x10240x128xf32, #tpu.memory_space<hbm>>, %arg6: memref<10240x128xf32, #tpu.memory_space<vmem_shared>>, %arg7: memref<10000xi32, #tpu.memory_space<vmem>>, %arg8: memref<125x80xi32, #tpu.memory_space<vmem>>, %arg9: memref<80x128xf32, #tpu.memory_space<vmem>>, %arg10: memref<80x128xf32, #tpu.memory_space<vmem>>, %arg11: memref<!tpu.dma_semaphore, #tpu.memory_space<semaphore_mem>>, %arg12: memref<!tpu.dma_semaphore, #tpu.memory_space<semaphore_mem>>) attributes {dimension_semantics = [#tpu.dimension_semantics<core_parallel>, #tpu.dimension_semantics<subcore_parallel>], iteration_bounds = array<i64: 2, 16>, scalar_prefetch = 0 : i64, scratch_operands = 7 : i64, tpu.core_type = #tpu.core_type<sc_vector_subcore>, window_params = [{transform_indices = #map}, {transform_indices = #map1}, {transform_indices = #map2}, {transform_indices = #map2}]} {
    %mul3A = arith.constant 2 : i32
    %mul3A_0 = arith.muli %arg1, %mul3A : i32
    %add3A = arith.addi %mul3A_0, %arg0 : i32
    %scan3A = arith.constant 0 : i32
    %scan3A_1 = arith.constant 640 : i32
    %scan3A_2 = arith.addi %scan3A, %scan3A_1 : i32
    %scan3A_3 = arith.constant 1 : i32
    scf.for %scan3A_31 = %scan3A to %scan3A_2 step %scan3A_3  : i32 {
      %mul3A_32 = arith.constant 1 : i32
      %mul3A_33 = arith.muli %scan3A_31, %mul3A_32 : i32
      %add3A_34 = arith.constant 0 : i32
      %add3A_35 = arith.addi %add3A_34, %mul3A_33 : i32
      %jit3A = arith.constant 8 : i32
      %div3A = arith.divsi %add3A_35, %jit3A : i32
      %sign3A = arith.constant 0 : i32
      %sign3A_36 = arith.cmpi sgt, %add3A_35, %sign3A : i32
      %sign3A_37 = arith.extui %sign3A_36 : i1 to i32
      %sign3A_38 = arith.constant 0 : i32
      %sign3A_39 = arith.cmpi slt, %add3A_35, %sign3A_38 : i32
      %sign3A_40 = arith.extui %sign3A_39 : i1 to i32
      %sign3A_41 = arith.subi %sign3A_37, %sign3A_40 : i32
      %sign3A_42 = arith.constant 0 : i32
      %sign3A_43 = arith.cmpi sgt, %jit3A, %sign3A_42 : i32
      %sign3A_44 = arith.extui %sign3A_43 : i1 to i32
      %sign3A_45 = arith.constant 0 : i32
      %sign3A_46 = arith.cmpi slt, %jit3A, %sign3A_45 : i32
      %sign3A_47 = arith.extui %sign3A_46 : i1 to i32
      %sign3A_48 = arith.subi %sign3A_44, %sign3A_47 : i32
      %ne3A = arith.cmpi ne, %sign3A_41, %sign3A_48 : i32
      %rem3A = arith.remsi %add3A_35, %jit3A : i32
      %ne3A_49 = arith.constant 0 : i32
      %ne3A_50 = arith.cmpi ne, %rem3A, %ne3A_49 : i32
      %and3A = arith.andi %ne3A, %ne3A_50 : i1
      %sub3A = arith.constant 1 : i32
      %sub3A_51 = arith.subi %div3A, %sub3A : i32
      %select_n3A = arith.select %and3A, %sub3A_51, %div3A : i32
      %jit3A_52 = arith.constant 8 : i32
      %eq3A = arith.constant 0 : i32
      %eq3A_53 = arith.cmpi eq, %jit3A_52, %eq3A : i32
      %jit3A_54 = arith.constant 1 : i32
      %select_n3A_55 = arith.select %eq3A_53, %jit3A_54, %jit3A_52 : i32
      %rem3A_56 = arith.remsi %add3A_35, %select_n3A_55 : i32
      %ne3A_57 = arith.constant 0 : i32
      %ne3A_58 = arith.cmpi ne, %rem3A_56, %ne3A_57 : i32
      %lt3A = arith.constant 0 : i32
      %lt3A_59 = arith.cmpi slt, %rem3A_56, %lt3A : i32
      %lt3A_60 = arith.constant 0 : i32
      %lt3A_61 = arith.cmpi slt, %select_n3A_55, %lt3A_60 : i32
      %ne3A_62 = arith.xori %lt3A_59, %lt3A_61 : i1
      %and3A_63 = arith.andi %ne3A_62, %ne3A_58 : i1
      %add3A_64 = arith.addi %rem3A_56, %select_n3A_55 : i32
      %select_n3A_65 = arith.select %and3A_63, %add3A_64, %rem3A_56 : i32
      %broadcast_in_dim3A = arith.constant 0.000000e+00 : f32
      %broadcast_in_dim3A_66 = vector.broadcast %broadcast_in_dim3A : f32 to vector<16xf32>
      %mul3A_67 = arith.constant 16 : i32
      %mul3A_68 = arith.muli %select_n3A_65, %mul3A_67 : i32
      %swap3A = arith.index_cast %select_n3A : i32 to index
      %swap3A_69 = arith.index_cast %mul3A_68 : i32 to index
      %swap3A_70 = tpu.vector_load %arg9[%swap3A, %swap3A_69] {strides = array<i32>} : memref<80x128xf32, #tpu.memory_space<vmem>>, vector<1x16xf32>,
      %swap3A_71 = vector.shape_cast %swap3A_70 : vector<1x16xf32> to vector<16xf32>
      %swap3A_72 = vector.shape_cast %broadcast_in_dim3A_66 : vector<16xf32> to vector<1x16xf32>
      tpu.vector_store %arg9[%swap3A, %swap3A_69], %swap3A_72 {strides = array<i32>} : memref<80x128xf32, #tpu.memory_space<vmem>>, vector<1x16xf32>,
    }
    %scan3A_4 = arith.constant 640 : i32
    %scan3A_5 = arith.constant 0 : i32
    %scan3A_6 = arith.constant 8 : i32
    %scan3A_7 = arith.addi %scan3A_5, %scan3A_6 : i32
    %scan3A_8 = arith.constant 1 : i32
    scf.for %scan3A_31 = %scan3A_5 to %scan3A_7 step %scan3A_8  : i32 {
      %mul3A_32 = arith.constant 1 : i32
      %mul3A_33 = arith.muli %scan3A_31, %mul3A_32 : i32
      %add3A_34 = arith.constant 0 : i32
      %add3A_35 = arith.addi %add3A_34, %mul3A_33 : i32
      %mul3A_36 = arith.constant 640 : i32
      %mul3A_37 = arith.muli %arg1, %mul3A_36 : i32
      %mul3A_38 = arith.constant 80 : i32
      %mul3A_39 = arith.muli %add3A_35, %mul3A_38 : i32
      %add3A_40 = arith.addi %mul3A_37, %mul3A_39 : i32
      "tpu.region"() ({
        %run_scoped3A_41 = tpu.sem_alloc : memref<!tpu.dma_semaphore, #tpu.memory_space<semaphore_mem>>
        %dma_start3A_42 = arith.constant 0 : i32
        %dma_start3A_43 = arith.constant 0 : i32
        %dma_start3A_44 = tpu.memref_slice %arg9[%dma_start3A_42, %dma_start3A_43] : memref<80x128xf32, #tpu.memory_space<vmem>> -> memref<80x128xf32, #tpu.memory_space<vmem>>
        %dma_start3A_45 = arith.constant 0 : i32
        %dma_start3A_46 = tpu.memref_slice %arg6[%add3A_40, %dma_start3A_45] : memref<10240x128xf32, #tpu.memory_space<vmem_shared>> -> memref<80x128xf32, #tpu.memory_space<vmem_shared>>
        %dma_start3A_47 = arith.constant 0 : i32
        %dma_start3A_48 = tpu.memref_slice %arg6[%add3A_40, %dma_start3A_47] : memref<10240x128xf32, #tpu.memory_space<vmem_shared>> -> memref<80x128xf32, #tpu.memory_space<vmem_shared>>
        %dma_start3A_49 = arith.constant 0 : i32
        %dma_start3A_50 = arith.constant 0 : i32
        %dma_start3A_51 = tpu.memref_slice %arg9[%dma_start3A_49, %dma_start3A_50] : memref<80x128xf32, #tpu.memory_space<vmem>> -> memref<80x128xf32, #tpu.memory_space<vmem>>
        tpu.enqueue_dma source(%dma_start3A_51 : memref<80x128xf32, #tpu.memory_space<vmem>>) target(%dma_start3A_48 : memref<80x128xf32, #tpu.memory_space<vmem_shared>>) target_semaphore(%run_scoped3A_41 : memref<!tpu.dma_semaphore, #tpu.memory_space<semaphore_mem>>)
        %dma_wait3A_52 = arith.constant 0 : i32
        %dma_wait3A_53 = arith.constant 0 : i32
        %dma_wait3A_54 = tpu.memref_slice %arg9[%dma_wait3A_52, %dma_wait3A_53] : memref<80x128xf32, #tpu.memory_space<vmem>> -> memref<80x128xf32, #tpu.memory_space<vmem>>
        %dma_wait3A_55 = arith.constant 0 : i32
        %dma_wait3A_56 = tpu.memref_slice %arg6[%add3A_40, %dma_wait3A_55] : memref<10240x128xf32, #tpu.memory_space<vmem_shared>> -> memref<80x128xf32, #tpu.memory_space<vmem_shared>>
        %dma_wait3A_57 = arith.constant 0 : i32
        %dma_wait3A_58 = tpu.memref_slice %arg6[%add3A_40, %dma_wait3A_57] : memref<10240x128xf32, #tpu.memory_space<vmem_shared>> -> memref<80x128xf32, #tpu.memory_space<vmem_shared>>
        %dma_wait3A_59 = arith.constant 0 : i32
        %dma_wait3A_60 = arith.constant 0 : i32
        %dma_wait3A_61 = tpu.memref_slice %arg9[%dma_wait3A_59, %dma_wait3A_60] : memref<80x128xf32, #tpu.memory_space<vmem>> -> memref<80x128xf32, #tpu.memory_space<vmem>>
        tpu.wait_dma2 semaphore(%run_scoped3A_41 : memref<!tpu.dma_semaphore, #tpu.memory_space<semaphore_mem>>) src(%dma_wait3A_61 : memref<80x128xf32, #tpu.memory_space<vmem>>) dst(%dma_wait3A_58 : memref<80x128xf32, #tpu.memory_space<vmem_shared>>)
        tpu.yield
      }) : () -> ()
    }
    %scan3A_9 = arith.constant 8 : i32
    %barrier3A = arith.constant 0 : index
    tpu.barrier barrier_id(%barrier3A)
    %mul3A_10 = arith.constant 10000 : i32
    %mul3A_11 = arith.muli %add3A, %mul3A_10 : i32
    "tpu.region"() ({
      %run_scoped3A_31 = tpu.sem_alloc : memref<!tpu.dma_semaphore, #tpu.memory_space<semaphore_mem>>
      %dma_start3A_32 = tpu.memref_slice %arg3[%mul3A_11] : memref<320000xi32, #tpu.memory_space<hbm>> -> memref<10000xi32, #tpu.memory_space<hbm>>
      %dma_start3A_33 = tpu.memref_slice %arg3[%mul3A_11] : memref<320000xi32, #tpu.memory_space<hbm>> -> memref<10000xi32, #tpu.memory_space<hbm>>
      tpu.enqueue_dma source(%dma_start3A_33 : memref<10000xi32, #tpu.memory_space<hbm>>) target(%arg7 : memref<10000xi32, #tpu.memory_space<vmem>>) target_semaphore(%run_scoped3A_31 : memref<!tpu.dma_semaphore, #tpu.memory_space<semaphore_mem>>)
      %dma_wait3A_34 = tpu.memref_slice %arg3[%mul3A_11] : memref<320000xi32, #tpu.memory_space<hbm>> -> memref<10000xi32, #tpu.memory_space<hbm>>
      %dma_wait3A_35 = tpu.memref_slice %arg3[%mul3A_11] : memref<320000xi32, #tpu.memory_space<hbm>> -> memref<10000xi32, #tpu.memory_space<hbm>>
      tpu.wait_dma2 semaphore(%run_scoped3A_31 : memref<!tpu.dma_semaphore, #tpu.memory_space<semaphore_mem>>) src(%dma_wait3A_35 : memref<10000xi32, #tpu.memory_space<hbm>>) dst(%arg7 : memref<10000xi32, #tpu.memory_space<vmem>>)
      tpu.yield
    }) : () -> ()
    "tpu.region"() ({
      %run_scoped3A_31 = tpu.sem_alloc : memref<!tpu.dma_semaphore, #tpu.memory_space<semaphore_mem>>
      %dma_start3A_32 = arith.constant 0 : i32
      %dma_start3A_33 = arith.constant 0 : i32
      %dma_start3A_34 = tpu.memref_slice %arg4[%add3A, %dma_start3A_32, %dma_start3A_33] : memref<32x125x80xi32, #tpu.memory_space<hbm>> -> memref<1x125x80xi32, #tpu.memory_space<hbm>>
      %dma_start3A_35 = tpu.memref_squeeze %dma_start3A_34 : memref<1x125x80xi32, #tpu.memory_space<hbm>> -> memref<125x80xi32, #tpu.memory_space<hbm>>
      %dma_start3A_36 = arith.constant 0 : i32
      %dma_start3A_37 = arith.constant 0 : i32
      %dma_start3A_38 = tpu.memref_slice %arg4[%add3A, %dma_start3A_36, %dma_start3A_37] : memref<32x125x80xi32, #tpu.memory_space<hbm>> -> memref<1x125x80xi32, #tpu.memory_space<hbm>>
      %dma_start3A_39 = tpu.memref_squeeze %dma_start3A_38 : memref<1x125x80xi32, #tpu.memory_space<hbm>> -> memref<125x80xi32, #tpu.memory_space<hbm>>
      tpu.enqueue_dma source(%dma_start3A_39 : memref<125x80xi32, #tpu.memory_space<hbm>>) target(%arg8 : memref<125x80xi32, #tpu.memory_space<vmem>>) target_semaphore(%run_scoped3A_31 : memref<!tpu.dma_semaphore, #tpu.memory_space<semaphore_mem>>)
      %dma_wait3A_40 = arith.constant 0 : i32
      %dma_wait3A_41 = arith.constant 0 : i32
      %dma_wait3A_42 = tpu.memref_slice %arg4[%add3A, %dma_wait3A_40, %dma_wait3A_41] : memref<32x125x80xi32, #tpu.memory_space<hbm>> -> memref<1x125x80xi32, #tpu.memory_space<hbm>>
      %dma_wait3A_43 = tpu.memref_squeeze %dma_wait3A_42 : memref<1x125x80xi32, #tpu.memory_space<hbm>> -> memref<125x80xi32, #tpu.memory_space<hbm>>
      %dma_wait3A_44 = arith.constant 0 : i32
      %dma_wait3A_45 = arith.constant 0 : i32
      %dma_wait3A_46 = tpu.memref_slice %arg4[%add3A, %dma_wait3A_44, %dma_wait3A_45] : memref<32x125x80xi32, #tpu.memory_space<hbm>> -> memref<1x125x80xi32, #tpu.memory_space<hbm>>
      %dma_wait3A_47 = tpu.memref_squeeze %dma_wait3A_46 : memref<1x125x80xi32, #tpu.memory_space<hbm>> -> memref<125x80xi32, #tpu.memory_space<hbm>>
      tpu.wait_dma2 semaphore(%run_scoped3A_31 : memref<!tpu.dma_semaphore, #tpu.memory_space<semaphore_mem>>) src(%dma_wait3A_47 : memref<125x80xi32, #tpu.memory_space<hbm>>) dst(%arg8 : memref<125x80xi32, #tpu.memory_space<vmem>>)
      tpu.yield
    }) : () -> ()
    %dma_start3A = arith.constant 0 : i32
    %dma_start3A_12 = tpu.memref_slice %arg7[%dma_start3A] : memref<10000xi32, #tpu.memory_space<vmem>> -> memref<80xi32, #tpu.memory_space<vmem>>
    %dma_start3A_13 = arith.constant 0 : i32
    %dma_start3A_14 = arith.constant 0 : i32
    %dma_start3A_15 = tpu.memref_slice %arg2[%dma_start3A_13, %dma_start3A_14] : memref<10240x128xf32, #tpu.memory_space<hbm>> -> memref<10240x128xf32, #tpu.memory_space<hbm>>
    tpu.enqueue_indirect_dma source(%dma_start3A_15 : memref<10240x128xf32, #tpu.memory_space<hbm>>) target(%arg9 : memref<80x128xf32, #tpu.memory_space<vmem>>) offsets(%dma_start3A_12 : memref<80xi32, #tpu.memory_space<vmem>>) semaphore(%arg11 : memref<!tpu.dma_semaphore, #tpu.memory_space<semaphore_mem>>)
    %scan3A_16 = arith.constant 0 : i32
    %scan3A_17 = arith.constant 62 : i32
    %scan3A_18 = arith.addi %scan3A_16, %scan3A_17 : i32
    %scan3A_19 = arith.constant 1 : i32
    scf.for %scan3A_31 = %scan3A_16 to %scan3A_18 step %scan3A_19  : i32 {
      %mul3A_32 = arith.constant 2 : i32
      %mul3A_33 = arith.muli %scan3A_31, %mul3A_32 : i32
      %add3A_34 = arith.constant 0 : i32
      %add3A_35 = arith.addi %add3A_34, %mul3A_33 : i32
      %add3A_36 = arith.constant 1 : i32
      %add3A_37 = arith.addi %add3A_35, %add3A_36 : i32
      %mul3A_38 = arith.constant 80 : i32
      %mul3A_39 = arith.muli %add3A_37, %mul3A_38 : i32
      %dma_start3A_40 = tpu.memref_slice %arg7[%mul3A_39] : memref<10000xi32, #tpu.memory_space<vmem>> -> memref<80xi32, #tpu.memory_space<vmem>>
      %dma_start3A_41 = arith.constant 0 : i32
      %dma_start3A_42 = arith.constant 0 : i32
      %dma_start3A_43 = tpu.memref_slice %arg2[%dma_start3A_41, %dma_start3A_42] : memref<10240x128xf32, #tpu.memory_space<hbm>> -> memref<10240x128xf32, #tpu.memory_space<hbm>>
      tpu.enqueue_indirect_dma source(%dma_start3A_43 : memref<10240x128xf32, #tpu.memory_space<hbm>>) target(%arg10 : memref<80x128xf32, #tpu.memory_space<vmem>>) offsets(%dma_start3A_40 : memref<80xi32, #tpu.memory_space<vmem>>) semaphore(%arg12 : memref<!tpu.dma_semaphore, #tpu.memory_space<semaphore_mem>>)
      %dma_wait3A_44 = arith.constant 0 : i32
      %dma_wait3A_45 = tpu.memref_slice %arg7[%dma_wait3A_44] : memref<10000xi32, #tpu.memory_space<vmem>> -> memref<80xi32, #tpu.memory_space<vmem>>
      %dma_wait3A_46 = arith.constant 0 : i32
      %dma_wait3A_47 = arith.constant 0 : i32
      %dma_wait3A_48 = tpu.memref_slice %arg2[%dma_wait3A_46, %dma_wait3A_47] : memref<10240x128xf32, #tpu.memory_space<hbm>> -> memref<10240x128xf32, #tpu.memory_space<hbm>>
      tpu.wait_indirect_dma semaphore(%arg11 : memref<!tpu.dma_semaphore, #tpu.memory_space<semaphore_mem>>) src(%dma_wait3A_48 : memref<10240x128xf32, #tpu.memory_space<hbm>>) dst(%arg9 : memref<80x128xf32, #tpu.memory_space<vmem>>)
      "tpu.region"() ({
        %run_scoped3A_64 = tpu.sem_alloc : memref<!tpu.dma_semaphore, #tpu.memory_space<semaphore_mem>>
        %dma_start3A_65 = arith.constant 0 : i32
        %dma_start3A_66 = tpu.memref_slice %arg8[%add3A_35, %dma_start3A_65] : memref<125x80xi32, #tpu.memory_space<vmem>> -> memref<1x80xi32, #tpu.memory_space<vmem>>
        %dma_start3A_67 = tpu.memref_squeeze %dma_start3A_66 : memref<1x80xi32, #tpu.memory_space<vmem>> -> memref<80xi32, #tpu.memory_space<vmem>>
        %dma_start3A_68 = arith.constant 0 : i32
        %dma_start3A_69 = arith.constant 0 : i32
        %dma_start3A_70 = tpu.memref_slice %arg6[%dma_start3A_68, %dma_start3A_69] : memref<10240x128xf32, #tpu.memory_space<vmem_shared>> -> memref<10240x128xf32, #tpu.memory_space<vmem_shared>>
        tpu.enqueue_indirect_dma source(%arg9 : memref<80x128xf32, #tpu.memory_space<vmem>>) target(%dma_start3A_70 : memref<10240x128xf32, #tpu.memory_space<vmem_shared>>) offsets(%dma_start3A_67 : memref<80xi32, #tpu.memory_space<vmem>>) semaphore(%run_scoped3A_64 : memref<!tpu.dma_semaphore, #tpu.memory_space<semaphore_mem>>) {add = true}
        %dma_wait3A_71 = arith.constant 0 : i32
        %dma_wait3A_72 = tpu.memref_slice %arg8[%add3A_35, %dma_wait3A_71] : memref<125x80xi32, #tpu.memory_space<vmem>> -> memref<1x80xi32, #tpu.memory_space<vmem>>
        %dma_wait3A_73 = tpu.memref_squeeze %dma_wait3A_72 : memref<1x80xi32, #tpu.memory_space<vmem>> -> memref<80xi32, #tpu.memory_space<vmem>>
        %dma_wait3A_74 = arith.constant 0 : i32
        %dma_wait3A_75 = arith.constant 0 : i32
        %dma_wait3A_76 = tpu.memref_slice %arg6[%dma_wait3A_74, %dma_wait3A_75] : memref<10240x128xf32, #tpu.memory_space<vmem_shared>> -> memref<10240x128xf32, #tpu.memory_space<vmem_shared>>
        tpu.wait_indirect_dma semaphore(%run_scoped3A_64 : memref<!tpu.dma_semaphore, #tpu.memory_space<semaphore_mem>>) src(%arg9 : memref<80x128xf32, #tpu.memory_space<vmem>>) dst(%dma_wait3A_76 : memref<10240x128xf32, #tpu.memory_space<vmem_shared>>)
        tpu.yield
      }) : () -> ()
      %add3A_49 = arith.constant 2 : i32
      %add3A_50 = arith.addi %add3A_35, %add3A_49 : i32
      %mul3A_51 = arith.constant 80 : i32
      %mul3A_52 = arith.muli %add3A_50, %mul3A_51 : i32
      %dma_start3A_53 = tpu.memref_slice %arg7[%mul3A_52] : memref<10000xi32, #tpu.memory_space<vmem>> -> memref<80xi32, #tpu.memory_space<vmem>>
      %dma_start3A_54 = arith.constant 0 : i32
      %dma_start3A_55 = arith.constant 0 : i32
      %dma_start3A_56 = tpu.memref_slice %arg2[%dma_start3A_54, %dma_start3A_55] : memref<10240x128xf32, #tpu.memory_space<hbm>> -> memref<10240x128xf32, #tpu.memory_space<hbm>>
      tpu.enqueue_indirect_dma source(%dma_start3A_56 : memref<10240x128xf32, #tpu.memory_space<hbm>>) target(%arg9 : memref<80x128xf32, #tpu.memory_space<vmem>>) offsets(%dma_start3A_53 : memref<80xi32, #tpu.memory_space<vmem>>) semaphore(%arg11 : memref<!tpu.dma_semaphore, #tpu.memory_space<semaphore_mem>>)
      %dma_wait3A_57 = arith.constant 0 : i32
      %dma_wait3A_58 = tpu.memref_slice %arg7[%dma_wait3A_57] : memref<10000xi32, #tpu.memory_space<vmem>> -> memref<80xi32, #tpu.memory_space<vmem>>
      %dma_wait3A_59 = arith.constant 0 : i32
      %dma_wait3A_60 = arith.constant 0 : i32
      %dma_wait3A_61 = tpu.memref_slice %arg2[%dma_wait3A_59, %dma_wait3A_60] : memref<10240x128xf32, #tpu.memory_space<hbm>> -> memref<10240x128xf32, #tpu.memory_space<hbm>>
      tpu.wait_indirect_dma semaphore(%arg12 : memref<!tpu.dma_semaphore, #tpu.memory_space<semaphore_mem>>) src(%dma_wait3A_61 : memref<10240x128xf32, #tpu.memory_space<hbm>>) dst(%arg10 : memref<80x128xf32, #tpu.memory_space<vmem>>)
      %add3A_62 = arith.constant 1 : i32
      %add3A_63 = arith.addi %add3A_35, %add3A_62 : i32
      "tpu.region"() ({
        %run_scoped3A_64 = tpu.sem_alloc : memref<!tpu.dma_semaphore, #tpu.memory_space<semaphore_mem>>
        %dma_start3A_65 = arith.constant 0 : i32
        %dma_start3A_66 = tpu.memref_slice %arg8[%add3A_63, %dma_start3A_65] : memref<125x80xi32, #tpu.memory_space<vmem>> -> memref<1x80xi32, #tpu.memory_space<vmem>>
        %dma_start3A_67 = tpu.memref_squeeze %dma_start3A_66 : memref<1x80xi32, #tpu.memory_space<vmem>> -> memref<80xi32, #tpu.memory_space<vmem>>
        %dma_start3A_68 = arith.constant 0 : i32
        %dma_start3A_69 = arith.constant 0 : i32
        %dma_start3A_70 = tpu.memref_slice %arg6[%dma_start3A_68, %dma_start3A_69] : memref<10240x128xf32, #tpu.memory_space<vmem_shared>> -> memref<10240x128xf32, #tpu.memory_space<vmem_shared>>
        tpu.enqueue_indirect_dma source(%arg10 : memref<80x128xf32, #tpu.memory_space<vmem>>) target(%dma_start3A_70 : memref<10240x128xf32, #tpu.memory_space<vmem_shared>>) offsets(%dma_start3A_67 : memref<80xi32, #tpu.memory_space<vmem>>) semaphore(%run_scoped3A_64 : memref<!tpu.dma_semaphore, #tpu.memory_space<semaphore_mem>>) {add = true}
        %dma_wait3A_71 = arith.constant 0 : i32
        %dma_wait3A_72 = tpu.memref_slice %arg8[%add3A_63, %dma_wait3A_71] : memref<125x80xi32, #tpu.memory_space<vmem>> -> memref<1x80xi32, #tpu.memory_space<vmem>>
        %dma_wait3A_73 = tpu.memref_squeeze %dma_wait3A_72 : memref<1x80xi32, #tpu.memory_space<vmem>> -> memref<80xi32, #tpu.memory_space<vmem>>
        %dma_wait3A_74 = arith.constant 0 : i32
        %dma_wait3A_75 = arith.constant 0 : i32
        %dma_wait3A_76 = tpu.memref_slice %arg6[%dma_wait3A_74, %dma_wait3A_75] : memref<10240x128xf32, #tpu.memory_space<vmem_shared>> -> memref<10240x128xf32, #tpu.memory_space<vmem_shared>>
        tpu.wait_indirect_dma semaphore(%run_scoped3A_64 : memref<!tpu.dma_semaphore, #tpu.memory_space<semaphore_mem>>) src(%arg10 : memref<80x128xf32, #tpu.memory_space<vmem>>) dst(%dma_wait3A_76 : memref<10240x128xf32, #tpu.memory_space<vmem_shared>>)
        tpu.yield
      }) : () -> ()
    }
    %scan3A_20 = arith.constant 62 : i32
    %dma_wait3A = arith.constant 0 : i32
    %dma_wait3A_21 = tpu.memref_slice %arg7[%dma_wait3A] : memref<10000xi32, #tpu.memory_space<vmem>> -> memref<80xi32, #tpu.memory_space<vmem>>
    %dma_wait3A_22 = arith.constant 0 : i32
    %dma_wait3A_23 = arith.constant 0 : i32
    %dma_wait3A_24 = tpu.memref_slice %arg2[%dma_wait3A_22, %dma_wait3A_23] : memref<10240x128xf32, #tpu.memory_space<hbm>> -> memref<10240x128xf32, #tpu.memory_space<hbm>>
    tpu.wait_indirect_dma semaphore(%arg11 : memref<!tpu.dma_semaphore, #tpu.memory_space<semaphore_mem>>) src(%dma_wait3A_24 : memref<10240x128xf32, #tpu.memory_space<hbm>>) dst(%arg9 : memref<80x128xf32, #tpu.memory_space<vmem>>)
    %run_scoped3A = arith.constant 124 : i32
    "tpu.region"() ({
      %run_scoped3A_31 = tpu.sem_alloc : memref<!tpu.dma_semaphore, #tpu.memory_space<semaphore_mem>>
      %dma_start3A_32 = arith.constant 0 : i32
      %dma_start3A_33 = tpu.memref_slice %arg8[%run_scoped3A, %dma_start3A_32] : memref<125x80xi32, #tpu.memory_space<vmem>> -> memref<1x80xi32, #tpu.memory_space<vmem>>
      %dma_start3A_34 = tpu.memref_squeeze %dma_start3A_33 : memref<1x80xi32, #tpu.memory_space<vmem>> -> memref<80xi32, #tpu.memory_space<vmem>>
      %dma_start3A_35 = arith.constant 0 : i32
      %dma_start3A_36 = arith.constant 0 : i32
      %dma_start3A_37 = tpu.memref_slice %arg6[%dma_start3A_35, %dma_start3A_36] : memref<10240x128xf32, #tpu.memory_space<vmem_shared>> -> memref<10240x128xf32, #tpu.memory_space<vmem_shared>>
      tpu.enqueue_indirect_dma source(%arg9 : memref<80x128xf32, #tpu.memory_space<vmem>>) target(%dma_start3A_37 : memref<10240x128xf32, #tpu.memory_space<vmem_shared>>) offsets(%dma_start3A_34 : memref<80xi32, #tpu.memory_space<vmem>>) semaphore(%run_scoped3A_31 : memref<!tpu.dma_semaphore, #tpu.memory_space<semaphore_mem>>) {add = true}
      %dma_wait3A_38 = arith.constant 0 : i32
      %dma_wait3A_39 = tpu.memref_slice %arg8[%run_scoped3A, %dma_wait3A_38] : memref<125x80xi32, #tpu.memory_space<vmem>> -> memref<1x80xi32, #tpu.memory_space<vmem>>
      %dma_wait3A_40 = tpu.memref_squeeze %dma_wait3A_39 : memref<1x80xi32, #tpu.memory_space<vmem>> -> memref<80xi32, #tpu.memory_space<vmem>>
      %dma_wait3A_41 = arith.constant 0 : i32
      %dma_wait3A_42 = arith.constant 0 : i32
      %dma_wait3A_43 = tpu.memref_slice %arg6[%dma_wait3A_41, %dma_wait3A_42] : memref<10240x128xf32, #tpu.memory_space<vmem_shared>> -> memref<10240x128xf32, #tpu.memory_space<vmem_shared>>
      tpu.wait_indirect_dma semaphore(%run_scoped3A_31 : memref<!tpu.dma_semaphore, #tpu.memory_space<semaphore_mem>>) src(%arg9 : memref<80x128xf32, #tpu.memory_space<vmem>>) dst(%dma_wait3A_43 : memref<10240x128xf32, #tpu.memory_space<vmem_shared>>)
      tpu.yield
    }) : () -> ()
    %barrier3A_25 = arith.constant 0 : index
    tpu.barrier barrier_id(%barrier3A_25)
    %scan3A_26 = arith.constant 0 : i32
    %scan3A_27 = arith.constant 8 : i32
    %scan3A_28 = arith.addi %scan3A_26, %scan3A_27 : i32
    %scan3A_29 = arith.constant 1 : i32
    scf.for %scan3A_31 = %scan3A_26 to %scan3A_28 step %scan3A_29  : i32 {
      %mul3A_32 = arith.constant 1 : i32
      %mul3A_33 = arith.muli %scan3A_31, %mul3A_32 : i32
      %add3A_34 = arith.constant 0 : i32
      %add3A_35 = arith.addi %add3A_34, %mul3A_33 : i32
      %mul3A_36 = arith.constant 640 : i32
      %mul3A_37 = arith.muli %arg1, %mul3A_36 : i32
      %mul3A_38 = arith.constant 80 : i32
      %mul3A_39 = arith.muli %add3A_35, %mul3A_38 : i32
      %add3A_40 = arith.addi %mul3A_37, %mul3A_39 : i32
      %mul3A_41 = arith.constant 640 : i32
      %mul3A_42 = arith.muli %arg1, %mul3A_41 : i32
      %mul3A_43 = arith.constant 80 : i32
      %mul3A_44 = arith.muli %add3A_35, %mul3A_43 : i32
      %add3A_45 = arith.addi %mul3A_42, %mul3A_44 : i32
      "tpu.region"() ({
        %run_scoped3A_46 = tpu.sem_alloc : memref<!tpu.dma_semaphore, #tpu.memory_space<semaphore_mem>>
        %dma_start3A_47 = arith.constant 0 : i32
        %dma_start3A_48 = arith.constant 0 : i32
        %dma_start3A_49 = tpu.memref_slice %arg5[%arg0, %dma_start3A_47, %dma_start3A_48] : memref<2x10240x128xf32, #tpu.memory_space<hbm>> -> memref<1x10240x128xf32, #tpu.memory_space<hbm>>
        %dma_start3A_50 = tpu.memref_squeeze %dma_start3A_49 : memref<1x10240x128xf32, #tpu.memory_space<hbm>> -> memref<10240x128xf32, #tpu.memory_space<hbm>>
        %dma_start3A_51 = arith.constant 0 : i32
        %dma_start3A_52 = tpu.memref_slice %dma_start3A_50[%add3A_45, %dma_start3A_51] : memref<10240x128xf32, #tpu.memory_space<hbm>> -> memref<80x128xf32, #tpu.memory_space<hbm>>
        %dma_start3A_53 = arith.constant 0 : i32
        %dma_start3A_54 = tpu.memref_slice %arg6[%add3A_40, %dma_start3A_53] : memref<10240x128xf32, #tpu.memory_space<vmem_shared>> -> memref<80x128xf32, #tpu.memory_space<vmem_shared>>
        tpu.enqueue_dma source(%dma_start3A_54 : memref<80x128xf32, #tpu.memory_space<vmem_shared>>) target(%dma_start3A_52 : memref<80x128xf32, #tpu.memory_space<hbm>>) target_semaphore(%run_scoped3A_46 : memref<!tpu.dma_semaphore, #tpu.memory_space<semaphore_mem>>)
        %dma_wait3A_55 = arith.constant 0 : i32
        %dma_wait3A_56 = arith.constant 0 : i32
        %dma_wait3A_57 = tpu.memref_slice %arg5[%arg0, %dma_wait3A_55, %dma_wait3A_56] : memref<2x10240x128xf32, #tpu.memory_space<hbm>> -> memref<1x10240x128xf32, #tpu.memory_space<hbm>>
        %dma_wait3A_58 = tpu.memref_squeeze %dma_wait3A_57 : memref<1x10240x128xf32, #tpu.memory_space<hbm>> -> memref<10240x128xf32, #tpu.memory_space<hbm>>
        %dma_wait3A_59 = arith.constant 0 : i32
        %dma_wait3A_60 = tpu.memref_slice %dma_wait3A_58[%add3A_45, %dma_wait3A_59] : memref<10240x128xf32, #tpu.memory_space<hbm>> -> memref<80x128xf32, #tpu.memory_space<hbm>>
        %dma_wait3A_61 = arith.constant 0 : i32
        %dma_wait3A_62 = tpu.memref_slice %arg6[%add3A_40, %dma_wait3A_61] : memref<10240x128xf32, #tpu.memory_space<vmem_shared>> -> memref<80x128xf32, #tpu.memory_space<vmem_shared>>
        tpu.wait_dma2 semaphore(%run_scoped3A_46 : memref<!tpu.dma_semaphore, #tpu.memory_space<semaphore_mem>>) src(%dma_wait3A_62 : memref<80x128xf32, #tpu.memory_space<vmem_shared>>) dst(%dma_wait3A_60 : memref<80x128xf32, #tpu.memory_space<hbm>>)
        tpu.yield
      }) : () -> ()
    }
    %scan3A_30 = arith.constant 8 : i32
    return
  }
}

#map = affine_map<(d0, d1) -> (0, 0)>
#map1 = affine_map<(d0, d1) -> (0)>
#map2 = affine_map<(d0, d1) -> (0, 0, 0)>
module attributes {stable_mosaic.version = 14 : i64} {
  func.func @_sc_aggregate(%arg0: i32, %arg1: i32, %arg2: memref<10240x128xf32, #tpu.memory_space<hbm>>, %arg3: memref<320000xi32, #tpu.memory_space<hbm>>, %arg4: memref<32x125x80xi32, #tpu.memory_space<hbm>>, %arg5: memref<2x10240x128xf32, #tpu.memory_space<hbm>>, %arg6: memref<10240x128xf32, #tpu.memory_space<vmem_shared>>, %arg7: memref<10000xi32, #tpu.memory_space<vmem>>, %arg8: memref<125x80xi32, #tpu.memory_space<vmem>>, %arg9: memref<80x128xf32, #tpu.memory_space<vmem>>, %arg10: memref<80x128xf32, #tpu.memory_space<vmem>>, %arg11: memref<!tpu.dma_semaphore, #tpu.memory_space<semaphore_mem>>, %arg12: memref<!tpu.dma_semaphore, #tpu.memory_space<semaphore_mem>>) attributes {dimension_semantics = [#tpu.dimension_semantics<core_parallel>, #tpu.dimension_semantics<subcore_parallel>], iteration_bounds = array<i64: 2, 16>, scalar_prefetch = 0 : i64, scratch_operands = 7 : i64, tpu.core_type = #tpu.core_type<sc_vector_subcore>, window_params = [{transform_indices = #map}, {transform_indices = #map1}, {transform_indices = #map2}, {transform_indices = #map2}]} {
    %mul3A = arith.constant 2 : i32
    %mul3A_0 = arith.muli %arg1, %mul3A : i32
    %add3A = arith.addi %mul3A_0, %arg0 : i32
    %scan3A = arith.constant 0 : i32
    %scan3A_1 = arith.constant 640 : i32
    %scan3A_2 = arith.addi %scan3A, %scan3A_1 : i32
    %scan3A_3 = arith.constant 1 : i32
    scf.for %scan3A_31 = %scan3A to %scan3A_2 step %scan3A_3  : i32 {
      %mul3A_32 = arith.constant 1 : i32
      %mul3A_33 = arith.muli %scan3A_31, %mul3A_32 : i32
      %add3A_34 = arith.constant 0 : i32
      %add3A_35 = arith.addi %add3A_34, %mul3A_33 : i32
      %jit3A = arith.constant 8 : i32
      %div3A = arith.divsi %add3A_35, %jit3A : i32
      %sign3A = arith.constant 0 : i32
      %sign3A_36 = arith.cmpi sgt, %add3A_35, %sign3A : i32
      %sign3A_37 = arith.extui %sign3A_36 : i1 to i32
      %sign3A_38 = arith.constant 0 : i32
      %sign3A_39 = arith.cmpi slt, %add3A_35, %sign3A_38 : i32
      %sign3A_40 = arith.extui %sign3A_39 : i1 to i32
      %sign3A_41 = arith.subi %sign3A_37, %sign3A_40 : i32
      %sign3A_42 = arith.constant 0 : i32
      %sign3A_43 = arith.cmpi sgt, %jit3A, %sign3A_42 : i32
      %sign3A_44 = arith.extui %sign3A_43 : i1 to i32
      %sign3A_45 = arith.constant 0 : i32
      %sign3A_46 = arith.cmpi slt, %jit3A, %sign3A_45 : i32
      %sign3A_47 = arith.extui %sign3A_46 : i1 to i32
      %sign3A_48 = arith.subi %sign3A_44, %sign3A_47 : i32
      %ne3A = arith.cmpi ne, %sign3A_41, %sign3A_48 : i32
      %rem3A = arith.remsi %add3A_35, %jit3A : i32
      %ne3A_49 = arith.constant 0 : i32
      %ne3A_50 = arith.cmpi ne, %rem3A, %ne3A_49 : i32
      %and3A = arith.andi %ne3A, %ne3A_50 : i1
      %sub3A = arith.constant 1 : i32
      %sub3A_51 = arith.subi %div3A, %sub3A : i32
      %select_n3A = arith.select %and3A, %sub3A_51, %div3A : i32
      %jit3A_52 = arith.constant 8 : i32
      %eq3A = arith.constant 0 : i32
      %eq3A_53 = arith.cmpi eq, %jit3A_52, %eq3A : i32
      %jit3A_54 = arith.constant 1 : i32
      %select_n3A_55 = arith.select %eq3A_53, %jit3A_54, %jit3A_52 : i32
      %rem3A_56 = arith.remsi %add3A_35, %select_n3A_55 : i32
      %ne3A_57 = arith.constant 0 : i32
      %ne3A_58 = arith.cmpi ne, %rem3A_56, %ne3A_57 : i32
      %lt3A = arith.constant 0 : i32
      %lt3A_59 = arith.cmpi slt, %rem3A_56, %lt3A : i32
      %lt3A_60 = arith.constant 0 : i32
      %lt3A_61 = arith.cmpi slt, %select_n3A_55, %lt3A_60 : i32
      %ne3A_62 = arith.xori %lt3A_59, %lt3A_61 : i1
      %and3A_63 = arith.andi %ne3A_62, %ne3A_58 : i1
      %add3A_64 = arith.addi %rem3A_56, %select_n3A_55 : i32
      %select_n3A_65 = arith.select %and3A_63, %add3A_64, %rem3A_56 : i32
      %broadcast_in_dim3A = arith.constant 0.000000e+00 : f32
      %broadcast_in_dim3A_66 = vector.broadcast %broadcast_in_dim3A : f32 to vector<16xf32>
      %mul3A_67 = arith.constant 16 : i32
      %mul3A_68 = arith.muli %select_n3A_65, %mul3A_67 : i32
      %swap3A = arith.index_cast %select_n3A : i32 to index
      %swap3A_69 = arith.index_cast %mul3A_68 : i32 to index
      %swap3A_70 = tpu.vector_load %arg9[%swap3A, %swap3A_69] {strides = array<i32>} : memref<80x128xf32, #tpu.memory_space<vmem>>, vector<1x16xf32>,
      %swap3A_71 = vector.shape_cast %swap3A_70 : vector<1x16xf32> to vector<16xf32>
      %swap3A_72 = vector.shape_cast %broadcast_in_dim3A_66 : vector<16xf32> to vector<1x16xf32>
      tpu.vector_store %arg9[%swap3A, %swap3A_69], %swap3A_72 {strides = array<i32>} : memref<80x128xf32, #tpu.memory_space<vmem>>, vector<1x16xf32>,
    }
    %scan3A_4 = arith.constant 640 : i32
    %scan3A_5 = arith.constant 0 : i32
    %scan3A_6 = arith.constant 8 : i32
    %scan3A_7 = arith.addi %scan3A_5, %scan3A_6 : i32
    %scan3A_8 = arith.constant 1 : i32
    scf.for %scan3A_31 = %scan3A_5 to %scan3A_7 step %scan3A_8  : i32 {
      %mul3A_32 = arith.constant 1 : i32
      %mul3A_33 = arith.muli %scan3A_31, %mul3A_32 : i32
      %add3A_34 = arith.constant 0 : i32
      %add3A_35 = arith.addi %add3A_34, %mul3A_33 : i32
      %mul3A_36 = arith.constant 640 : i32
      %mul3A_37 = arith.muli %arg1, %mul3A_36 : i32
      %mul3A_38 = arith.constant 80 : i32
      %mul3A_39 = arith.muli %add3A_35, %mul3A_38 : i32
      %add3A_40 = arith.addi %mul3A_37, %mul3A_39 : i32
      "tpu.region"() ({
        %run_scoped3A_41 = tpu.sem_alloc : memref<!tpu.dma_semaphore, #tpu.memory_space<semaphore_mem>>
        %dma_start3A_42 = arith.constant 0 : i32
        %dma_start3A_43 = arith.constant 0 : i32
        %dma_start3A_44 = tpu.memref_slice %arg9[%dma_start3A_42, %dma_start3A_43] : memref<80x128xf32, #tpu.memory_space<vmem>> -> memref<80x128xf32, #tpu.memory_space<vmem>>
        %dma_start3A_45 = arith.constant 0 : i32
        %dma_start3A_46 = tpu.memref_slice %arg6[%add3A_40, %dma_start3A_45] : memref<10240x128xf32, #tpu.memory_space<vmem_shared>> -> memref<80x128xf32, #tpu.memory_space<vmem_shared>>
        %dma_start3A_47 = arith.constant 0 : i32
        %dma_start3A_48 = tpu.memref_slice %arg6[%add3A_40, %dma_start3A_47] : memref<10240x128xf32, #tpu.memory_space<vmem_shared>> -> memref<80x128xf32, #tpu.memory_space<vmem_shared>>
        %dma_start3A_49 = arith.constant 0 : i32
        %dma_start3A_50 = arith.constant 0 : i32
        %dma_start3A_51 = tpu.memref_slice %arg9[%dma_start3A_49, %dma_start3A_50] : memref<80x128xf32, #tpu.memory_space<vmem>> -> memref<80x128xf32, #tpu.memory_space<vmem>>
        tpu.enqueue_dma source(%dma_start3A_51 : memref<80x128xf32, #tpu.memory_space<vmem>>) target(%dma_start3A_48 : memref<80x128xf32, #tpu.memory_space<vmem_shared>>) target_semaphore(%run_scoped3A_41 : memref<!tpu.dma_semaphore, #tpu.memory_space<semaphore_mem>>)
        %dma_wait3A_52 = arith.constant 0 : i32
        %dma_wait3A_53 = arith.constant 0 : i32
        %dma_wait3A_54 = tpu.memref_slice %arg9[%dma_wait3A_52, %dma_wait3A_53] : memref<80x128xf32, #tpu.memory_space<vmem>> -> memref<80x128xf32, #tpu.memory_space<vmem>>
        %dma_wait3A_55 = arith.constant 0 : i32
        %dma_wait3A_56 = tpu.memref_slice %arg6[%add3A_40, %dma_wait3A_55] : memref<10240x128xf32, #tpu.memory_space<vmem_shared>> -> memref<80x128xf32, #tpu.memory_space<vmem_shared>>
        %dma_wait3A_57 = arith.constant 0 : i32
        %dma_wait3A_58 = tpu.memref_slice %arg6[%add3A_40, %dma_wait3A_57] : memref<10240x128xf32, #tpu.memory_space<vmem_shared>> -> memref<80x128xf32, #tpu.memory_space<vmem_shared>>
        %dma_wait3A_59 = arith.constant 0 : i32
        %dma_wait3A_60 = arith.constant 0 : i32
        %dma_wait3A_61 = tpu.memref_slice %arg9[%dma_wait3A_59, %dma_wait3A_60] : memref<80x128xf32, #tpu.memory_space<vmem>> -> memref<80x128xf32, #tpu.memory_space<vmem>>
        tpu.wait_dma2 semaphore(%run_scoped3A_41 : memref<!tpu.dma_semaphore, #tpu.memory_space<semaphore_mem>>) src(%dma_wait3A_61 : memref<80x128xf32, #tpu.memory_space<vmem>>) dst(%dma_wait3A_58 : memref<80x128xf32, #tpu.memory_space<vmem_shared>>)
        tpu.yield
      }) : () -> ()
    }
    %scan3A_9 = arith.constant 8 : i32
    %barrier3A = arith.constant 0 : index
    tpu.barrier barrier_id(%barrier3A)
    %mul3A_10 = arith.constant 10000 : i32
    %mul3A_11 = arith.muli %add3A, %mul3A_10 : i32
    "tpu.region"() ({
      %run_scoped3A_31 = tpu.sem_alloc : memref<!tpu.dma_semaphore, #tpu.memory_space<semaphore_mem>>
      %dma_start3A_32 = tpu.memref_slice %arg3[%mul3A_11] : memref<320000xi32, #tpu.memory_space<hbm>> -> memref<10000xi32, #tpu.memory_space<hbm>>
      %dma_start3A_33 = tpu.memref_slice %arg3[%mul3A_11] : memref<320000xi32, #tpu.memory_space<hbm>> -> memref<10000xi32, #tpu.memory_space<hbm>>
      tpu.enqueue_dma source(%dma_start3A_33 : memref<10000xi32, #tpu.memory_space<hbm>>) target(%arg7 : memref<10000xi32, #tpu.memory_space<vmem>>) target_semaphore(%run_scoped3A_31 : memref<!tpu.dma_semaphore, #tpu.memory_space<semaphore_mem>>)
      %dma_wait3A_34 = tpu.memref_slice %arg3[%mul3A_11] : memref<320000xi32, #tpu.memory_space<hbm>> -> memref<10000xi32, #tpu.memory_space<hbm>>
      %dma_wait3A_35 = tpu.memref_slice %arg3[%mul3A_11] : memref<320000xi32, #tpu.memory_space<hbm>> -> memref<10000xi32, #tpu.memory_space<hbm>>
      tpu.wait_dma2 semaphore(%run_scoped3A_31 : memref<!tpu.dma_semaphore, #tpu.memory_space<semaphore_mem>>) src(%dma_wait3A_35 : memref<10000xi32, #tpu.memory_space<hbm>>) dst(%arg7 : memref<10000xi32, #tpu.memory_space<vmem>>)
      tpu.yield
    }) : () -> ()
    "tpu.region"() ({
      %run_scoped3A_31 = tpu.sem_alloc : memref<!tpu.dma_semaphore, #tpu.memory_space<semaphore_mem>>
      %dma_start3A_32 = arith.constant 0 : i32
      %dma_start3A_33 = arith.constant 0 : i32
      %dma_start3A_34 = tpu.memref_slice %arg4[%add3A, %dma_start3A_32, %dma_start3A_33] : memref<32x125x80xi32, #tpu.memory_space<hbm>> -> memref<1x125x80xi32, #tpu.memory_space<hbm>>
      %dma_start3A_35 = tpu.memref_squeeze %dma_start3A_34 : memref<1x125x80xi32, #tpu.memory_space<hbm>> -> memref<125x80xi32, #tpu.memory_space<hbm>>
      %dma_start3A_36 = arith.constant 0 : i32
      %dma_start3A_37 = arith.constant 0 : i32
      %dma_start3A_38 = tpu.memref_slice %arg4[%add3A, %dma_start3A_36, %dma_start3A_37] : memref<32x125x80xi32, #tpu.memory_space<hbm>> -> memref<1x125x80xi32, #tpu.memory_space<hbm>>
      %dma_start3A_39 = tpu.memref_squeeze %dma_start3A_38 : memref<1x125x80xi32, #tpu.memory_space<hbm>> -> memref<125x80xi32, #tpu.memory_space<hbm>>
      tpu.enqueue_dma source(%dma_start3A_39 : memref<125x80xi32, #tpu.memory_space<hbm>>) target(%arg8 : memref<125x80xi32, #tpu.memory_space<vmem>>) target_semaphore(%run_scoped3A_31 : memref<!tpu.dma_semaphore, #tpu.memory_space<semaphore_mem>>)
      %dma_wait3A_40 = arith.constant 0 : i32
      %dma_wait3A_41 = arith.constant 0 : i32
      %dma_wait3A_42 = tpu.memref_slice %arg4[%add3A, %dma_wait3A_40, %dma_wait3A_41] : memref<32x125x80xi32, #tpu.memory_space<hbm>> -> memref<1x125x80xi32, #tpu.memory_space<hbm>>
      %dma_wait3A_43 = tpu.memref_squeeze %dma_wait3A_42 : memref<1x125x80xi32, #tpu.memory_space<hbm>> -> memref<125x80xi32, #tpu.memory_space<hbm>>
      %dma_wait3A_44 = arith.constant 0 : i32
      %dma_wait3A_45 = arith.constant 0 : i32
      %dma_wait3A_46 = tpu.memref_slice %arg4[%add3A, %dma_wait3A_44, %dma_wait3A_45] : memref<32x125x80xi32, #tpu.memory_space<hbm>> -> memref<1x125x80xi32, #tpu.memory_space<hbm>>
      %dma_wait3A_47 = tpu.memref_squeeze %dma_wait3A_46 : memref<1x125x80xi32, #tpu.memory_space<hbm>> -> memref<125x80xi32, #tpu.memory_space<hbm>>
      tpu.wait_dma2 semaphore(%run_scoped3A_31 : memref<!tpu.dma_semaphore, #tpu.memory_space<semaphore_mem>>) src(%dma_wait3A_47 : memref<125x80xi32, #tpu.memory_space<hbm>>) dst(%arg8 : memref<125x80xi32, #tpu.memory_space<vmem>>)
      tpu.yield
    }) : () -> ()
    %dma_start3A = arith.constant 0 : i32
    %dma_start3A_12 = tpu.memref_slice %arg7[%dma_start3A] : memref<10000xi32, #tpu.memory_space<vmem>> -> memref<80xi32, #tpu.memory_space<vmem>>
    %dma_start3A_13 = arith.constant 0 : i32
    %dma_start3A_14 = arith.constant 0 : i32
    %dma_start3A_15 = tpu.memref_slice %arg2[%dma_start3A_13, %dma_start3A_14] : memref<10240x128xf32, #tpu.memory_space<hbm>> -> memref<10240x128xf32, #tpu.memory_space<hbm>>
    tpu.enqueue_indirect_dma source(%dma_start3A_15 : memref<10240x128xf32, #tpu.memory_space<hbm>>) target(%arg9 : memref<80x128xf32, #tpu.memory_space<vmem>>) offsets(%dma_start3A_12 : memref<80xi32, #tpu.memory_space<vmem>>) semaphore(%arg11 : memref<!tpu.dma_semaphore, #tpu.memory_space<semaphore_mem>>)
    %scan3A_16 = arith.constant 0 : i32
    %scan3A_17 = arith.constant 62 : i32
    %scan3A_18 = arith.addi %scan3A_16, %scan3A_17 : i32
    %scan3A_19 = arith.constant 1 : i32
    scf.for %scan3A_31 = %scan3A_16 to %scan3A_18 step %scan3A_19  : i32 {
      %mul3A_32 = arith.constant 2 : i32
      %mul3A_33 = arith.muli %scan3A_31, %mul3A_32 : i32
      %add3A_34 = arith.constant 0 : i32
      %add3A_35 = arith.addi %add3A_34, %mul3A_33 : i32
      %add3A_36 = arith.constant 1 : i32
      %add3A_37 = arith.addi %add3A_35, %add3A_36 : i32
      %mul3A_38 = arith.constant 80 : i32
      %mul3A_39 = arith.muli %add3A_37, %mul3A_38 : i32
      %dma_start3A_40 = tpu.memref_slice %arg7[%mul3A_39] : memref<10000xi32, #tpu.memory_space<vmem>> -> memref<80xi32, #tpu.memory_space<vmem>>
      %dma_start3A_41 = arith.constant 0 : i32
      %dma_start3A_42 = arith.constant 0 : i32
      %dma_start3A_43 = tpu.memref_slice %arg2[%dma_start3A_41, %dma_start3A_42] : memref<10240x128xf32, #tpu.memory_space<hbm>> -> memref<10240x128xf32, #tpu.memory_space<hbm>>
      tpu.enqueue_indirect_dma source(%dma_start3A_43 : memref<10240x128xf32, #tpu.memory_space<hbm>>) target(%arg10 : memref<80x128xf32, #tpu.memory_space<vmem>>) offsets(%dma_start3A_40 : memref<80xi32, #tpu.memory_space<vmem>>) semaphore(%arg12 : memref<!tpu.dma_semaphore, #tpu.memory_space<semaphore_mem>>)
      %dma_wait3A_44 = arith.constant 0 : i32
      %dma_wait3A_45 = tpu.memref_slice %arg7[%dma_wait3A_44] : memref<10000xi32, #tpu.memory_space<vmem>> -> memref<80xi32, #tpu.memory_space<vmem>>
      %dma_wait3A_46 = arith.constant 0 : i32
      %dma_wait3A_47 = arith.constant 0 : i32
      %dma_wait3A_48 = tpu.memref_slice %arg2[%dma_wait3A_46, %dma_wait3A_47] : memref<10240x128xf32, #tpu.memory_space<hbm>> -> memref<10240x128xf32, #tpu.memory_space<hbm>>
      tpu.wait_indirect_dma semaphore(%arg11 : memref<!tpu.dma_semaphore, #tpu.memory_space<semaphore_mem>>) src(%dma_wait3A_48 : memref<10240x128xf32, #tpu.memory_space<hbm>>) dst(%arg9 : memref<80x128xf32, #tpu.memory_space<vmem>>)
      "tpu.region"() ({
        %run_scoped3A_64 = tpu.sem_alloc : memref<!tpu.dma_semaphore, #tpu.memory_space<semaphore_mem>>
        %dma_start3A_65 = arith.constant 0 : i32
        %dma_start3A_66 = tpu.memref_slice %arg8[%add3A_35, %dma_start3A_65] : memref<125x80xi32, #tpu.memory_space<vmem>> -> memref<1x80xi32, #tpu.memory_space<vmem>>
        %dma_start3A_67 = tpu.memref_squeeze %dma_start3A_66 : memref<1x80xi32, #tpu.memory_space<vmem>> -> memref<80xi32, #tpu.memory_space<vmem>>
        %dma_start3A_68 = arith.constant 0 : i32
        %dma_start3A_69 = arith.constant 0 : i32
        %dma_start3A_70 = tpu.memref_slice %arg6[%dma_start3A_68, %dma_start3A_69] : memref<10240x128xf32, #tpu.memory_space<vmem_shared>> -> memref<10240x128xf32, #tpu.memory_space<vmem_shared>>
        tpu.enqueue_indirect_dma source(%arg9 : memref<80x128xf32, #tpu.memory_space<vmem>>) target(%dma_start3A_70 : memref<10240x128xf32, #tpu.memory_space<vmem_shared>>) offsets(%dma_start3A_67 : memref<80xi32, #tpu.memory_space<vmem>>) semaphore(%run_scoped3A_64 : memref<!tpu.dma_semaphore, #tpu.memory_space<semaphore_mem>>) {add = true}
        %dma_wait3A_71 = arith.constant 0 : i32
        %dma_wait3A_72 = tpu.memref_slice %arg8[%add3A_35, %dma_wait3A_71] : memref<125x80xi32, #tpu.memory_space<vmem>> -> memref<1x80xi32, #tpu.memory_space<vmem>>
        %dma_wait3A_73 = tpu.memref_squeeze %dma_wait3A_72 : memref<1x80xi32, #tpu.memory_space<vmem>> -> memref<80xi32, #tpu.memory_space<vmem>>
        %dma_wait3A_74 = arith.constant 0 : i32
        %dma_wait3A_75 = arith.constant 0 : i32
        %dma_wait3A_76 = tpu.memref_slice %arg6[%dma_wait3A_74, %dma_wait3A_75] : memref<10240x128xf32, #tpu.memory_space<vmem_shared>> -> memref<10240x128xf32, #tpu.memory_space<vmem_shared>>
        tpu.wait_indirect_dma semaphore(%run_scoped3A_64 : memref<!tpu.dma_semaphore, #tpu.memory_space<semaphore_mem>>) src(%arg9 : memref<80x128xf32, #tpu.memory_space<vmem>>) dst(%dma_wait3A_76 : memref<10240x128xf32, #tpu.memory_space<vmem_shared>>)
        tpu.yield
      }) : () -> ()
      %add3A_49 = arith.constant 2 : i32
      %add3A_50 = arith.addi %add3A_35, %add3A_49 : i32
      %mul3A_51 = arith.constant 80 : i32
      %mul3A_52 = arith.muli %add3A_50, %mul3A_51 : i32
      %dma_start3A_53 = tpu.memref_slice %arg7[%mul3A_52] : memref<10000xi32, #tpu.memory_space<vmem>> -> memref<80xi32, #tpu.memory_space<vmem>>
      %dma_start3A_54 = arith.constant 0 : i32
      %dma_start3A_55 = arith.constant 0 : i32
      %dma_start3A_56 = tpu.memref_slice %arg2[%dma_start3A_54, %dma_start3A_55] : memref<10240x128xf32, #tpu.memory_space<hbm>> -> memref<10240x128xf32, #tpu.memory_space<hbm>>
      tpu.enqueue_indirect_dma source(%dma_start3A_56 : memref<10240x128xf32, #tpu.memory_space<hbm>>) target(%arg9 : memref<80x128xf32, #tpu.memory_space<vmem>>) offsets(%dma_start3A_53 : memref<80xi32, #tpu.memory_space<vmem>>) semaphore(%arg11 : memref<!tpu.dma_semaphore, #tpu.memory_space<semaphore_mem>>)
      %dma_wait3A_57 = arith.constant 0 : i32
      %dma_wait3A_58 = tpu.memref_slice %arg7[%dma_wait3A_57] : memref<10000xi32, #tpu.memory_space<vmem>> -> memref<80xi32, #tpu.memory_space<vmem>>
      %dma_wait3A_59 = arith.constant 0 : i32
      %dma_wait3A_60 = arith.constant 0 : i32
      %dma_wait3A_61 = tpu.memref_slice %arg2[%dma_wait3A_59, %dma_wait3A_60] : memref<10240x128xf32, #tpu.memory_space<hbm>> -> memref<10240x128xf32, #tpu.memory_space<hbm>>
      tpu.wait_indirect_dma semaphore(%arg12 : memref<!tpu.dma_semaphore, #tpu.memory_space<semaphore_mem>>) src(%dma_wait3A_61 : memref<10240x128xf32, #tpu.memory_space<hbm>>) dst(%arg10 : memref<80x128xf32, #tpu.memory_space<vmem>>)
      %add3A_62 = arith.constant 1 : i32
      %add3A_63 = arith.addi %add3A_35, %add3A_62 : i32
      "tpu.region"() ({
        %run_scoped3A_64 = tpu.sem_alloc : memref<!tpu.dma_semaphore, #tpu.memory_space<semaphore_mem>>
        %dma_start3A_65 = arith.constant 0 : i32
        %dma_start3A_66 = tpu.memref_slice %arg8[%add3A_63, %dma_start3A_65] : memref<125x80xi32, #tpu.memory_space<vmem>> -> memref<1x80xi32, #tpu.memory_space<vmem>>
        %dma_start3A_67 = tpu.memref_squeeze %dma_start3A_66 : memref<1x80xi32, #tpu.memory_space<vmem>> -> memref<80xi32, #tpu.memory_space<vmem>>
        %dma_start3A_68 = arith.constant 0 : i32
        %dma_start3A_69 = arith.constant 0 : i32
        %dma_start3A_70 = tpu.memref_slice %arg6[%dma_start3A_68, %dma_start3A_69] : memref<10240x128xf32, #tpu.memory_space<vmem_shared>> -> memref<10240x128xf32, #tpu.memory_space<vmem_shared>>
        tpu.enqueue_indirect_dma source(%arg10 : memref<80x128xf32, #tpu.memory_space<vmem>>) target(%dma_start3A_70 : memref<10240x128xf32, #tpu.memory_space<vmem_shared>>) offsets(%dma_start3A_67 : memref<80xi32, #tpu.memory_space<vmem>>) semaphore(%run_scoped3A_64 : memref<!tpu.dma_semaphore, #tpu.memory_space<semaphore_mem>>) {add = true}
        %dma_wait3A_71 = arith.constant 0 : i32
        %dma_wait3A_72 = tpu.memref_slice %arg8[%add3A_63, %dma_wait3A_71] : memref<125x80xi32, #tpu.memory_space<vmem>> -> memref<1x80xi32, #tpu.memory_space<vmem>>
        %dma_wait3A_73 = tpu.memref_squeeze %dma_wait3A_72 : memref<1x80xi32, #tpu.memory_space<vmem>> -> memref<80xi32, #tpu.memory_space<vmem>>
        %dma_wait3A_74 = arith.constant 0 : i32
        %dma_wait3A_75 = arith.constant 0 : i32
        %dma_wait3A_76 = tpu.memref_slice %arg6[%dma_wait3A_74, %dma_wait3A_75] : memref<10240x128xf32, #tpu.memory_space<vmem_shared>> -> memref<10240x128xf32, #tpu.memory_space<vmem_shared>>
        tpu.wait_indirect_dma semaphore(%run_scoped3A_64 : memref<!tpu.dma_semaphore, #tpu.memory_space<semaphore_mem>>) src(%arg10 : memref<80x128xf32, #tpu.memory_space<vmem>>) dst(%dma_wait3A_76 : memref<10240x128xf32, #tpu.memory_space<vmem_shared>>)
        tpu.yield
      }) : () -> ()
    }
    %scan3A_20 = arith.constant 62 : i32
    %dma_wait3A = arith.constant 0 : i32
    %dma_wait3A_21 = tpu.memref_slice %arg7[%dma_wait3A] : memref<10000xi32, #tpu.memory_space<vmem>> -> memref<80xi32, #tpu.memory_space<vmem>>
    %dma_wait3A_22 = arith.constant 0 : i32
    %dma_wait3A_23 = arith.constant 0 : i32
    %dma_wait3A_24 = tpu.memref_slice %arg2[%dma_wait3A_22, %dma_wait3A_23] : memref<10240x128xf32, #tpu.memory_space<hbm>> -> memref<10240x128xf32, #tpu.memory_space<hbm>>
    tpu.wait_indirect_dma semaphore(%arg11 : memref<!tpu.dma_semaphore, #tpu.memory_space<semaphore_mem>>) src(%dma_wait3A_24 : memref<10240x128xf32, #tpu.memory_space<hbm>>) dst(%arg9 : memref<80x128xf32, #tpu.memory_space<vmem>>)
    %run_scoped3A = arith.constant 124 : i32
    "tpu.region"() ({
      %run_scoped3A_31 = tpu.sem_alloc : memref<!tpu.dma_semaphore, #tpu.memory_space<semaphore_mem>>
      %dma_start3A_32 = arith.constant 0 : i32
      %dma_start3A_33 = tpu.memref_slice %arg8[%run_scoped3A, %dma_start3A_32] : memref<125x80xi32, #tpu.memory_space<vmem>> -> memref<1x80xi32, #tpu.memory_space<vmem>>
      %dma_start3A_34 = tpu.memref_squeeze %dma_start3A_33 : memref<1x80xi32, #tpu.memory_space<vmem>> -> memref<80xi32, #tpu.memory_space<vmem>>
      %dma_start3A_35 = arith.constant 0 : i32
      %dma_start3A_36 = arith.constant 0 : i32
      %dma_start3A_37 = tpu.memref_slice %arg6[%dma_start3A_35, %dma_start3A_36] : memref<10240x128xf32, #tpu.memory_space<vmem_shared>> -> memref<10240x128xf32, #tpu.memory_space<vmem_shared>>
      tpu.enqueue_indirect_dma source(%arg9 : memref<80x128xf32, #tpu.memory_space<vmem>>) target(%dma_start3A_37 : memref<10240x128xf32, #tpu.memory_space<vmem_shared>>) offsets(%dma_start3A_34 : memref<80xi32, #tpu.memory_space<vmem>>) semaphore(%run_scoped3A_31 : memref<!tpu.dma_semaphore, #tpu.memory_space<semaphore_mem>>) {add = true}
      %dma_wait3A_38 = arith.constant 0 : i32
      %dma_wait3A_39 = tpu.memref_slice %arg8[%run_scoped3A, %dma_wait3A_38] : memref<125x80xi32, #tpu.memory_space<vmem>> -> memref<1x80xi32, #tpu.memory_space<vmem>>
      %dma_wait3A_40 = tpu.memref_squeeze %dma_wait3A_39 : memref<1x80xi32, #tpu.memory_space<vmem>> -> memref<80xi32, #tpu.memory_space<vmem>>
      %dma_wait3A_41 = arith.constant 0 : i32
      %dma_wait3A_42 = arith.constant 0 : i32
      %dma_wait3A_43 = tpu.memref_slice %arg6[%dma_wait3A_41, %dma_wait3A_42] : memref<10240x128xf32, #tpu.memory_space<vmem_shared>> -> memref<10240x128xf32, #tpu.memory_space<vmem_shared>>
      tpu.wait_indirect_dma semaphore(%run_scoped3A_31 : memref<!tpu.dma_semaphore, #tpu.memory_space<semaphore_mem>>) src(%arg9 : memref<80x128xf32, #tpu.memory_space<vmem>>) dst(%dma_wait3A_43 : memref<10240x128xf32, #tpu.memory_space<vmem_shared>>)
      tpu.yield
    }) : () -> ()
    %barrier3A_25 = arith.constant 0 : index
    tpu.barrier barrier_id(%barrier3A_25)
    %scan3A_26 = arith.constant 0 : i32
    %scan3A_27 = arith.constant 8 : i32
    %scan3A_28 = arith.addi %scan3A_26, %scan3A_27 : i32
    %scan3A_29 = arith.constant 1 : i32
    scf.for %scan3A_31 = %scan3A_26 to %scan3A_28 step %scan3A_29  : i32 {
      %mul3A_32 = arith.constant 1 : i32
      %mul3A_33 = arith.muli %scan3A_31, %mul3A_32 : i32
      %add3A_34 = arith.constant 0 : i32
      %add3A_35 = arith.addi %add3A_34, %mul3A_33 : i32
      %mul3A_36 = arith.constant 640 : i32
      %mul3A_37 = arith.muli %arg1, %mul3A_36 : i32
      %mul3A_38 = arith.constant 80 : i32
      %mul3A_39 = arith.muli %add3A_35, %mul3A_38 : i32
      %add3A_40 = arith.addi %mul3A_37, %mul3A_39 : i32
      %mul3A_41 = arith.constant 640 : i32
      %mul3A_42 = arith.muli %arg1, %mul3A_41 : i32
      %mul3A_43 = arith.constant 80 : i32
      %mul3A_44 = arith.muli %add3A_35, %mul3A_43 : i32
      %add3A_45 = arith.addi %mul3A_42, %mul3A_44 : i32
      "tpu.region"() ({
        %run_scoped3A_46 = tpu.sem_alloc : memref<!tpu.dma_semaphore, #tpu.memory_space<semaphore_mem>>
        %dma_start3A_47 = arith.constant 0 : i32
        %dma_start3A_48 = arith.constant 0 : i32
        %dma_start3A_49 = tpu.memref_slice %arg5[%arg0, %dma_start3A_47, %dma_start3A_48] : memref<2x10240x128xf32, #tpu.memory_space<hbm>> -> memref<1x10240x128xf32, #tpu.memory_space<hbm>>
        %dma_start3A_50 = tpu.memref_squeeze %dma_start3A_49 : memref<1x10240x128xf32, #tpu.memory_space<hbm>> -> memref<10240x128xf32, #tpu.memory_space<hbm>>
        %dma_start3A_51 = arith.constant 0 : i32
        %dma_start3A_52 = tpu.memref_slice %dma_start3A_50[%add3A_45, %dma_start3A_51] : memref<10240x128xf32, #tpu.memory_space<hbm>> -> memref<80x128xf32, #tpu.memory_space<hbm>>
        %dma_start3A_53 = arith.constant 0 : i32
        %dma_start3A_54 = tpu.memref_slice %arg6[%add3A_40, %dma_start3A_53] : memref<10240x128xf32, #tpu.memory_space<vmem_shared>> -> memref<80x128xf32, #tpu.memory_space<vmem_shared>>
        tpu.enqueue_dma source(%dma_start3A_54 : memref<80x128xf32, #tpu.memory_space<vmem_shared>>) target(%dma_start3A_52 : memref<80x128xf32, #tpu.memory_space<hbm>>) target_semaphore(%run_scoped3A_46 : memref<!tpu.dma_semaphore, #tpu.memory_space<semaphore_mem>>)
        %dma_wait3A_55 = arith.constant 0 : i32
        %dma_wait3A_56 = arith.constant 0 : i32
        %dma_wait3A_57 = tpu.memref_slice %arg5[%arg0, %dma_wait3A_55, %dma_wait3A_56] : memref<2x10240x128xf32, #tpu.memory_space<hbm>> -> memref<1x10240x128xf32, #tpu.memory_space<hbm>>
        %dma_wait3A_58 = tpu.memref_squeeze %dma_wait3A_57 : memref<1x10240x128xf32, #tpu.memory_space<hbm>> -> memref<10240x128xf32, #tpu.memory_space<hbm>>
        %dma_wait3A_59 = arith.constant 0 : i32
        %dma_wait3A_60 = tpu.memref_slice %dma_wait3A_58[%add3A_45, %dma_wait3A_59] : memref<10240x128xf32, #tpu.memory_space<hbm>> -> memref<80x128xf32, #tpu.memory_space<hbm>>
        %dma_wait3A_61 = arith.constant 0 : i32
        %dma_wait3A_62 = tpu.memref_slice %arg6[%add3A_40, %dma_wait3A_61] : memref<10240x128xf32, #tpu.memory_space<vmem_shared>> -> memref<80x128xf32, #tpu.memory_space<vmem_shared>>
        tpu.wait_dma2 semaphore(%run_scoped3A_46 : memref<!tpu.dma_semaphore, #tpu.memory_space<semaphore_mem>>) src(%dma_wait3A_62 : memref<80x128xf32, #tpu.memory_space<vmem_shared>>) dst(%dma_wait3A_60 : memref<80x128xf32, #tpu.memory_space<hbm>>)
        tpu.yield
      }) : () -> ()
    }
    %scan3A_30 = arith.constant 8 : i32
    return
  }
}

module attributes {stable_mosaic.version = 14 : i64} {
  func.func @_pre_body(%arg0: i32, %arg1: memref<2048x128xf32, #tpu.memory_space<vmem>>, %arg2: memref<128x128xf32, #tpu.memory_space<vmem>>, %arg3: memref<1x128xf32, #tpu.memory_space<vmem>>, %arg4: memref<2048x128xf32, #tpu.memory_space<vmem>>, %arg5: memref<2048x128xf32, #tpu.memory_space<vmem>>, %arg6: memref<2048x128xf32, #tpu.memory_space<vmem>>) attributes {dimension_semantics = [#tpu.dimension_semantics<arbitrary>], iteration_bounds = array<i64: 5>, scalar_prefetch = 0 : i64, scratch_operands = 0 : i64, tpu.core_type = #tpu.core_type<tc>, window_params = [{transform_indices = @transform_0, window_bounds = array<i64: 2048, 128>}, {pipeline_mode = #tpu.pipeline_mode<synchronous>, transform_indices = @transform_1, window_bounds = array<i64: 128, 128>}, {pipeline_mode = #tpu.pipeline_mode<synchronous>, transform_indices = @transform_2, window_bounds = array<i64: 1, 128>}, {transform_indices = @transform_3, window_bounds = array<i64: 2048, 128>}, {transform_indices = @transform_4, window_bounds = array<i64: 2048, 128>}, {transform_indices = @transform_5, window_bounds = array<i64: 2048, 128>}]} {
    %get3A = arith.constant 0 : index
    %get3A_0 = arith.constant 0 : index
    %get3A_1 = vector.load %arg1[%get3A, %get3A_0] : memref<2048x128xf32, #tpu.memory_space<vmem>>, vector<2048x128xf32>
    %get3A_2 = arith.constant 0 : index
    %get3A_3 = arith.constant 0 : index
    %get3A_4 = vector.load %arg2[%get3A_2, %get3A_3] : memref<128x128xf32, #tpu.memory_space<vmem>>, vector<128x128xf32>
    %dot_general3A = arith.constant dense<0.000000e+00> : vector<2048x128xf32>
    %dot_general3A_5 = tpu.matmul %get3A_1, %get3A_4, %dot_general3A {dimension_numbers = #tpu.dot_dimension_numbers<[1], [0], [0], [1], [0, 0, 1, 1], [], []>, precision = #tpu.contract_precision<fp32>, transpose_lhs_hint = false} : vector<2048x128xf32>, vector<128x128xf32>, vector<2048x128xf32> -> vector<2048x128xf32>
    %get3A_6 = arith.constant 0 : index
    %get3A_7 = arith.constant 0 : index
    %get3A_8 = vector.load %arg3[%get3A_6, %get3A_7] : memref<1x128xf32, #tpu.memory_space<vmem>>, vector<1x128xf32>
    %add3A = vector.broadcast %get3A_8 : vector<1x128xf32> to vector<2048x128xf32>
    %add3A_9 = arith.addf %dot_general3A_5, %add3A : vector<2048x128xf32>
    %max3A = arith.constant 0.000000e+00 : f32
    %max3A_10 = vector.broadcast %max3A : f32 to vector<2048x128xf32>
    %max3A_11 = arith.maximumf %add3A_9, %max3A_10 : vector<2048x128xf32>
    %swap3A = arith.constant 0 : index
    %swap3A_12 = arith.constant 0 : index
    %swap3A_13 = vector.load %arg5[%swap3A, %swap3A_12] : memref<2048x128xf32, #tpu.memory_space<vmem>>, vector<2048x128xf32>
    tpu.vector_store %arg5[%swap3A, %swap3A_12], %max3A_11 {strides = array<i32>} : memref<2048x128xf32, #tpu.memory_space<vmem>>, vector<2048x128xf32>,
    %get3A_14 = arith.constant 0 : index
    %get3A_15 = arith.constant 0 : index
    %get3A_16 = vector.load %arg4[%get3A_14, %get3A_15] : memref<2048x128xf32, #tpu.memory_space<vmem>>, vector<2048x128xf32>
    %mul3A = arith.mulf %max3A_11, %get3A_16 : vector<2048x128xf32>
    %swap3A_17 = arith.constant 0 : index
    %swap3A_18 = arith.constant 0 : index
    %swap3A_19 = vector.load %arg6[%swap3A_17, %swap3A_18] : memref<2048x128xf32, #tpu.memory_space<vmem>>, vector<2048x128xf32>
    tpu.vector_store %arg6[%swap3A_17, %swap3A_18], %mul3A {strides = array<i32>} : memref<2048x128xf32, #tpu.memory_space<vmem>>, vector<2048x128xf32>,
    return
  }
  func.func @transform_0(%arg0: i32) -> (i32, i32) {
    %c0_i32 = arith.constant 0 : i32
    %c0_i32_0 = arith.constant 0 : i32
    return %arg0, %c0_i32 : i32, i32
  }
  func.func @transform_1(%arg0: i32) -> (i32, i32) {
    %c0_i32 = arith.constant 0 : i32
    %c0_i32_0 = arith.constant 0 : i32
    %c0_i32_1 = arith.constant 0 : i32
    return %c0_i32, %c0_i32_0 : i32, i32
  }
  func.func @transform_2(%arg0: i32) -> (i32, i32) {
    %c0_i32 = arith.constant 0 : i32
    %c0_i32_0 = arith.constant 0 : i32
    %c0_i32_1 = arith.constant 0 : i32
    return %c0_i32, %c0_i32_0 : i32, i32
  }
  func.func @transform_3(%arg0: i32) -> (i32, i32) {
    %c0_i32 = arith.constant 0 : i32
    %c0_i32_0 = arith.constant 0 : i32
    return %arg0, %c0_i32 : i32, i32
  }
  func.func @transform_4(%arg0: i32) -> (i32, i32) {
    %c0_i32 = arith.constant 0 : i32
    %c0_i32_0 = arith.constant 0 : i32
    return %arg0, %c0_i32 : i32, i32
  }
  func.func @transform_5(%arg0: i32) -> (i32, i32) {
    %c0_i32 = arith.constant 0 : i32
    %c0_i32_0 = arith.constant 0 : i32
    return %arg0, %c0_i32 : i32, i32
  }
}

module attributes {stable_mosaic.version = 14 : i64} {
  func.func @_mid_body(%arg0: i32, %arg1: memref<2x2048x128xf32, #tpu.memory_space<vmem>>, %arg2: memref<2048x128xf32, #tpu.memory_space<vmem>>, %arg3: memref<2048x128xf32, #tpu.memory_space<vmem>>, %arg4: memref<128x128xf32, #tpu.memory_space<vmem>>, %arg5: memref<1x128xf32, #tpu.memory_space<vmem>>, %arg6: memref<2048x128xf32, #tpu.memory_space<vmem>>, %arg7: memref<2048x128xf32, #tpu.memory_space<vmem>>) attributes {dimension_semantics = [#tpu.dimension_semantics<arbitrary>], iteration_bounds = array<i64: 5>, scalar_prefetch = 0 : i64, scratch_operands = 0 : i64, tpu.core_type = #tpu.core_type<tc>, window_params = [{transform_indices = @transform_0, window_bounds = array<i64: 2, 2048, 128>}, {transform_indices = @transform_1, window_bounds = array<i64: 2048, 128>}, {transform_indices = @transform_2, window_bounds = array<i64: 2048, 128>}, {pipeline_mode = #tpu.pipeline_mode<synchronous>, transform_indices = @transform_3, window_bounds = array<i64: 128, 128>}, {pipeline_mode = #tpu.pipeline_mode<synchronous>, transform_indices = @transform_4, window_bounds = array<i64: 1, 128>}, {transform_indices = @transform_5, window_bounds = array<i64: 2048, 128>}, {transform_indices = @transform_6, window_bounds = array<i64: 2048, 128>}]} {
    %get3A = arith.constant 0 : index
    %get3A_0 = arith.constant 0 : index
    %get3A_1 = arith.constant 0 : index
    %get3A_2 = vector.load %arg1[%get3A, %get3A_0, %get3A_1] : memref<2x2048x128xf32, #tpu.memory_space<vmem>>, vector<1x2048x128xf32>
    %get3A_3 = vector.shape_cast %get3A_2 : vector<1x2048x128xf32> to vector<2048x128xf32>
    %get3A_4 = arith.constant 1 : index
    %get3A_5 = arith.constant 0 : index
    %get3A_6 = arith.constant 0 : index
    %get3A_7 = vector.load %arg1[%get3A_4, %get3A_5, %get3A_6] : memref<2x2048x128xf32, #tpu.memory_space<vmem>>, vector<1x2048x128xf32>
    %get3A_8 = vector.shape_cast %get3A_7 : vector<1x2048x128xf32> to vector<2048x128xf32>
    %add3A = arith.addf %get3A_3, %get3A_8 : vector<2048x128xf32>
    %get3A_9 = arith.constant 0 : index
    %get3A_10 = arith.constant 0 : index
    %get3A_11 = vector.load %arg2[%get3A_9, %get3A_10] : memref<2048x128xf32, #tpu.memory_space<vmem>>, vector<2048x128xf32>
    %mul3A = arith.mulf %add3A, %get3A_11 : vector<2048x128xf32>
    %get3A_12 = arith.constant 0 : index
    %get3A_13 = arith.constant 0 : index
    %get3A_14 = vector.load %arg4[%get3A_12, %get3A_13] : memref<128x128xf32, #tpu.memory_space<vmem>>, vector<128x128xf32>
    %dot_general3A = arith.constant dense<0.000000e+00> : vector<2048x128xf32>
    %dot_general3A_15 = tpu.matmul %mul3A, %get3A_14, %dot_general3A {dimension_numbers = #tpu.dot_dimension_numbers<[1], [0], [0], [1], [0, 0, 1, 1], [], []>, precision = #tpu.contract_precision<fp32>, transpose_lhs_hint = false} : vector<2048x128xf32>, vector<128x128xf32>, vector<2048x128xf32> -> vector<2048x128xf32>
    %get3A_16 = arith.constant 0 : index
    %get3A_17 = arith.constant 0 : index
    %get3A_18 = vector.load %arg5[%get3A_16, %get3A_17] : memref<1x128xf32, #tpu.memory_space<vmem>>, vector<1x128xf32>
    %add3A_19 = vector.broadcast %get3A_18 : vector<1x128xf32> to vector<2048x128xf32>
    %add3A_20 = arith.addf %dot_general3A_15, %add3A_19 : vector<2048x128xf32>
    %get3A_21 = arith.constant 0 : index
    %get3A_22 = arith.constant 0 : index
    %get3A_23 = vector.load %arg3[%get3A_21, %get3A_22] : memref<2048x128xf32, #tpu.memory_space<vmem>>, vector<2048x128xf32>
    %add3A_24 = arith.addf %add3A_20, %get3A_23 : vector<2048x128xf32>
    %max3A = arith.constant 0.000000e+00 : f32
    %max3A_25 = vector.broadcast %max3A : f32 to vector<2048x128xf32>
    %max3A_26 = arith.maximumf %add3A_24, %max3A_25 : vector<2048x128xf32>
    %swap3A = arith.constant 0 : index
    %swap3A_27 = arith.constant 0 : index
    %swap3A_28 = vector.load %arg6[%swap3A, %swap3A_27] : memref<2048x128xf32, #tpu.memory_space<vmem>>, vector<2048x128xf32>
    tpu.vector_store %arg6[%swap3A, %swap3A_27], %max3A_26 {strides = array<i32>} : memref<2048x128xf32, #tpu.memory_space<vmem>>, vector<2048x128xf32>,
    %get3A_29 = arith.constant 0 : index
    %get3A_30 = arith.constant 0 : index
    %get3A_31 = vector.load %arg2[%get3A_29, %get3A_30] : memref<2048x128xf32, #tpu.memory_space<vmem>>, vector<2048x128xf32>
    %mul3A_32 = arith.mulf %max3A_26, %get3A_31 : vector<2048x128xf32>
    %swap3A_33 = arith.constant 0 : index
    %swap3A_34 = arith.constant 0 : index
    %swap3A_35 = vector.load %arg7[%swap3A_33, %swap3A_34] : memref<2048x128xf32, #tpu.memory_space<vmem>>, vector<2048x128xf32>
    tpu.vector_store %arg7[%swap3A_33, %swap3A_34], %mul3A_32 {strides = array<i32>} : memref<2048x128xf32, #tpu.memory_space<vmem>>, vector<2048x128xf32>,
    return
  }
  func.func @transform_0(%arg0: i32) -> (i32, i32, i32) {
    %c0_i32 = arith.constant 0 : i32
    %c0_i32_0 = arith.constant 0 : i32
    %c0_i32_1 = arith.constant 0 : i32
    return %c0_i32, %arg0, %c0_i32_0 : i32, i32, i32
  }
  func.func @transform_1(%arg0: i32) -> (i32, i32) {
    %c0_i32 = arith.constant 0 : i32
    %c0_i32_0 = arith.constant 0 : i32
    return %arg0, %c0_i32 : i32, i32
  }
  func.func @transform_2(%arg0: i32) -> (i32, i32) {
    %c0_i32 = arith.constant 0 : i32
    %c0_i32_0 = arith.constant 0 : i32
    return %arg0, %c0_i32 : i32, i32
  }
  func.func @transform_3(%arg0: i32) -> (i32, i32) {
    %c0_i32 = arith.constant 0 : i32
    %c0_i32_0 = arith.constant 0 : i32
    %c0_i32_1 = arith.constant 0 : i32
    return %c0_i32, %c0_i32_0 : i32, i32
  }
  func.func @transform_4(%arg0: i32) -> (i32, i32) {
    %c0_i32 = arith.constant 0 : i32
    %c0_i32_0 = arith.constant 0 : i32
    %c0_i32_1 = arith.constant 0 : i32
    return %c0_i32, %c0_i32_0 : i32, i32
  }
  func.func @transform_5(%arg0: i32) -> (i32, i32) {
    %c0_i32 = arith.constant 0 : i32
    %c0_i32_0 = arith.constant 0 : i32
    return %arg0, %c0_i32 : i32, i32
  }
  func.func @transform_6(%arg0: i32) -> (i32, i32) {
    %c0_i32 = arith.constant 0 : i32
    %c0_i32_0 = arith.constant 0 : i32
    return %arg0, %c0_i32 : i32, i32
  }
}

module attributes {stable_mosaic.version = 14 : i64} {
  func.func @_final_body(%arg0: i32, %arg1: memref<2x2048x128xf32, #tpu.memory_space<vmem>>, %arg2: memref<2048x128xf32, #tpu.memory_space<vmem>>, %arg3: memref<2048x128xf32, #tpu.memory_space<vmem>>, %arg4: memref<128x128xf32, #tpu.memory_space<vmem>>, %arg5: memref<1x128xf32, #tpu.memory_space<vmem>>, %arg6: memref<128x128xf32, #tpu.memory_space<vmem>>, %arg7: memref<1x128xf32, #tpu.memory_space<vmem>>, %arg8: memref<2048x128xf32, #tpu.memory_space<vmem>>) attributes {dimension_semantics = [#tpu.dimension_semantics<arbitrary>], iteration_bounds = array<i64: 5>, scalar_prefetch = 0 : i64, scratch_operands = 0 : i64, tpu.core_type = #tpu.core_type<tc>, window_params = [{transform_indices = @transform_0, window_bounds = array<i64: 2, 2048, 128>}, {transform_indices = @transform_1, window_bounds = array<i64: 2048, 128>}, {transform_indices = @transform_2, window_bounds = array<i64: 2048, 128>}, {pipeline_mode = #tpu.pipeline_mode<synchronous>, transform_indices = @transform_3, window_bounds = array<i64: 128, 128>}, {pipeline_mode = #tpu.pipeline_mode<synchronous>, transform_indices = @transform_4, window_bounds = array<i64: 1, 128>}, {pipeline_mode = #tpu.pipeline_mode<synchronous>, transform_indices = @transform_5, window_bounds = array<i64: 128, 128>}, {pipeline_mode = #tpu.pipeline_mode<synchronous>, transform_indices = @transform_6, window_bounds = array<i64: 1, 128>}, {transform_indices = @transform_7, window_bounds = array<i64: 2048, 128>}]} {
    %get3A = arith.constant 0 : index
    %get3A_0 = arith.constant 0 : index
    %get3A_1 = arith.constant 0 : index
    %get3A_2 = vector.load %arg1[%get3A, %get3A_0, %get3A_1] : memref<2x2048x128xf32, #tpu.memory_space<vmem>>, vector<1x2048x128xf32>
    %get3A_3 = vector.shape_cast %get3A_2 : vector<1x2048x128xf32> to vector<2048x128xf32>
    %get3A_4 = arith.constant 1 : index
    %get3A_5 = arith.constant 0 : index
    %get3A_6 = arith.constant 0 : index
    %get3A_7 = vector.load %arg1[%get3A_4, %get3A_5, %get3A_6] : memref<2x2048x128xf32, #tpu.memory_space<vmem>>, vector<1x2048x128xf32>
    %get3A_8 = vector.shape_cast %get3A_7 : vector<1x2048x128xf32> to vector<2048x128xf32>
    %add3A = arith.addf %get3A_3, %get3A_8 : vector<2048x128xf32>
    %get3A_9 = arith.constant 0 : index
    %get3A_10 = arith.constant 0 : index
    %get3A_11 = vector.load %arg2[%get3A_9, %get3A_10] : memref<2048x128xf32, #tpu.memory_space<vmem>>, vector<2048x128xf32>
    %mul3A = arith.mulf %add3A, %get3A_11 : vector<2048x128xf32>
    %get3A_12 = arith.constant 0 : index
    %get3A_13 = arith.constant 0 : index
    %get3A_14 = vector.load %arg4[%get3A_12, %get3A_13] : memref<128x128xf32, #tpu.memory_space<vmem>>, vector<128x128xf32>
    %dot_general3A = arith.constant dense<0.000000e+00> : vector<2048x128xf32>
    %dot_general3A_15 = tpu.matmul %mul3A, %get3A_14, %dot_general3A {dimension_numbers = #tpu.dot_dimension_numbers<[1], [0], [0], [1], [0, 0, 1, 1], [], []>, precision = #tpu.contract_precision<fp32>, transpose_lhs_hint = false} : vector<2048x128xf32>, vector<128x128xf32>, vector<2048x128xf32> -> vector<2048x128xf32>
    %get3A_16 = arith.constant 0 : index
    %get3A_17 = arith.constant 0 : index
    %get3A_18 = vector.load %arg5[%get3A_16, %get3A_17] : memref<1x128xf32, #tpu.memory_space<vmem>>, vector<1x128xf32>
    %add3A_19 = vector.broadcast %get3A_18 : vector<1x128xf32> to vector<2048x128xf32>
    %add3A_20 = arith.addf %dot_general3A_15, %add3A_19 : vector<2048x128xf32>
    %get3A_21 = arith.constant 0 : index
    %get3A_22 = arith.constant 0 : index
    %get3A_23 = vector.load %arg3[%get3A_21, %get3A_22] : memref<2048x128xf32, #tpu.memory_space<vmem>>, vector<2048x128xf32>
    %add3A_24 = arith.addf %add3A_20, %get3A_23 : vector<2048x128xf32>
    %max3A = arith.constant 0.000000e+00 : f32
    %max3A_25 = vector.broadcast %max3A : f32 to vector<2048x128xf32>
    %max3A_26 = arith.maximumf %add3A_24, %max3A_25 : vector<2048x128xf32>
    %get3A_27 = arith.constant 0 : index
    %get3A_28 = arith.constant 0 : index
    %get3A_29 = vector.load %arg6[%get3A_27, %get3A_28] : memref<128x128xf32, #tpu.memory_space<vmem>>, vector<128x128xf32>
    %dot_general3A_30 = arith.constant dense<0.000000e+00> : vector<2048x128xf32>
    %dot_general3A_31 = tpu.matmul %max3A_26, %get3A_29, %dot_general3A_30 {dimension_numbers = #tpu.dot_dimension_numbers<[1], [0], [0], [1], [0, 0, 1, 1], [], []>, precision = #tpu.contract_precision<fp32>, transpose_lhs_hint = false} : vector<2048x128xf32>, vector<128x128xf32>, vector<2048x128xf32> -> vector<2048x128xf32>
    %get3A_32 = arith.constant 0 : index
    %get3A_33 = arith.constant 0 : index
    %get3A_34 = vector.load %arg7[%get3A_32, %get3A_33] : memref<1x128xf32, #tpu.memory_space<vmem>>, vector<1x128xf32>
    %add3A_35 = vector.broadcast %get3A_34 : vector<1x128xf32> to vector<2048x128xf32>
    %add3A_36 = arith.addf %dot_general3A_31, %add3A_35 : vector<2048x128xf32>
    %swap3A = arith.constant 0 : index
    %swap3A_37 = arith.constant 0 : index
    %swap3A_38 = vector.load %arg8[%swap3A, %swap3A_37] : memref<2048x128xf32, #tpu.memory_space<vmem>>, vector<2048x128xf32>
    tpu.vector_store %arg8[%swap3A, %swap3A_37], %add3A_36 {strides = array<i32>} : memref<2048x128xf32, #tpu.memory_space<vmem>>, vector<2048x128xf32>,
    return
  }
  func.func @transform_0(%arg0: i32) -> (i32, i32, i32) {
    %c0_i32 = arith.constant 0 : i32
    %c0_i32_0 = arith.constant 0 : i32
    %c0_i32_1 = arith.constant 0 : i32
    return %c0_i32, %arg0, %c0_i32_0 : i32, i32, i32
  }
  func.func @transform_1(%arg0: i32) -> (i32, i32) {
    %c0_i32 = arith.constant 0 : i32
    %c0_i32_0 = arith.constant 0 : i32
    return %arg0, %c0_i32 : i32, i32
  }
  func.func @transform_2(%arg0: i32) -> (i32, i32) {
    %c0_i32 = arith.constant 0 : i32
    %c0_i32_0 = arith.constant 0 : i32
    return %arg0, %c0_i32 : i32, i32
  }
  func.func @transform_3(%arg0: i32) -> (i32, i32) {
    %c0_i32 = arith.constant 0 : i32
    %c0_i32_0 = arith.constant 0 : i32
    %c0_i32_1 = arith.constant 0 : i32
    return %c0_i32, %c0_i32_0 : i32, i32
  }
  func.func @transform_4(%arg0: i32) -> (i32, i32) {
    %c0_i32 = arith.constant 0 : i32
    %c0_i32_0 = arith.constant 0 : i32
    %c0_i32_1 = arith.constant 0 : i32
    return %c0_i32, %c0_i32_0 : i32, i32
  }
  func.func @transform_5(%arg0: i32) -> (i32, i32) {
    %c0_i32 = arith.constant 0 : i32
    %c0_i32_0 = arith.constant 0 : i32
    %c0_i32_1 = arith.constant 0 : i32
    return %c0_i32, %c0_i32_0 : i32, i32
  }
  func.func @transform_6(%arg0: i32) -> (i32, i32) {
    %c0_i32 = arith.constant 0 : i32
    %c0_i32_0 = arith.constant 0 : i32
    %c0_i32_1 = arith.constant 0 : i32
    return %c0_i32, %c0_i32_0 : i32, i32
  }
  func.func @transform_7(%arg0: i32) -> (i32, i32) {
    %c0_i32 = arith.constant 0 : i32
    %c0_i32_0 = arith.constant 0 : i32
    return %arg0, %c0_i32 : i32, i32
  }
}

</mosaic_0001>

<sc_bundles>
// kernel: kernel.10.cloned.1.call-start
scs
__scs_entry_jumppad:
0x0: {  	(pc) =	sbr.rel $0x88, $3  }
0x1: {  	(tag) =	ssettag $0x0;
	lr =	simm.s32 $0x1  }
0x2: {  	[smem:$0x3F95] =	sst lr;
	_ =	strace $0xD0000000  }
0x3: {  	_ = 	snop  }
0x4: {  	_ = 	snop  }
0x5: {  	_ = 	snop  }
0x6: {  	_ = 	snop  }
0x7: {  	_ = 	snop  }
__scs_overlays_trampoline_lowered:
0x8: {  	[smem:$0x3FA4] =	sst s0  }
0x9: {  	[smem:$0x3FA5] =	sst s1  }
0xa: {  	[smem:$0x3FA6] =	sst s2  }
0xb: {  	[smem:$0x3FA7] =	sst s3  }
0xc: {  	[smem:$0x3FA8] =	sst s4  }
0xd: {  	[smem:$0x3FA9] =	sst s5  }
0xe: {  	[smem:$0x3FAA] =	sst s6  }
0xf: {  	[smem:$0x3FAB] =	sst s7  }
0x10: {  	[smem:$0x3FAC] =	sst s8  }
0x11: {  	[smem:$0x3FAD] =	sst s9;
	s0 =	simm.s32 @!p0 $0x0  }
0x12: {  	s1 =	sld [smem:$0x3F93];
	s0 =	simm.s32 @p0 $0x1  }
0x13: {  	[smem:$0x3FAE] =	sst s0;
	s0 =	simm.s32 @!p1 $0x0  }
0x14: {  	s2 =	sld [smem:$0x3F92];
	s0 =	simm.s32 @p1 $0x1  }
0x15: {  	[smem:$0x3FAF] =	sst s0;
	s0 =	simm.s32 @!p2 $0x0  }
0x16: {  	s3 =	sld [smem:$0x3FDB];
	s0 =	simm.s32 @p2 $0x1  }
0x17: {  	s4 =	simm.s32 $0x1BF5;
	[smem:$0x3FB1] =	sst s0  }
0x18: {  	s0 =	sld [smem:$0x3F94];
	_ =	swait.ge [sflag:s4], $0x0  }
0x19: {  	s7 =	sld [smem:$0x3F95]  }
0x1a: {  	s8 =	sadd.s32 $0xFFFFE003, lr  }
0x1b: {  	s9 =	sadd.s32 $0xFFFFFEF7, lr;
	s5 =	simm.s32 $0xFFFFFFFF;
	p2 =	slt.u32 s8, $0xFFFFF086  }
0x1c: {  	p1 =	slt.u32 s9, $0xF7A;
	s5 =	simm.s32 @!p2 $0x0  }
0x1d: {  	s5 =	simm.s32 @p1 $0x1;
	p0 =	seq.s32 s7, s2  }
0x1e: {  	s7 =	smul.u32 @!p0 $0xF7A, s2;
	p2 =	seq.s32 @!p0 s5, $0x0  }
0x1f: {  	s9 =	smul.u32 $0xF7A, s1;
	s8 =	simm.s32 @!p0 $0x1BF5;
	p2 =	por !p2, p0  }
0x20: {  	[sflag:s8] =	ssyncset.s32 @!p0 $0xFFFFF086;
	s6 =	sadd.s32 @!p0 s3, s7;
	s7 =	simm.s32 @!p0 $0x108  }
0x21: {  	s3 =	sadd.s32 s3, s9;
	s6 =	sadd.s32 @!p0 $0x88, s6;
	s7 =	simm.s32 @p2 $0x1082  }
0x22: {  	[simem:s7], [sflag:s8] =	dma.local @!p0 [hbm:s6], $0xF7A  }
0x23: {  	s9 =	sor.u32 $0xD0000000, s2;
	s6 =	simm.s32 $0x108;
	_ =	swait.ge @!p0 [sflag:s8], $0x0  }
0x24: {  	s3 =	sadd.s32 $0x88, s3;
	s6 =	simm.s32 @!p1 $0x1082;
	[sflag:s4] =	ssyncset.s32 $0xFFFFF086  }
0x25: {  	[simem:s6], [sflag:s4] =	dma.local [hbm:s3], $0xF7A  }
0x26: {  	[smem:$0x3F95] =	sst s1;
	(tag) =	ssettag s2;
	_ =	strace s9  }
0x27: {  	s1 =	sld [smem:$0x3FA5]  }
0x28: {  	s2 =	sld [smem:$0x3FA6]  }
0x29: {  	s4 =	sld [smem:$0x3FA8]  }
0x2a: {  	p0 =	seq.s32 s5, $0x0;
	s5 =	sld [smem:$0x3FA9]  }
0x2b: {  	s6 =	sld [smem:$0x3FAA]  }
0x2c: {  	s7 =	sld [smem:$0x3FAB]  }
0x2d: {  	s3 =	simm.s32 $0x108;
	s8 =	sld [smem:$0x3FAC]  }
0x2e: {  	s3 =	simm.s32 @!p0 $0x1082;
	s9 =	sld [smem:$0x3FAD]  }
0x2f: {  	lr =	sadd.s32 s0, s3;
	s0 =	sld [smem:$0x3FA4]  }
0x30: {  	s3 =	sld [smem:$0x3FA7]  }
0x31: {  	[smem:$0x3FB0] =	sst s10  }
0x32: {  	s10 =	sld [smem:$0x3FAE];
	_ =	sdelay $0x3  }
0x33: {  	p0 =	seq.s32 s10, $0x1;
	s10 =	sld [smem:$0x3FB0];
	_ =	sdelay $0x3  }
0x34: {  	[smem:$0x3FB0] =	sst s10  }
0x35: {  	s10 =	sld [smem:$0x3FAF];
	_ =	sdelay $0x3  }
0x36: {  	p1 =	seq.s32 s10, $0x1;
	s10 =	sld [smem:$0x3FB0];
	_ =	sdelay $0x3  }
0x37: {  	[smem:$0x3FB0] =	sst s10  }
0x38: {  	s10 =	sld [smem:$0x3FB1]  }
0x39: {  	_ = 	snop;
	(pc) =	sbr.ind lr, $3  }
0x3a: {  	_ = 	snop  }
0x3b: {  	_ = 	snop  }
0x3c: {  	p2 =	seq.s32 s10, $0x1;
	s10 =	sld [smem:$0x3FB0]  }
0x3d: {  	_ =	shalt  }
0x3e: {  	_ =	shalt  }
0x3f: {  	_ =	shalt  }
0x40: {  	_ =	shalt  }
0x41: {  	_ =	shalt  }
0x42: {  	_ =	shalt  }
0x43: {  	_ =	shalt  }
0x44: {  	_ =	shalt  }
0x45: {  	_ =	shalt  }
0x46: {  	_ =	shalt  }
0x47: {  	_ =	shalt  }
0x48: {  	_ =	shalt  }
0x49: {  	_ =	shalt  }
0x4a: {  	_ =	shalt  }
0x4b: {  	_ =	shalt  }
0x4c: {  	_ =	shalt  }
0x4d: {  	_ =	shalt  }
0x4e: {  	_ =	shalt  }
0x4f: {  	_ =	shalt  }
0x50: {  	_ =	shalt  }
0x51: {  	_ =	shalt  }
0x52: {  	_ =	shalt  }
0x53: {  	_ =	shalt  }
0x54: {  	_ =	shalt  }
0x55: {  	_ =	shalt  }
0x56: {  	_ =	shalt  }
0x57: {  	_ =	shalt  }
0x58: {  	_ =	shalt  }
0x59: {  	_ =	shalt  }
0x5a: {  	_ =	shalt  }
0x5b: {  	_ =	shalt  }
0x5c: {  	_ =	shalt  }
0x5d: {  	_ =	shalt  }
0x5e: {  	_ =	shalt  }
0x5f: {  	_ =	shalt  }
0x60: {  	_ =	shalt  }
0x61: {  	_ =	shalt  }
0x62: {  	_ =	shalt  }
0x63: {  	_ =	shalt  }
0x64: {  	_ =	shalt  }
0x65: {  	_ =	shalt  }
0x66: {  	_ =	shalt  }
0x67: {  	_ =	shalt  }
0x68: {  	_ =	shalt  }
0x69: {  	_ =	shalt  }
0x6a: {  	_ =	shalt  }
0x6b: {  	_ =	shalt  }
0x6c: {  	_ =	shalt  }
0x6d: {  	_ =	shalt  }
0x6e: {  	_ =	shalt  }
0x6f: {  	_ =	shalt  }
0x70: {  	_ =	shalt  }
0x71: {  	_ =	shalt  }
0x72: {  	_ =	shalt  }
0x73: {  	_ =	shalt  }
0x74: {  	_ =	shalt  }
0x75: {  	_ =	shalt  }
0x76: {  	_ =	shalt  }
0x77: {  	_ =	shalt  }
0x78: {  	_ =	shalt  }
0x79: {  	_ =	shalt  }
0x7a: {  	_ =	shalt  }
0x7b: {  	_ =	shalt  }
0x7c: {  	_ =	shalt  }
0x7d: {  	_ =	shalt  }
0x7e: {  	_ =	shalt  }
0x7f: {  	_ =	shalt  }
0x80: {  	_ =	shalt  }
0x81: {  	_ =	shalt  }
0x82: {  	_ =	shalt  }
0x83: {  	_ =	shalt  }
0x84: {  	_ =	shalt  }
0x85: {  	_ =	shalt  }
0x86: {  	_ =	shalt  }
0x87: {  	_ =	shalt  }
.Lfunc_end0:
.L_simem_size_0:
called_computation_lowered:
.L_overlay_start_0:
0x88: {  	s2 =	sld [smem:$0x3FD9]  }
0x89: {  	s3 =	sld [smem:$0x3FFE];
	_ =	sdelay $0x1  }
0x8a: {  	s1 =	srdreg.scid  }
0x8b: {  	s0 =	sand.u32 $0x1, s1  }
0x8c: {  	s17 =	sshll.u32 s0, $0xA;
	s2 =	sadd.s32 s3, s2  }
0x8d: {  	s2 =	sadd.s32 s2, s17  }
0x8e: {  	[smem:$0x3FBC] =	sst s2  }
0x8f: {  	_ = 	snop  }
0x90: {  	s2 =	sld [smem:$0x3FD0];
	(tm) =	ssettm $0x1  }
0x91: {  	s18 =	sld [smem:$0x3FFB];
	_ =	sdelay $0x3  }
0x92: {  	_ =	strace s18  }
0x93: {  	s3 =	sld [smem:$0x3FFC];
	_ =	sdelay $0x3  }
0x94: {  	_ =	strace s3  }
0x95: {  	s3 =	sld [smem:$0x3FFD];
	_ =	sdelay $0x3  }
0x96: {  	_ =	strace s3  }
0x97: {  	_ =	strace $0x8FFFFFFF  }
0x98: {  	s19 =	sld [smem:$0x3FDB];
	_ =	sdelay $0x1  }
0x99: {  	s4 =	simm.s32 $_scs_section_size  }
0x9a: {  	s5 =	simm.s32 $_size__tile_overlayer_lowered;
	s6 =	simm.s32 $_tile_overlayer_lowered  }
0x9b: {  	s22 =	simm.s32 $0x1BFF;
	s21 =	sshll.u32 s6, $0x1;
	s3 =	sadd.s32 s4, s19  }
0x9c: {  	s7 =	simm.s32 $0x0;
	s20 =	sshll.u32 s5, $0x1;
	s5 =	sadd.s32 s21, s3  }
0x9d: {  	[timem:s7], [sflag:s22] =	dma.local [hbm:s5], s20  }
0x9e: {  	_ =	swait.ge [sflag:s22], s20  }
0x9f: {  	s4 =	ssub.s32 $0x0, s20;
	[sflag:s22] =	ssyncset.done $0x0  }
0xa0: {  	[sflag:s22] =	ssyncadd.s32 s4;
	_ =	sdelay $0x1  }
0xa1: {  	s23 =	simm.s32 $0x1B8B  }
0xa2: {  	_ =	swait.ge [sflag:s23], $0x1  }
0xa3: {  	[sflag:s23] =	ssyncset.done $0x0  }
0xa4: {  	s25 =	simm.s32 $0x1B8E;
	s24 =	sld [smem:$0x3FFE];
	[sflag:s23] =	ssyncadd.s32 $0xFFFFFFFF  }
0xa5: {  	s26 =	simm.s32 $execute0_lowered;
	[smem:$0x3FD2] =	sst s25  }
0xa6: {  	s5 =	sshll.u32 s26, $0x1;
	_ =	strace $0x80000046;
	[dreg:$0x1] =	wrdreg $0xFFFFFFFF  }
0xa7: {  	s28 =	simm.s32 $_size_execute0_lowered;
	s3 =	sadd.s32 s3, s5;
	[dreg:$0x0] =	wrdreg $0x0  }
0xa8: {  	s5 =	sshll.u32 s28, $0x1;
	[dreg:$0x2] =	wrdreg s3  }
0xa9: {  	[dreg:$0x3] =	wrdreg s5  }
0xaa: {  	[dreg:$0x4] =	wrdreg $0xC0  }
0xab: {  	_ =	task [dreg:s7], $0x5FFFF  }
0xac: {  	[dreg:$0x1] =	wrdreg $0xFFFFFFFF  }
0xad: {  	[dreg:$0x0] =	wrdreg $0x60  }
0xae: {  	[dreg:$0x2] =	wrdreg s2  }
0xaf: {  	[dreg:$0x3] =	wrdreg s24  }
0xb0: {  	[dreg:$0x4] =	wrdreg $0x0  }
0xb1: {  	[dreg:$0x5] =	wrdreg $0x9  }
0xb2: {  	_ =	task.clear_ibuf [dreg:s7], $0x6FFFF;
	_ =	strace $0x90000046  }
0xb3: {  	s29 =	simm.s32 $0x9;
	_ =	strace $0x80000048  }
0xb4: {  	_ =	swait.ge [sflag:s29], $0x1  }
0xb5: {  	[sflag:s29] =	ssyncadd.s32 $0xFFFFFFFF  }
0xb6: {  	_ =	strace $0x90000048  }
0xb7: {  	_ =	sfence  }
0xb8: {  	s30 =	sld [smem:$0x0];
	_ =	sdelay $0x2  }
0xb9: {  	s31 =	sshll.u32 s1, $0xD;
	s1 =	sshrl.u32 s1, $0x2  }
0xba: {  	s3 =	sand.u32 $0x4000, s31;
	s1 =	sadd.s32 s1, s30  }
0xbb: {  	s0 =	sor.u32 s3, s0;
	s1 =	sshll.u32 s1, $0x11  }
0xbc: {  	s0 =	sor.u32 s1, s0  }
0xbd: {  	s0 =	sadd.s32 $0x8F2B, s0  }
0xbe: {  	[sflag:s0] =	ssyncadd.remote.s32 $0x1  }
0xbf: {  	_ =	sfence.sel $0xFFFF  }
0xc0: {  	[dreg:$0x0] =	wrdreg $0xFFFFFFFF;
	(pc) =	sbr.abs _section_cstart, $3  }
0xc1: {  	[dreg:$0x1] =	wrdreg $0xFFFFFFFF  }
0xc2: {  	_ =	task.clear_ibuf [dreg:s7], $0x2FFFF;
	_ =	strace $0x9FFFFFFF  }
0xc3: {  	(tm) =	ssettm $0x7FFFFFFF  }
tec
execute0_lowered:
.L_overlay_start_1:
0x0: {  	(tag) =	ssettag $0x1  }
0x1: {  	s5 =	rddreg [dreg:$0x0]  }
0x2: {  	s6 =	rddreg [dreg:$0x1]  }
0x3: {  	s1 =	rddreg [dreg:$0x2]  }
0x4: {  	s2 =	srdreg.scid;
	s0 =	rddreg [dreg:$0x3]  }
0x5: {  	s3 =	simm.s32 $0x0;
	s10 =	simm.s32 $0xD800;
	s12 =	simm.s32 $0x4280  }
0x6: {  	s15 =	simm.s32 $0x0;
	s7 =	sand.u32 $0x1, s2;
	s2 =	stileid.u32  }
0x7: {  	[smem:$0x7FF] =	sst s3;
	s4 =	ssub.s32 $0x2, s7;
	s9 =	smul.u32 $0x280, s2  }
0x8: {  	_ =	strace $0x80000047;
	p0 =	seq.s32 s7, $0x1;
	s11 =	sshll.u32 s2, $0xC  }
0x9: {  	s7 =	sshll.u32 s7, $0xB;
	s13 =	sshll.u32 s2, $0x6;
	s8 =	sshrl.u32 s4, $0x1  }
0xa: {  	s10 =	simm.s32 @!p0 $0xD200;
	s5 =	sadd.s32 s5, s7;
	s13 =	sor.u32 $0x1C01, s13  }
0xb: {  	s8 =	ssub.s32 s4, s8;
	s4 =	sadd.s32 s9, s1;
	s30 =	sshrl.u32 s9, $0x3  }
0xc: {  	s31 =	sadd.s32 s10, s6;
	s5 =	sadd.s32 s11, s5;
	s9 =	simm.s32 $0x1  }
0xd: {  	s10 =	simm.s32 $0x280;
	s11 =	simm.s32 $0x50;
	s6 =	smax.u32 s8, $0x1  }
0xe: {  	v0 =	vimm.f32 $0.0e+00;
	v1 =	vimm.f32 $1.000000000e+00;
	s7 =	sadd.s32 s31, s30;
	s8 =	simm.s32 $0x4300;
	s14 =	sshrl.u32 s4, $0x3  }
.LBB2_1:
0xf: {  	[tilespmem:$0x4300] =	vst v0  }
0x10: {  	[tilespmem:$0x4310] =	vst v0  }
0x11: {  	[tilespmem:$0x4320] =	vst v0  }
0x12: {  	[tilespmem:$0x4330] =	vst v0  }
0x13: {  	[tilespmem:$0x4340] =	vst v0  }
0x14: {  	[tilespmem:$0x4350] =	vst v0  }
0x15: {  	[tilespmem:$0x4360] =	vst v0  }
0x16: {  	[tilespmem:$0x4370] =	vst v0  }
0x17: {  	[tilespmem:$0x4380] =	vst v0  }
0x18: {  	[tilespmem:$0x4390] =	vst v0  }
0x19: {  	[tilespmem:$0x43A0] =	vst v0  }
0x1a: {  	[tilespmem:$0x43B0] =	vst v0  }
0x1b: {  	[tilespmem:$0x43C0] =	vst v0  }
0x1c: {  	[tilespmem:$0x43D0] =	vst v0  }
0x1d: {  	[tilespmem:$0x43E0] =	vst v0  }
0x1e: {  	[tilespmem:$0x43F0] =	vst v0  }
0x1f: {  	[tilespmem:$0x4400] =	vst v0  }
0x20: {  	[tilespmem:$0x4410] =	vst v0  }
0x21: {  	[tilespmem:$0x4420] =	vst v0  }
0x22: {  	[tilespmem:$0x4430] =	vst v0  }
0x23: {  	[tilespmem:$0x4440] =	vst v0  }
0x24: {  	[tilespmem:$0x4450] =	vst v0  }
0x25: {  	[tilespmem:$0x4460] =	vst v0  }
0x26: {  	[tilespmem:$0x4470] =	vst v0  }
0x27: {  	[tilespmem:$0x4480] =	vst v0  }
0x28: {  	[tilespmem:$0x4490] =	vst v0  }
0x29: {  	[tilespmem:$0x44A0] =	vst v0  }
0x2a: {  	[tilespmem:$0x44B0] =	vst v0  }
0x2b: {  	[tilespmem:$0x44C0] =	vst v0  }
0x2c: {  	[tilespmem:$0x44D0] =	vst v0  }
0x2d: {  	[tilespmem:$0x44E0] =	vst v0  }
0x2e: {  	[tilespmem:$0x44F0] =	vst v0  }
0x2f: {  	[tilespmem:$0x4500] =	vst v0  }
0x30: {  	[tilespmem:$0x4510] =	vst v0  }
0x31: {  	[tilespmem:$0x4520] =	vst v0  }
0x32: {  	[tilespmem:$0x4530] =	vst v0  }
0x33: {  	[tilespmem:$0x4540] =	vst v0  }
0x34: {  	[tilespmem:$0x4550] =	vst v0  }
0x35: {  	[tilespmem:$0x4560] =	vst v0  }
0x36: {  	[tilespmem:$0x4570] =	vst v0  }
0x37: {  	[tilespmem:$0x4280] =	vst v1  }
0x38: {  	[tilespmem:$0x4290] =	vst v1  }
0x39: {  	[tilespmem:$0x42A0] =	vst v1  }
0x3a: {  	[tilespmem:$0x42B0] =	vst v1  }
0x3b: {  	[tilespmem:$0x42C0] =	vst v1  }
0x3c: {  	[tilespmem:$0x42D0] =	vst v1  }
0x3d: {  	[tilespmem:$0x42E0] =	vst v1  }
0x3e: {  	[tilespmem:$0x42F0] =	vst v1  }
0x3f: {  	[spmem:s4] =	stream.linear.scatter [tilespmem:s8], [sflag:$0x1], $0x280, $0x38;
	[tilespmem:$0x4580] =	vst v63  }
0x40: {  	_ =	swait.ge [sflag:s9], $0x280  }
0x41: {  	[sflag:s9] =	ssyncset.done $0x0  }
0x42: {  	[sflag:s9] =	ssyncadd.s32 $0xFFFFFD80  }
0x43: {  	[bflag:$0x0] =	sbarrier.arrive $0xFFFF  }
0x44: {  	[tilespmem:s10], [sflag:$0x1] =	stream.linear.gather [hbm4b:s5+s3], $0x3E80, $0x38;
	[tilespmem:$0x4580] =	vst v63  }
0x45: {  	_ =	swait.ge [sflag:s9], $0x3E80  }
0x46: {  	[sflag:s9] =	ssyncset.done $0x0  }
0x47: {  	s16 =	simm.s32 $0x280;
	[sflag:s9] =	ssyncadd.s32 $0xFFFFC180  }
0x48: {  	[spmem:s1] =	stream.indirect.scatter.add.f32 [tilespmem:s12], [sflag:$0x1], $0x1, s16, s11, $0xb8;
	[tilespmem:$0x4580] =	vst v63  }
0x49: {  	s16 =	simm.s32 $0x200;
	_ =	swait.ge [sflag:s9], $0x50  }
.LBB2_2:
0x4a: {  	s17 =	sshra.s32 s16, $0x2;
	[sflag:s9] =	ssyncset.done $0x0;
	p0 =	sne.s32 s16, $0xF800  }
.Ltmp0:
0x4b: {  	s17 =	sadd.s32 $0x280, s17;
	[sflag:s9] =	ssyncadd.s32 $0xFFFFFFB0;
	(pc) =	sbr.rel @p0 .LBB2_2-.Ltmp0, $3  }
0x4c: {  	[spmem:s1] =	stream.indirect.scatter.add.f32 [tilespmem:s12], [sflag:$0x1], $0x1, s17, s11, $0xb8;
	[tilespmem:$0x4580] =	vst v63  }
0x4d: {  	s16 =	sadd.s32 $0x200, s16;
	_ =	sdelay $0x1  }
0x4e: {  	_ =	swait.ge [sflag:s9], $0x50  }
0x4f: {  	[sflag:s9] =	ssyncset.done $0x0;
	s15 =	sadd.s32 $0x1, s15  }
0x50: {  	[sflag:s9] =	ssyncadd.s32 $0xFFFFFFB0;
	p0 =	sne.s32 s15, s6  }
.Ltmp1:
0x51: {  	[bflag:$0x0] =	sbarrier.arrive $0xFFFF;
	(pc) =	sbr.rel @p0 .LBB2_1-.Ltmp1, $4  }
0x52: {  	[hbm:s7], [sflag:s13] =	dma.local [spmem:s14], $0x50  }
0x53: {  	_ =	swait.ge [sflag:s9], $0x50  }
0x54: {  	[sflag:s9] =	ssyncset.done $0x0  }
0x55: {  	[sflag:s9] =	ssyncadd.s32 $0xFFFFFFB0  }
0x56: {  	_ =	sfence.sel $0x180000  }
0x57: {  	[bflag:$0x0] =	sbarrier.arrive $0xFFFF  }
0x58: {  	p0 =	sne.s32 s2, $0x0;
	_ =	strace $0x90000047  }
0x59: {  	s0 =	sadd.s32 @!p0 $0x100000, s0;
	[bflag:$0x2] =	sbarrier.arrive $0xFFFF  }
0x5a: {  	[sflag:s0] =	ssyncadd.tile.s32 @!p0 $0x1;
	_ =	shalt  }
.Lfunc_end2:
_tile_overlayer_lowered:
.L_overlay_start_2:
0x5b: {  	(tag) =	ssettag $0x2  }
0x5c: {  	s0 =	rddreg [dreg:$0x0];
	s2 =	stileid.u32  }
0x5d: {  	s1 =	rddreg [dreg:$0x1];
	p0 =	sne.s32 s2, $0x0  }
0x5e: {  	s3 =	rddreg [dreg:$0x2];
	[bflag:$0x3] =	sbarrier.arrive $0xFFFF;
	s2 =	simm.s32 @!p0 $0x1C01  }
0x5f: {  	[timem:s3], [sflag:s2] =	dma.local @!p0 [hbm:s0], s1  }
0x60: {  	s0 =	simm.s32 @!p0 $0x1  }
0x61: {  	_ =	swait.ge @!p0 [sflag:s0], s1  }
0x62: {  	s1 =	ssub.s32 @!p0 $0x0, s1;
	[sflag:s0] =	ssyncset.done @!p0 $0x0  }
0x63: {  	[sflag:s0] =	ssyncadd.s32 @!p0 s1  }
0x64: {  	[bflag:$0x3] =	sbarrier.arrive $0xFFFF  }
0x65: {  	_ =	shalt  }

// kernel: kernel.13.cloned.1.call-start
scs
__scs_entry_jumppad:
0x0: {  	(pc) =	sbr.rel $0x88, $3  }
0x1: {  	(tag) =	ssettag $0x0;
	lr =	simm.s32 $0x1  }
0x2: {  	[smem:$0x3F95] =	sst lr;
	_ =	strace $0xD0000000  }
0x3: {  	_ = 	snop  }
0x4: {  	_ = 	snop  }
0x5: {  	_ = 	snop  }
0x6: {  	_ = 	snop  }
0x7: {  	_ = 	snop  }
__scs_overlays_trampoline_lowered:
0x8: {  	[smem:$0x3FA4] =	sst s0  }
0x9: {  	[smem:$0x3FA5] =	sst s1  }
0xa: {  	[smem:$0x3FA6] =	sst s2  }
0xb: {  	[smem:$0x3FA7] =	sst s3  }
0xc: {  	[smem:$0x3FA8] =	sst s4  }
0xd: {  	[smem:$0x3FA9] =	sst s5  }
0xe: {  	[smem:$0x3FAA] =	sst s6  }
0xf: {  	[smem:$0x3FAB] =	sst s7  }
0x10: {  	[smem:$0x3FAC] =	sst s8  }
0x11: {  	[smem:$0x3FAD] =	sst s9;
	s0 =	simm.s32 @!p0 $0x0  }
0x12: {  	s1 =	sld [smem:$0x3F93];
	s0 =	simm.s32 @p0 $0x1  }
0x13: {  	[smem:$0x3FAE] =	sst s0;
	s0 =	simm.s32 @!p1 $0x0  }
0x14: {  	s2 =	sld [smem:$0x3F92];
	s0 =	simm.s32 @p1 $0x1  }
0x15: {  	[smem:$0x3FAF] =	sst s0;
	s0 =	simm.s32 @!p2 $0x0  }
0x16: {  	s3 =	sld [smem:$0x3FDB];
	s0 =	simm.s32 @p2 $0x1  }
0x17: {  	s4 =	simm.s32 $0x1BF5;
	[smem:$0x3FB1] =	sst s0  }
0x18: {  	s0 =	sld [smem:$0x3F94];
	_ =	swait.ge [sflag:s4], $0x0  }
0x19: {  	s7 =	sld [smem:$0x3F95]  }
0x1a: {  	s8 =	sadd.s32 $0xFFFFE003, lr  }
0x1b: {  	s9 =	sadd.s32 $0xFFFFFEF7, lr;
	s5 =	simm.s32 $0xFFFFFFFF;
	p2 =	slt.u32 s8, $0xFFFFF086  }
0x1c: {  	p1 =	slt.u32 s9, $0xF7A;
	s5 =	simm.s32 @!p2 $0x0  }
0x1d: {  	s5 =	simm.s32 @p1 $0x1;
	p0 =	seq.s32 s7, s2  }
0x1e: {  	s7 =	smul.u32 @!p0 $0xF7A, s2;
	p2 =	seq.s32 @!p0 s5, $0x0  }
0x1f: {  	s9 =	smul.u32 $0xF7A, s1;
	s8 =	simm.s32 @!p0 $0x1BF5;
	p2 =	por !p2, p0  }
0x20: {  	[sflag:s8] =	ssyncset.s32 @!p0 $0xFFFFF086;
	s6 =	sadd.s32 @!p0 s3, s7;
	s7 =	simm.s32 @!p0 $0x108  }
0x21: {  	s3 =	sadd.s32 s3, s9;
	s6 =	sadd.s32 @!p0 $0x88, s6;
	s7 =	simm.s32 @p2 $0x1082  }
0x22: {  	[simem:s7], [sflag:s8] =	dma.local @!p0 [hbm:s6], $0xF7A  }
0x23: {  	s9 =	sor.u32 $0xD0000000, s2;
	s6 =	simm.s32 $0x108;
	_ =	swait.ge @!p0 [sflag:s8], $0x0  }
0x24: {  	s3 =	sadd.s32 $0x88, s3;
	s6 =	simm.s32 @!p1 $0x1082;
	[sflag:s4] =	ssyncset.s32 $0xFFFFF086  }
0x25: {  	[simem:s6], [sflag:s4] =	dma.local [hbm:s3], $0xF7A  }
0x26: {  	[smem:$0x3F95] =	sst s1;
	(tag) =	ssettag s2;
	_ =	strace s9  }
0x27: {  	s1 =	sld [smem:$0x3FA5]  }
0x28: {  	s2 =	sld [smem:$0x3FA6]  }
0x29: {  	s4 =	sld [smem:$0x3FA8]  }
0x2a: {  	p0 =	seq.s32 s5, $0x0;
	s5 =	sld [smem:$0x3FA9]  }
0x2b: {  	s6 =	sld [smem:$0x3FAA]  }
0x2c: {  	s7 =	sld [smem:$0x3FAB]  }
0x2d: {  	s3 =	simm.s32 $0x108;
	s8 =	sld [smem:$0x3FAC]  }
0x2e: {  	s3 =	simm.s32 @!p0 $0x1082;
	s9 =	sld [smem:$0x3FAD]  }
0x2f: {  	lr =	sadd.s32 s0, s3;
	s0 =	sld [smem:$0x3FA4]  }
0x30: {  	s3 =	sld [smem:$0x3FA7]  }
0x31: {  	[smem:$0x3FB0] =	sst s10  }
0x32: {  	s10 =	sld [smem:$0x3FAE];
	_ =	sdelay $0x3  }
0x33: {  	p0 =	seq.s32 s10, $0x1;
	s10 =	sld [smem:$0x3FB0];
	_ =	sdelay $0x3  }
0x34: {  	[smem:$0x3FB0] =	sst s10  }
0x35: {  	s10 =	sld [smem:$0x3FAF];
	_ =	sdelay $0x3  }
0x36: {  	p1 =	seq.s32 s10, $0x1;
	s10 =	sld [smem:$0x3FB0];
	_ =	sdelay $0x3  }
0x37: {  	[smem:$0x3FB0] =	sst s10  }
0x38: {  	s10 =	sld [smem:$0x3FB1]  }
0x39: {  	_ = 	snop;
	(pc) =	sbr.ind lr, $3  }
0x3a: {  	_ = 	snop  }
0x3b: {  	_ = 	snop  }
0x3c: {  	p2 =	seq.s32 s10, $0x1;
	s10 =	sld [smem:$0x3FB0]  }
0x3d: {  	_ =	shalt  }
0x3e: {  	_ =	shalt  }
0x3f: {  	_ =	shalt  }
0x40: {  	_ =	shalt  }
0x41: {  	_ =	shalt  }
0x42: {  	_ =	shalt  }
0x43: {  	_ =	shalt  }
0x44: {  	_ =	shalt  }
0x45: {  	_ =	shalt  }
0x46: {  	_ =	shalt  }
0x47: {  	_ =	shalt  }
0x48: {  	_ =	shalt  }
0x49: {  	_ =	shalt  }
0x4a: {  	_ =	shalt  }
0x4b: {  	_ =	shalt  }
0x4c: {  	_ =	shalt  }
0x4d: {  	_ =	shalt  }
0x4e: {  	_ =	shalt  }
0x4f: {  	_ =	shalt  }
0x50: {  	_ =	shalt  }
0x51: {  	_ =	shalt  }
0x52: {  	_ =	shalt  }
0x53: {  	_ =	shalt  }
0x54: {  	_ =	shalt  }
0x55: {  	_ =	shalt  }
0x56: {  	_ =	shalt  }
0x57: {  	_ =	shalt  }
0x58: {  	_ =	shalt  }
0x59: {  	_ =	shalt  }
0x5a: {  	_ =	shalt  }
0x5b: {  	_ =	shalt  }
0x5c: {  	_ =	shalt  }
0x5d: {  	_ =	shalt  }
0x5e: {  	_ =	shalt  }
0x5f: {  	_ =	shalt  }
0x60: {  	_ =	shalt  }
0x61: {  	_ =	shalt  }
0x62: {  	_ =	shalt  }
0x63: {  	_ =	shalt  }
0x64: {  	_ =	shalt  }
0x65: {  	_ =	shalt  }
0x66: {  	_ =	shalt  }
0x67: {  	_ =	shalt  }
0x68: {  	_ =	shalt  }
0x69: {  	_ =	shalt  }
0x6a: {  	_ =	shalt  }
0x6b: {  	_ =	shalt  }
0x6c: {  	_ =	shalt  }
0x6d: {  	_ =	shalt  }
0x6e: {  	_ =	shalt  }
0x6f: {  	_ =	shalt  }
0x70: {  	_ =	shalt  }
0x71: {  	_ =	shalt  }
0x72: {  	_ =	shalt  }
0x73: {  	_ =	shalt  }
0x74: {  	_ =	shalt  }
0x75: {  	_ =	shalt  }
0x76: {  	_ =	shalt  }
0x77: {  	_ =	shalt  }
0x78: {  	_ =	shalt  }
0x79: {  	_ =	shalt  }
0x7a: {  	_ =	shalt  }
0x7b: {  	_ =	shalt  }
0x7c: {  	_ =	shalt  }
0x7d: {  	_ =	shalt  }
0x7e: {  	_ =	shalt  }
0x7f: {  	_ =	shalt  }
0x80: {  	_ =	shalt  }
0x81: {  	_ =	shalt  }
0x82: {  	_ =	shalt  }
0x83: {  	_ =	shalt  }
0x84: {  	_ =	shalt  }
0x85: {  	_ =	shalt  }
0x86: {  	_ =	shalt  }
0x87: {  	_ =	shalt  }
.Lfunc_end0:
.L_simem_size_0:
called_computation.1_lowered:
.L_overlay_start_0:
0x88: {  	s2 =	sld [smem:$0x3FD9]  }
0x89: {  	s3 =	sld [smem:$0x3FFE];
	_ =	sdelay $0x1  }
0x8a: {  	s1 =	srdreg.scid  }
0x8b: {  	s0 =	sand.u32 $0x1, s1  }
0x8c: {  	s17 =	sshll.u32 s0, $0xA;
	s2 =	sadd.s32 s3, s2  }
0x8d: {  	s2 =	sadd.s32 s2, s17  }
0x8e: {  	[smem:$0x3FBC] =	sst s2  }
0x8f: {  	_ = 	snop  }
0x90: {  	s2 =	sld [smem:$0x3FD0];
	(tm) =	ssettm $0x1  }
0x91: {  	s18 =	sld [smem:$0x3FFB];
	_ =	sdelay $0x3  }
0x92: {  	_ =	strace s18  }
0x93: {  	s3 =	sld [smem:$0x3FFC];
	_ =	sdelay $0x3  }
0x94: {  	_ =	strace s3  }
0x95: {  	s3 =	sld [smem:$0x3FFD];
	_ =	sdelay $0x3  }
0x96: {  	_ =	strace s3  }
0x97: {  	_ =	strace $0x8FFFFFFF  }
0x98: {  	s19 =	sld [smem:$0x3FDB];
	_ =	sdelay $0x1  }
0x99: {  	s4 =	simm.s32 $_scs_section_size  }
0x9a: {  	s5 =	simm.s32 $_size__tile_overlayer_lowered;
	s6 =	simm.s32 $_tile_overlayer_lowered  }
0x9b: {  	s22 =	simm.s32 $0x1BFF;
	s21 =	sshll.u32 s6, $0x1;
	s3 =	sadd.s32 s4, s19  }
0x9c: {  	s7 =	simm.s32 $0x0;
	s20 =	sshll.u32 s5, $0x1;
	s5 =	sadd.s32 s21, s3  }
0x9d: {  	[timem:s7], [sflag:s22] =	dma.local [hbm:s5], s20  }
0x9e: {  	_ =	swait.ge [sflag:s22], s20  }
0x9f: {  	s4 =	ssub.s32 $0x0, s20;
	[sflag:s22] =	ssyncset.done $0x0  }
0xa0: {  	[sflag:s22] =	ssyncadd.s32 s4;
	_ =	sdelay $0x1  }
0xa1: {  	s23 =	simm.s32 $0x1B8B  }
0xa2: {  	_ =	swait.ge [sflag:s23], $0x1  }
0xa3: {  	[sflag:s23] =	ssyncset.done $0x0  }
0xa4: {  	s25 =	simm.s32 $0x1B8E;
	s24 =	sld [smem:$0x3FFE];
	[sflag:s23] =	ssyncadd.s32 $0xFFFFFFFF  }
0xa5: {  	s26 =	simm.s32 $execute0_lowered;
	[smem:$0x3FD2] =	sst s25  }
0xa6: {  	s5 =	sshll.u32 s26, $0x1;
	_ =	strace $0x80000049;
	[dreg:$0x1] =	wrdreg $0xFFFFFFFF  }
0xa7: {  	s28 =	simm.s32 $_size_execute0_lowered;
	s3 =	sadd.s32 s3, s5;
	[dreg:$0x0] =	wrdreg $0x0  }
0xa8: {  	s5 =	sshll.u32 s28, $0x1;
	[dreg:$0x2] =	wrdreg s3  }
0xa9: {  	[dreg:$0x3] =	wrdreg s5  }
0xaa: {  	[dreg:$0x4] =	wrdreg $0xC0  }
0xab: {  	_ =	task [dreg:s7], $0x5FFFF  }
0xac: {  	[dreg:$0x1] =	wrdreg $0xFFFFFFFF  }
0xad: {  	[dreg:$0x0] =	wrdreg $0x60  }
0xae: {  	[dreg:$0x2] =	wrdreg s24  }
0xaf: {  	[dreg:$0x3] =	wrdreg s2  }
0xb0: {  	[dreg:$0x4] =	wrdreg $0x0  }
0xb1: {  	[dreg:$0x5] =	wrdreg $0x9  }
0xb2: {  	_ =	task.clear_ibuf [dreg:s7], $0x6FFFF;
	_ =	strace $0x90000049  }
0xb3: {  	s29 =	simm.s32 $0x9;
	_ =	strace $0x8000004B  }
0xb4: {  	_ =	swait.ge [sflag:s29], $0x1  }
0xb5: {  	[sflag:s29] =	ssyncadd.s32 $0xFFFFFFFF  }
0xb6: {  	_ =	strace $0x9000004B  }
0xb7: {  	_ =	sfence  }
0xb8: {  	s30 =	sld [smem:$0x0];
	_ =	sdelay $0x2  }
0xb9: {  	s31 =	sshll.u32 s1, $0xD;
	s1 =	sshrl.u32 s1, $0x2  }
0xba: {  	s3 =	sand.u32 $0x4000, s31;
	s1 =	sadd.s32 s1, s30  }
0xbb: {  	s0 =	sor.u32 s3, s0;
	s1 =	sshll.u32 s1, $0x11  }
0xbc: {  	s0 =	sor.u32 s1, s0  }
0xbd: {  	s0 =	sadd.s32 $0x8F2B, s0  }
0xbe: {  	[sflag:s0] =	ssyncadd.remote.s32 $0x1  }
0xbf: {  	_ =	sfence.sel $0xFFFF  }
0xc0: {  	[dreg:$0x0] =	wrdreg $0xFFFFFFFF;
	(pc) =	sbr.abs _section_cstart, $3  }
0xc1: {  	[dreg:$0x1] =	wrdreg $0xFFFFFFFF  }
0xc2: {  	_ =	task.clear_ibuf [dreg:s7], $0x2FFFF;
	_ =	strace $0x9FFFFFFF  }
0xc3: {  	(tm) =	ssettm $0x7FFFFFFF  }
tec
execute0_lowered:
.L_overlay_start_1:
0x0: {  	(tag) =	ssettag $0x1  }
0x1: {  	s0 =	rddreg [dreg:$0x0];
	s1 =	srdreg.scid  }
0x2: {  	s9 =	stileid.u32;
	s3 =	rddreg [dreg:$0x1]  }
0x3: {  	s2 =	rddreg [dreg:$0x2];
	s25 =	simm.s32 $0x0;
	s29 =	simm.s32 $0x50  }
0x4: {  	s30 =	simm.s32 $0x1CF80;
	s31 =	simm.s32 $0x1;
	s28 =	simm.s32 $0x0  }
0x5: {  	s1 =	sand.u32 $0x1, s1;
	s4 =	sshll.u32 s9, $0x1;
	s13 =	smul.u32 $0x280, s9  }
0x6: {  	[smem:$0x7FF] =	sst s25;
	s8 =	smul.u32 $0x50000, s9;
	s5 =	sor.u32 s1, s4  }
0x7: {  	s7 =	smul.u32 $0x28000, s1;
	_ =	strace $0x8000004A;
	s1 =	ssub.s32 $0x2, s1  }
0x8: {  	s4 =	sadd.s32 $0xD200, s0;
	s6 =	smul.u32 $0x4E2, s5;
	s26 =	sshrl.u32 s1, $0x1  }
0x9: {  	s5 =	sshll.u32 s5, $0xB;
	s25 =	sadd.s32 $0xA0, s13;
	s16 =	sadd.s32 $0xF0, s13  }
0xa: {  	s17 =	sadd.s32 $0x140, s13;
	s18 =	sadd.s32 $0x190, s13;
	s19 =	sadd.s32 $0x1E0, s13  }
0xb: {  	s20 =	sadd.s32 $0x230, s13;
	s1 =	ssub.s32 s1, s26;
	s3 =	sadd.s32 s3, s5  }
0xc: {  	s5 =	sshrl.u32 s8, $0x2;
	s8 =	smul.u32 $0x2800, s9;
	s10 =	sshll.u32 s25, $0x7  }
0xd: {  	s11 =	sshll.u32 s16, $0x7;
	s12 =	sshll.u32 s17, $0x7;
	s14 =	sshll.u32 s18, $0x7  }
0xe: {  	s26 =	sshll.u32 s19, $0x7;
	s15 =	sshll.u32 s20, $0x7;
	s21 =	sshll.u32 s16, $0x4  }
0xf: {  	s22 =	sshll.u32 s17, $0x4;
	s23 =	sshll.u32 s18, $0x4;
	s16 =	simm.s32 $0x1A780  }
0x10: {  	s6 =	sadd.s32 s6, s0;
	s0 =	sadd.s32 s7, s0;
	[dreg:$0x5] =	wrdreg s3  }
0x11: {  	s7 =	sadd.s32 s5, s2;
	s1 =	smax.u32 s1, $0x1;
	s10 =	sadd.s32 s10, s2  }
0x12: {  	s11 =	sadd.s32 s11, s2;
	s12 =	sadd.s32 s12, s2;
	s15 =	sadd.s32 s15, s2  }
0x13: {  	s6 =	sadd.s32 $0x3400, s6;
	s0 =	sadd.s32 $0x35200, s0;
	[dreg:$0x6] =	wrdreg s1  }
0x14: {  	s1 =	sshll.u32 s25, $0x4;
	s25 =	sshll.u32 s20, $0x4;
	[dreg:$0x4] =	wrdreg s6  }
0x15: {  	s6 =	sor.u32 $0x50, s13;
	s13 =	sadd.s32 s14, s2;
	s14 =	sadd.s32 s26, s2  }
0x16: {  	s17 =	sadd.s32 s8, s0;
	s20 =	sadd.s32 s21, s0;
	s21 =	sadd.s32 s22, s0  }
0x17: {  	s22 =	sadd.s32 s23, s0;
	s26 =	simm.s32 $0x14000;
	s24 =	sshll.u32 s6, $0x7  }
0x18: {  	s5 =	sshll.u32 s6, $0x4;
	s9 =	sadd.s32 s24, s2;
	s24 =	sshll.u32 s19, $0x4  }
0x19: {  	s18 =	sadd.s32 s5, s0;
	s19 =	sadd.s32 s1, s0;
	s1 =	simm.s32 $0x2  }
0x1a: {  	v0 =	vimm.f32 $0.0e+00;
	s23 =	sadd.s32 s24, s0;
	s24 =	sadd.s32 s25, s0;
	s25 =	simm.s32 $0x3  }
.LBB2_1:
0x1b: {  	s3 =	simm.s32 $0x0  }
0x1c: {  	s0 =	sand.u32 $0xFE00, s3  }
0x1d: {  	s3 =	sand.u32 $0x70, s3;
	s5 =	sshrl.u32 s0, $0x2  }
0x1e: {  	s0 =	simm.s32 $0x40;
	s5 =	sor.u32 s3, s5;
	s3 =	simm.s32 $0x0  }
.LBB2_2:
0x1f: {  	p0 =	sne.s32 s0, $0x9FC0  }
0x20: {  	[tilespmem:s5+$0x1A780] =	vst v0;
	s3 =	sadd.s32 $0x10, s3;
	s5 =	smov.u32 s0;
	s0 =	sadd.s32 $0x40, s0  }
.Ltmp0:
0x21: {  	(pc) =	sbr.rel @p0 .LBB2_2-.Ltmp0, $4  }
0x22: {  	_ = 	snop  }
0x23: {  	s5 =	sand.u32 $0xFE00, s5  }
0x24: {  	s6 =	sand.u32 $0x70, s3;
	s5 =	sshrl.u32 s5, $0x2  }
0x25: {  	s5 =	sor.u32 s6, s5  }
0x26: {  	[tilespmem:s5+$0x1A780] =	vst v0  }
0x27: {  	[spmem:s7] =	stream.linear.scatter [tilespmem:s16], [sflag:$0x3], $0x2800, $0x38;
	[tilespmem:$0x1F780] =	vst v63  }
0x28: {  	_ =	swait.ge [sflag:s25], $0x2800  }
0x29: {  	[sflag:s25] =	ssyncset.done $0x0  }
0x2a: {  	[sflag:s25] =	ssyncadd.s32 $0xFFFFD800  }
0x2b: {  	[spmem:s9] =	stream.linear.scatter [tilespmem:s16], [sflag:$0x3], $0x2800, $0x38;
	[tilespmem:$0x1F780] =	vst v63  }
0x2c: {  	_ =	swait.ge [sflag:s25], $0x2800  }
0x2d: {  	[sflag:s25] =	ssyncset.done $0x0  }
0x2e: {  	[sflag:s25] =	ssyncadd.s32 $0xFFFFD800  }
0x2f: {  	[spmem:s10] =	stream.linear.scatter [tilespmem:s16], [sflag:$0x3], $0x2800, $0x38;
	[tilespmem:$0x1F780] =	vst v63  }
0x30: {  	_ =	swait.ge [sflag:s25], $0x2800  }
0x31: {  	[sflag:s25] =	ssyncset.done $0x0  }
0x32: {  	[sflag:s25] =	ssyncadd.s32 $0xFFFFD800  }
0x33: {  	[spmem:s11] =	stream.linear.scatter [tilespmem:s16], [sflag:$0x3], $0x2800, $0x38;
	[tilespmem:$0x1F780] =	vst v63  }
0x34: {  	_ =	swait.ge [sflag:s25], $0x2800  }
0x35: {  	[sflag:s25] =	ssyncset.done $0x0  }
0x36: {  	[sflag:s25] =	ssyncadd.s32 $0xFFFFD800  }
0x37: {  	[spmem:s12] =	stream.linear.scatter [tilespmem:s16], [sflag:$0x3], $0x2800, $0x38;
	[tilespmem:$0x1F780] =	vst v63  }
0x38: {  	_ =	swait.ge [sflag:s25], $0x2800  }
0x39: {  	[sflag:s25] =	ssyncset.done $0x0  }
0x3a: {  	[sflag:s25] =	ssyncadd.s32 $0xFFFFD800  }
0x3b: {  	[spmem:s13] =	stream.linear.scatter [tilespmem:s16], [sflag:$0x3], $0x2800, $0x38;
	[tilespmem:$0x1F780] =	vst v63  }
0x3c: {  	_ =	swait.ge [sflag:s25], $0x2800  }
0x3d: {  	[sflag:s25] =	ssyncset.done $0x0  }
0x3e: {  	[sflag:s25] =	ssyncadd.s32 $0xFFFFD800  }
0x3f: {  	[spmem:s14] =	stream.linear.scatter [tilespmem:s16], [sflag:$0x3], $0x2800, $0x38;
	[tilespmem:$0x1F780] =	vst v63  }
0x40: {  	_ =	swait.ge [sflag:s25], $0x2800  }
0x41: {  	[sflag:s25] =	ssyncset.done $0x0  }
0x42: {  	[sflag:s25] =	ssyncadd.s32 $0xFFFFD800  }
0x43: {  	[spmem:s15] =	stream.linear.scatter [tilespmem:s16], [sflag:$0x3], $0x2800, $0x38;
	[tilespmem:$0x1F780] =	vst v63  }
0x44: {  	_ =	swait.ge [sflag:s25], $0x2800  }
0x45: {  	[sflag:s25] =	ssyncset.done $0x0  }
0x46: {  	[sflag:s25] =	ssyncadd.s32 $0xFFFFD800  }
0x47: {  	[bflag:$0x0] =	sbarrier.arrive $0xFFFF  }
0x48: {  	s0 =	simm.s32 $0x0;
	s3 =	rddreg [dreg:$0x4]  }
0x49: {  	[tilespmem:s26], [sflag:$0x3] =	stream.linear.gather [hbm4b:s3+s0], $0x2710, $0x38;
	[tilespmem:$0x1F780] =	vst v63  }
0x4a: {  	_ =	swait.ge [sflag:s25], $0x2710  }
0x4b: {  	[sflag:s25] =	ssyncset.done $0x0  }
0x4c: {  	s8 =	simm.s32 $0x16780;
	s6 =	rddreg [dreg:$0x5];
	[sflag:s25] =	ssyncadd.s32 $0xFFFFD8F0  }
0x4d: {  	[tilespmem:s8], [sflag:$0x3] =	stream.linear.gather [hbm4b:s6+s0], $0x3E80, $0x38;
	[tilespmem:$0x1F780] =	vst v63  }
0x4e: {  	_ =	swait.ge [sflag:s25], $0x3E80  }
0x4f: {  	[sflag:s25] =	ssyncset.done $0x0  }
0x50: {  	[sflag:s25] =	ssyncadd.s32 $0xFFFFC180  }
0x51: {  	[tilespmem:s16], [sflag:$0x1] =	stream.indirect.gather [hbm4b:s4+s29], $0x80, s26, s29, $0xb8;
	[tilespmem:$0x1F780] =	vst v63  }
0x52: {  	s3 =	simm.s32 $0x14050  }
0x53: {  	[tilespmem:s30], [sflag:$0x2] =	stream.indirect.gather [hbm4b:s4+s29], $0x80, s3, s29, $0xb8;
	[tilespmem:$0x1F780] =	vst v63  }
0x54: {  	_ =	swait.ge [sflag:s31], $0x2800  }
0x55: {  	[sflag:s31] =	ssyncset.done $0x0  }
0x56: {  	s5 =	simm.s32 $0x16780;
	[sflag:s31] =	ssyncadd.s32 $0xFFFFD800  }
0x57: {  	[spmem:s2] =	stream.indirect.scatter.add.f32 [tilespmem:s16], [sflag:$0x3], $0x80, s5, s29, $0xb8;
	[tilespmem:$0x1F780] =	vst v63  }
0x58: {  	_ =	swait.ge [sflag:s25], $0x2800  }
0x59: {  	[sflag:s25] =	ssyncset.done $0x0  }
0x5a: {  	s6 =	simm.s32 $0x140A0;
	[sflag:s25] =	ssyncadd.s32 $0xFFFFD800  }
0x5b: {  	[tilespmem:s16], [sflag:$0x1] =	stream.indirect.gather [hbm4b:s4+s29], $0x80, s6, s29, $0xb8;
	[tilespmem:$0x1F780] =	vst v63  }
0x5c: {  	_ =	swait.ge [sflag:s1], $0x2800  }
0x5d: {  	[sflag:s1] =	ssyncset.done $0x0  }
0x5e: {  	s8 =	simm.s32 $0x16800;
	[sflag:s1] =	ssyncadd.s32 $0xFFFFD800  }
0x5f: {  	[spmem:s2] =	stream.indirect.scatter.add.f32 [tilespmem:s30], [sflag:$0x3], $0x80, s8, s29, $0xb8;
	[tilespmem:$0x1F780] =	vst v63  }
0x60: {  	s0 =	simm.s32 $0x14140;
	_ =	swait.ge [sflag:s25], $0x2800  }
0x61: {  	s3 =	simm.s32 $0x400;
	s5 =	simm.s32 $0x800;
	[sflag:s25] =	ssyncset.done $0x0  }
.LBB2_4:
0x62: {  	p0 =	sne.s32 s5, $0xF400;
	s6 =	sadd.s32 $0xFFFFFFB0, s0;
	[sflag:s25] =	ssyncadd.s32 $0xFFFFD800  }
0x63: {  	[tilespmem:s30], [sflag:$0x2] =	stream.indirect.gather [hbm4b:s4+s29], $0x80, s6, s29, $0xb8;
	[tilespmem:$0x1F780] =	vst v63  }
0x64: {  	s6 =	smov.u32 s5;
	s5 =	sadd.s32 $0x400, s5;
	_ =	swait.ge [sflag:s31], $0x2800  }
0x65: {  	s8 =	sshra.s32 s3, $0x2;
	s3 =	smov.u32 s6;
	[sflag:s31] =	ssyncset.done $0x0  }
0x66: {  	s6 =	sadd.s32 $0x16780, s8;
	[sflag:s31] =	ssyncadd.s32 $0xFFFFD800  }
0x67: {  	[spmem:s2] =	stream.indirect.scatter.add.f32 [tilespmem:s16], [sflag:$0x3], $0x80, s6, s29, $0xb8;
	[tilespmem:$0x1F780] =	vst v63  }
0x68: {  	_ =	swait.ge [sflag:s25], $0x2800  }
0x69: {  	[sflag:s25] =	ssyncset.done $0x0  }
0x6a: {  	[sflag:s25] =	ssyncadd.s32 $0xFFFFD800  }
0x6b: {  	[tilespmem:s16], [sflag:$0x1] =	stream.indirect.gather [hbm4b:s4+s29], $0x80, s0, s29, $0xb8;
	[tilespmem:$0x1F780] =	vst v63  }
0x6c: {  	_ =	swait.ge [sflag:s1], $0x2800  }
.Ltmp1:
0x6d: {  	[sflag:s1] =	ssyncset.done $0x0;
	(pc) =	sbr.rel @p0 .LBB2_4-.Ltmp1, $4  }
0x6e: {  	s6 =	sadd.s32 $0x16800, s8;
	[sflag:s1] =	ssyncadd.s32 $0xFFFFD800  }
0x6f: {  	[spmem:s2] =	stream.indirect.scatter.add.f32 [tilespmem:s30], [sflag:$0x3], $0x80, s6, s29, $0xb8;
	[tilespmem:$0x1F780] =	vst v63  }
0x70: {  	_ =	swait.ge [sflag:s25], $0x2800  }
0x71: {  	s0 =	sadd.s32 $0xA0, s0;
	[sflag:s25] =	ssyncset.done $0x0  }
0x72: {  	s5 =	sadd.s32 $0xFFFFFFB0, s0;
	[sflag:s25] =	ssyncadd.s32 $0xFFFFD800  }
0x73: {  	[tilespmem:s30], [sflag:$0x2] =	stream.indirect.gather [hbm4b:s4+s29], $0x80, s5, s29, $0xb8;
	[tilespmem:$0x1F780] =	vst v63  }
0x74: {  	_ =	swait.ge [sflag:s31], $0x2800  }
0x75: {  	s3 =	sshra.s32 s3, $0x2;
	[sflag:s31] =	ssyncset.done $0x0  }
0x76: {  	s8 =	sadd.s32 $0x16780, s3;
	[sflag:s31] =	ssyncadd.s32 $0xFFFFD800  }
0x77: {  	[spmem:s2] =	stream.indirect.scatter.add.f32 [tilespmem:s16], [sflag:$0x3], $0x80, s8, s29, $0xb8;
	[tilespmem:$0x1F780] =	vst v63  }
0x78: {  	_ =	swait.ge [sflag:s25], $0x2800  }
0x79: {  	[sflag:s25] =	ssyncset.done $0x0  }
0x7a: {  	[sflag:s25] =	ssyncadd.s32 $0xFFFFD800  }
0x7b: {  	[tilespmem:s16], [sflag:$0x1] =	stream.indirect.gather [hbm4b:s4+s29], $0x80, s0, s29, $0xb8;
	[tilespmem:$0x1F780] =	vst v63  }
0x7c: {  	_ =	swait.ge [sflag:s1], $0x2800  }
0x7d: {  	[sflag:s1] =	ssyncset.done $0x0  }
0x7e: {  	s6 =	sadd.s32 $0x16800, s3;
	[sflag:s1] =	ssyncadd.s32 $0xFFFFD800  }
0x7f: {  	[spmem:s2] =	stream.indirect.scatter.add.f32 [tilespmem:s30], [sflag:$0x3], $0x80, s6, s29, $0xb8;
	[tilespmem:$0x1F780] =	vst v63  }
0x80: {  	_ =	swait.ge [sflag:s25], $0x2800  }
0x81: {  	[sflag:s25] =	ssyncset.done $0x0  }
0x82: {  	[sflag:s25] =	ssyncadd.s32 $0xFFFFD800  }
0x83: {  	_ =	swait.ge [sflag:s31], $0x2800  }
0x84: {  	[sflag:s31] =	ssyncset.done $0x0  }
0x85: {  	s8 =	simm.s32 $0x1A580;
	[sflag:s31] =	ssyncadd.s32 $0xFFFFD800  }
0x86: {  	[spmem:s2] =	stream.indirect.scatter.add.f32 [tilespmem:s16], [sflag:$0x3], $0x80, s8, s29, $0xb8;
	[tilespmem:$0x1F780] =	vst v63  }
0x87: {  	_ =	swait.ge [sflag:s25], $0x2800  }
0x88: {  	s3 =	stileid.u32;
	[sflag:s25] =	ssyncset.done $0x0  }
0x89: {  	s0 =	sshll.u32 s3, $0x6;
	[sflag:s25] =	ssyncadd.s32 $0xFFFFD800  }
0x8a: {  	s5 =	sshrl.u32 s7, $0x3;
	s0 =	sor.u32 $0x1C03, s0;
	[bflag:$0x0] =	sbarrier.arrive $0xFFFF  }
0x8b: {  	[hbm:s17], [sflag:s0] =	dma.local [spmem:s5], $0x500  }
0x8c: {  	_ =	swait.ge [sflag:s25], $0x500  }
0x8d: {  	[sflag:s25] =	ssyncset.done $0x0  }
0x8e: {  	s6 =	sshrl.u32 s9, $0x3;
	[sflag:s25] =	ssyncadd.s32 $0xFFFFFB00  }
0x8f: {  	[hbm:s18], [sflag:s0] =	dma.local [spmem:s6], $0x500  }
0x90: {  	_ =	swait.ge [sflag:s25], $0x500  }
0x91: {  	[sflag:s25] =	ssyncset.done $0x0  }
0x92: {  	s8 =	sshrl.u32 s10, $0x3;
	[sflag:s25] =	ssyncadd.s32 $0xFFFFFB00  }
0x93: {  	[hbm:s19], [sflag:s0] =	dma.local [spmem:s8], $0x500  }
0x94: {  	_ =	swait.ge [sflag:s25], $0x500  }
0x95: {  	[sflag:s25] =	ssyncset.done $0x0  }
0x96: {  	s5 =	sshrl.u32 s11, $0x3;
	[sflag:s25] =	ssyncadd.s32 $0xFFFFFB00  }
0x97: {  	[hbm:s20], [sflag:s0] =	dma.local [spmem:s5], $0x500  }
0x98: {  	_ =	swait.ge [sflag:s25], $0x500  }
0x99: {  	[sflag:s25] =	ssyncset.done $0x0  }
0x9a: {  	s6 =	sshrl.u32 s12, $0x3;
	[sflag:s25] =	ssyncadd.s32 $0xFFFFFB00  }
0x9b: {  	[hbm:s21], [sflag:s0] =	dma.local [spmem:s6], $0x500  }
0x9c: {  	_ =	swait.ge [sflag:s25], $0x500  }
0x9d: {  	[sflag:s25] =	ssyncset.done $0x0  }
0x9e: {  	s8 =	sshrl.u32 s13, $0x3;
	[sflag:s25] =	ssyncadd.s32 $0xFFFFFB00  }
0x9f: {  	[hbm:s22], [sflag:s0] =	dma.local [spmem:s8], $0x500  }
0xa0: {  	_ =	swait.ge [sflag:s25], $0x500  }
0xa1: {  	[sflag:s25] =	ssyncset.done $0x0  }
0xa2: {  	s5 =	sshrl.u32 s14, $0x3;
	[sflag:s25] =	ssyncadd.s32 $0xFFFFFB00  }
0xa3: {  	[hbm:s23], [sflag:s0] =	dma.local [spmem:s5], $0x500  }
0xa4: {  	_ =	swait.ge [sflag:s25], $0x500  }
0xa5: {  	[sflag:s25] =	ssyncset.done $0x0  }
0xa6: {  	s6 =	sshrl.u32 s15, $0x3;
	[sflag:s25] =	ssyncadd.s32 $0xFFFFFB00  }
0xa7: {  	[hbm:s24], [sflag:s0] =	dma.local [spmem:s6], $0x500  }
0xa8: {  	_ =	swait.ge [sflag:s25], $0x500  }
0xa9: {  	s28 =	sadd.s32 $0x1, s28;
	s8 =	rddreg [dreg:$0x6]  }
0xaa: {  	p0 =	sne.s32 s28, s8  }
.Ltmp2:
0xab: {  	_ = 	snop;
	(pc) =	sbr.rel @p0 .LBB2_1-.Ltmp2, $3  }
0xac: {  	_ =	sdelay $0x1  }
0xad: {  	[sflag:s25] =	ssyncset.done $0x0  }
0xae: {  	[sflag:s25] =	ssyncadd.s32 $0xFFFFFB00  }
0xaf: {  	_ =	sfence.sel $0x180000  }
0xb0: {  	[bflag:$0x0] =	sbarrier.arrive $0xFFFF  }
0xb1: {  	_ =	strace $0x9000004A  }
0xb2: {  	s0 =	stileid.u32;
	[bflag:$0x2] =	sbarrier.arrive $0xFFFF  }
0xb3: {  	p0 =	sne.s32 s0, $0x0;
	s0 =	rddreg [dreg:$0x3]  }
0xb4: {  	s0 =	sadd.s32 @!p0 $0x100000, s0  }
0xb5: {  	[sflag:s0] =	ssyncadd.tile.s32 @!p0 $0x1;
	_ =	shalt  }
.Lfunc_end2:
_tile_overlayer_lowered:
.L_overlay_start_2:
0xb6: {  	(tag) =	ssettag $0x2  }
0xb7: {  	s0 =	rddreg [dreg:$0x0];
	s2 =	stileid.u32  }
0xb8: {  	s1 =	rddreg [dreg:$0x1];
	p0 =	sne.s32 s2, $0x0  }
0xb9: {  	s3 =	rddreg [dreg:$0x2];
	[bflag:$0x3] =	sbarrier.arrive $0xFFFF;
	s2 =	simm.s32 @!p0 $0x1C03  }
0xba: {  	[timem:s3], [sflag:s2] =	dma.local @!p0 [hbm:s0], s1  }
0xbb: {  	s0 =	simm.s32 @!p0 $0x3  }
0xbc: {  	_ =	swait.ge @!p0 [sflag:s0], s1  }
0xbd: {  	s1 =	ssub.s32 @!p0 $0x0, s1;
	[sflag:s0] =	ssyncset.done @!p0 $0x0  }
0xbe: {  	[sflag:s0] =	ssyncadd.s32 @!p0 s1  }
0xbf: {  	[bflag:$0x3] =	sbarrier.arrive $0xFFFF  }
0xc0: {  	_ =	shalt  }

// kernel: kernel.16.cloned.1.call-start
scs
__scs_entry_jumppad:
0x0: {  	(pc) =	sbr.rel $0x88, $3  }
0x1: {  	(tag) =	ssettag $0x0;
	lr =	simm.s32 $0x1  }
0x2: {  	[smem:$0x3F95] =	sst lr;
	_ =	strace $0xD0000000  }
0x3: {  	_ = 	snop  }
0x4: {  	_ = 	snop  }
0x5: {  	_ = 	snop  }
0x6: {  	_ = 	snop  }
0x7: {  	_ = 	snop  }
__scs_overlays_trampoline_lowered:
0x8: {  	[smem:$0x3FA4] =	sst s0  }
0x9: {  	[smem:$0x3FA5] =	sst s1  }
0xa: {  	[smem:$0x3FA6] =	sst s2  }
0xb: {  	[smem:$0x3FA7] =	sst s3  }
0xc: {  	[smem:$0x3FA8] =	sst s4  }
0xd: {  	[smem:$0x3FA9] =	sst s5  }
0xe: {  	[smem:$0x3FAA] =	sst s6  }
0xf: {  	[smem:$0x3FAB] =	sst s7  }
0x10: {  	[smem:$0x3FAC] =	sst s8  }
0x11: {  	[smem:$0x3FAD] =	sst s9;
	s0 =	simm.s32 @!p0 $0x0  }
0x12: {  	s1 =	sld [smem:$0x3F93];
	s0 =	simm.s32 @p0 $0x1  }
0x13: {  	[smem:$0x3FAE] =	sst s0;
	s0 =	simm.s32 @!p1 $0x0  }
0x14: {  	s2 =	sld [smem:$0x3F92];
	s0 =	simm.s32 @p1 $0x1  }
0x15: {  	[smem:$0x3FAF] =	sst s0;
	s0 =	simm.s32 @!p2 $0x0  }
0x16: {  	s3 =	sld [smem:$0x3FDB];
	s0 =	simm.s32 @p2 $0x1  }
0x17: {  	s4 =	simm.s32 $0x1BF5;
	[smem:$0x3FB1] =	sst s0  }
0x18: {  	s0 =	sld [smem:$0x3F94];
	_ =	swait.ge [sflag:s4], $0x0  }
0x19: {  	s7 =	sld [smem:$0x3F95]  }
0x1a: {  	s8 =	sadd.s32 $0xFFFFE003, lr  }
0x1b: {  	s9 =	sadd.s32 $0xFFFFFEF7, lr;
	s5 =	simm.s32 $0xFFFFFFFF;
	p2 =	slt.u32 s8, $0xFFFFF086  }
0x1c: {  	p1 =	slt.u32 s9, $0xF7A;
	s5 =	simm.s32 @!p2 $0x0  }
0x1d: {  	s5 =	simm.s32 @p1 $0x1;
	p0 =	seq.s32 s7, s2  }
0x1e: {  	s7 =	smul.u32 @!p0 $0xF7A, s2;
	p2 =	seq.s32 @!p0 s5, $0x0  }
0x1f: {  	s9 =	smul.u32 $0xF7A, s1;
	s8 =	simm.s32 @!p0 $0x1BF5;
	p2 =	por !p2, p0  }
0x20: {  	[sflag:s8] =	ssyncset.s32 @!p0 $0xFFFFF086;
	s6 =	sadd.s32 @!p0 s3, s7;
	s7 =	simm.s32 @!p0 $0x108  }
0x21: {  	s3 =	sadd.s32 s3, s9;
	s6 =	sadd.s32 @!p0 $0x88, s6;
	s7 =	simm.s32 @p2 $0x1082  }
0x22: {  	[simem:s7], [sflag:s8] =	dma.local @!p0 [hbm:s6], $0xF7A  }
0x23: {  	s9 =	sor.u32 $0xD0000000, s2;
	s6 =	simm.s32 $0x108;
	_ =	swait.ge @!p0 [sflag:s8], $0x0  }
0x24: {  	s3 =	sadd.s32 $0x88, s3;
	s6 =	simm.s32 @!p1 $0x1082;
	[sflag:s4] =	ssyncset.s32 $0xFFFFF086  }
0x25: {  	[simem:s6], [sflag:s4] =	dma.local [hbm:s3], $0xF7A  }
0x26: {  	[smem:$0x3F95] =	sst s1;
	(tag) =	ssettag s2;
	_ =	strace s9  }
0x27: {  	s1 =	sld [smem:$0x3FA5]  }
0x28: {  	s2 =	sld [smem:$0x3FA6]  }
0x29: {  	s4 =	sld [smem:$0x3FA8]  }
0x2a: {  	p0 =	seq.s32 s5, $0x0;
	s5 =	sld [smem:$0x3FA9]  }
0x2b: {  	s6 =	sld [smem:$0x3FAA]  }
0x2c: {  	s7 =	sld [smem:$0x3FAB]  }
0x2d: {  	s3 =	simm.s32 $0x108;
	s8 =	sld [smem:$0x3FAC]  }
0x2e: {  	s3 =	simm.s32 @!p0 $0x1082;
	s9 =	sld [smem:$0x3FAD]  }
0x2f: {  	lr =	sadd.s32 s0, s3;
	s0 =	sld [smem:$0x3FA4]  }
0x30: {  	s3 =	sld [smem:$0x3FA7]  }
0x31: {  	[smem:$0x3FB0] =	sst s10  }
0x32: {  	s10 =	sld [smem:$0x3FAE];
	_ =	sdelay $0x3  }
0x33: {  	p0 =	seq.s32 s10, $0x1;
	s10 =	sld [smem:$0x3FB0];
	_ =	sdelay $0x3  }
0x34: {  	[smem:$0x3FB0] =	sst s10  }
0x35: {  	s10 =	sld [smem:$0x3FAF];
	_ =	sdelay $0x3  }
0x36: {  	p1 =	seq.s32 s10, $0x1;
	s10 =	sld [smem:$0x3FB0];
	_ =	sdelay $0x3  }
0x37: {  	[smem:$0x3FB0] =	sst s10  }
0x38: {  	s10 =	sld [smem:$0x3FB1]  }
0x39: {  	_ = 	snop;
	(pc) =	sbr.ind lr, $3  }
0x3a: {  	_ = 	snop  }
0x3b: {  	_ = 	snop  }
0x3c: {  	p2 =	seq.s32 s10, $0x1;
	s10 =	sld [smem:$0x3FB0]  }
0x3d: {  	_ =	shalt  }
0x3e: {  	_ =	shalt  }
0x3f: {  	_ =	shalt  }
0x40: {  	_ =	shalt  }
0x41: {  	_ =	shalt  }
0x42: {  	_ =	shalt  }
0x43: {  	_ =	shalt  }
0x44: {  	_ =	shalt  }
0x45: {  	_ =	shalt  }
0x46: {  	_ =	shalt  }
0x47: {  	_ =	shalt  }
0x48: {  	_ =	shalt  }
0x49: {  	_ =	shalt  }
0x4a: {  	_ =	shalt  }
0x4b: {  	_ =	shalt  }
0x4c: {  	_ =	shalt  }
0x4d: {  	_ =	shalt  }
0x4e: {  	_ =	shalt  }
0x4f: {  	_ =	shalt  }
0x50: {  	_ =	shalt  }
0x51: {  	_ =	shalt  }
0x52: {  	_ =	shalt  }
0x53: {  	_ =	shalt  }
0x54: {  	_ =	shalt  }
0x55: {  	_ =	shalt  }
0x56: {  	_ =	shalt  }
0x57: {  	_ =	shalt  }
0x58: {  	_ =	shalt  }
0x59: {  	_ =	shalt  }
0x5a: {  	_ =	shalt  }
0x5b: {  	_ =	shalt  }
0x5c: {  	_ =	shalt  }
0x5d: {  	_ =	shalt  }
0x5e: {  	_ =	shalt  }
0x5f: {  	_ =	shalt  }
0x60: {  	_ =	shalt  }
0x61: {  	_ =	shalt  }
0x62: {  	_ =	shalt  }
0x63: {  	_ =	shalt  }
0x64: {  	_ =	shalt  }
0x65: {  	_ =	shalt  }
0x66: {  	_ =	shalt  }
0x67: {  	_ =	shalt  }
0x68: {  	_ =	shalt  }
0x69: {  	_ =	shalt  }
0x6a: {  	_ =	shalt  }
0x6b: {  	_ =	shalt  }
0x6c: {  	_ =	shalt  }
0x6d: {  	_ =	shalt  }
0x6e: {  	_ =	shalt  }
0x6f: {  	_ =	shalt  }
0x70: {  	_ =	shalt  }
0x71: {  	_ =	shalt  }
0x72: {  	_ =	shalt  }
0x73: {  	_ =	shalt  }
0x74: {  	_ =	shalt  }
0x75: {  	_ =	shalt  }
0x76: {  	_ =	shalt  }
0x77: {  	_ =	shalt  }
0x78: {  	_ =	shalt  }
0x79: {  	_ =	shalt  }
0x7a: {  	_ =	shalt  }
0x7b: {  	_ =	shalt  }
0x7c: {  	_ =	shalt  }
0x7d: {  	_ =	shalt  }
0x7e: {  	_ =	shalt  }
0x7f: {  	_ =	shalt  }
0x80: {  	_ =	shalt  }
0x81: {  	_ =	shalt  }
0x82: {  	_ =	shalt  }
0x83: {  	_ =	shalt  }
0x84: {  	_ =	shalt  }
0x85: {  	_ =	shalt  }
0x86: {  	_ =	shalt  }
0x87: {  	_ =	shalt  }
.Lfunc_end0:
.L_simem_size_0:
called_computation.2_lowered:
.L_overlay_start_0:
0x88: {  	s2 =	sld [smem:$0x3FD9]  }
0x89: {  	s3 =	sld [smem:$0x3FFE];
	_ =	sdelay $0x1  }
0x8a: {  	s1 =	srdreg.scid  }
0x8b: {  	s0 =	sand.u32 $0x1, s1  }
0x8c: {  	s17 =	sshll.u32 s0, $0xA;
	s2 =	sadd.s32 s3, s2  }
0x8d: {  	s2 =	sadd.s32 s2, s17  }
0x8e: {  	[smem:$0x3FBC] =	sst s2  }
0x8f: {  	_ = 	snop  }
0x90: {  	s2 =	sld [smem:$0x3FD0];
	(tm) =	ssettm $0x1  }
0x91: {  	s18 =	sld [smem:$0x3FFB];
	_ =	sdelay $0x3  }
0x92: {  	_ =	strace s18  }
0x93: {  	s3 =	sld [smem:$0x3FFC];
	_ =	sdelay $0x3  }
0x94: {  	_ =	strace s3  }
0x95: {  	s3 =	sld [smem:$0x3FFD];
	_ =	sdelay $0x3  }
0x96: {  	_ =	strace s3  }
0x97: {  	_ =	strace $0x8FFFFFFF  }
0x98: {  	s19 =	sld [smem:$0x3FDB];
	_ =	sdelay $0x1  }
0x99: {  	s4 =	simm.s32 $_scs_section_size  }
0x9a: {  	s5 =	simm.s32 $_size__tile_overlayer_lowered;
	s6 =	simm.s32 $_tile_overlayer_lowered  }
0x9b: {  	s22 =	simm.s32 $0x1BFF;
	s21 =	sshll.u32 s6, $0x1;
	s3 =	sadd.s32 s4, s19  }
0x9c: {  	s7 =	simm.s32 $0x0;
	s20 =	sshll.u32 s5, $0x1;
	s5 =	sadd.s32 s21, s3  }
0x9d: {  	[timem:s7], [sflag:s22] =	dma.local [hbm:s5], s20  }
0x9e: {  	_ =	swait.ge [sflag:s22], s20  }
0x9f: {  	s4 =	ssub.s32 $0x0, s20;
	[sflag:s22] =	ssyncset.done $0x0  }
0xa0: {  	[sflag:s22] =	ssyncadd.s32 s4;
	_ =	sdelay $0x1  }
0xa1: {  	s23 =	simm.s32 $0x1B8B  }
0xa2: {  	_ =	swait.ge [sflag:s23], $0x1  }
0xa3: {  	[sflag:s23] =	ssyncset.done $0x0  }
0xa4: {  	s25 =	simm.s32 $0x1B8E;
	s24 =	sld [smem:$0x3FFE];
	[sflag:s23] =	ssyncadd.s32 $0xFFFFFFFF  }
0xa5: {  	s26 =	simm.s32 $execute0_lowered;
	[smem:$0x3FD2] =	sst s25  }
0xa6: {  	s5 =	sshll.u32 s26, $0x1;
	_ =	strace $0x8000004C;
	[dreg:$0x1] =	wrdreg $0xFFFFFFFF  }
0xa7: {  	s28 =	simm.s32 $_size_execute0_lowered;
	s3 =	sadd.s32 s3, s5;
	[dreg:$0x0] =	wrdreg $0x0  }
0xa8: {  	s5 =	sshll.u32 s28, $0x1;
	[dreg:$0x2] =	wrdreg s3  }
0xa9: {  	[dreg:$0x3] =	wrdreg s5  }
0xaa: {  	[dreg:$0x4] =	wrdreg $0xC0  }
0xab: {  	_ =	task [dreg:s7], $0x5FFFF  }
0xac: {  	[dreg:$0x1] =	wrdreg $0xFFFFFFFF  }
0xad: {  	[dreg:$0x0] =	wrdreg $0x60  }
0xae: {  	[dreg:$0x2] =	wrdreg s24  }
0xaf: {  	[dreg:$0x3] =	wrdreg s2  }
0xb0: {  	[dreg:$0x4] =	wrdreg $0x0  }
0xb1: {  	[dreg:$0x5] =	wrdreg $0x9  }
0xb2: {  	_ =	task.clear_ibuf [dreg:s7], $0x6FFFF;
	_ =	strace $0x9000004C  }
0xb3: {  	s29 =	simm.s32 $0x9;
	_ =	strace $0x8000004E  }
0xb4: {  	_ =	swait.ge [sflag:s29], $0x1  }
0xb5: {  	[sflag:s29] =	ssyncadd.s32 $0xFFFFFFFF  }
0xb6: {  	_ =	strace $0x9000004E  }
0xb7: {  	_ =	sfence  }
0xb8: {  	s30 =	sld [smem:$0x0];
	_ =	sdelay $0x2  }
0xb9: {  	s31 =	sshll.u32 s1, $0xD;
	s1 =	sshrl.u32 s1, $0x2  }
0xba: {  	s3 =	sand.u32 $0x4000, s31;
	s1 =	sadd.s32 s1, s30  }
0xbb: {  	s0 =	sor.u32 s3, s0;
	s1 =	sshll.u32 s1, $0x11  }
0xbc: {  	s0 =	sor.u32 s1, s0  }
0xbd: {  	s0 =	sadd.s32 $0x8F2B, s0  }
0xbe: {  	[sflag:s0] =	ssyncadd.remote.s32 $0x1  }
0xbf: {  	_ =	sfence.sel $0xFFFF  }
0xc0: {  	[dreg:$0x0] =	wrdreg $0xFFFFFFFF;
	(pc) =	sbr.abs _section_cstart, $3  }
0xc1: {  	[dreg:$0x1] =	wrdreg $0xFFFFFFFF  }
0xc2: {  	_ =	task.clear_ibuf [dreg:s7], $0x2FFFF;
	_ =	strace $0x9FFFFFFF  }
0xc3: {  	(tm) =	ssettm $0x7FFFFFFF  }
tec
execute0_lowered:
.L_overlay_start_1:
0x0: {  	(tag) =	ssettag $0x1  }
0x1: {  	s0 =	rddreg [dreg:$0x0];
	s1 =	srdreg.scid  }
0x2: {  	s9 =	stileid.u32;
	s3 =	rddreg [dreg:$0x1]  }
0x3: {  	s2 =	rddreg [dreg:$0x2];
	s25 =	simm.s32 $0x0;
	s29 =	simm.s32 $0x50  }
0x4: {  	s30 =	simm.s32 $0x1CF80;
	s31 =	simm.s32 $0x1;
	s28 =	simm.s32 $0x0  }
0x5: {  	s1 =	sand.u32 $0x1, s1;
	s4 =	sshll.u32 s9, $0x1;
	s13 =	smul.u32 $0x280, s9  }
0x6: {  	[smem:$0x7FF] =	sst s25;
	s8 =	smul.u32 $0x50000, s9;
	s5 =	sor.u32 s1, s4  }
0x7: {  	s7 =	smul.u32 $0x28000, s1;
	_ =	strace $0x8000004D;
	s1 =	ssub.s32 $0x2, s1  }
0x8: {  	s4 =	sadd.s32 $0xD200, s0;
	s6 =	smul.u32 $0x4E2, s5;
	s26 =	sshrl.u32 s1, $0x1  }
0x9: {  	s5 =	sshll.u32 s5, $0xB;
	s25 =	sadd.s32 $0xA0, s13;
	s16 =	sadd.s32 $0xF0, s13  }
0xa: {  	s17 =	sadd.s32 $0x140, s13;
	s18 =	sadd.s32 $0x190, s13;
	s19 =	sadd.s32 $0x1E0, s13  }
0xb: {  	s20 =	sadd.s32 $0x230, s13;
	s1 =	ssub.s32 s1, s26;
	s3 =	sadd.s32 s3, s5  }
0xc: {  	s5 =	sshrl.u32 s8, $0x2;
	s8 =	smul.u32 $0x2800, s9;
	s10 =	sshll.u32 s25, $0x7  }
0xd: {  	s11 =	sshll.u32 s16, $0x7;
	s12 =	sshll.u32 s17, $0x7;
	s14 =	sshll.u32 s18, $0x7  }
0xe: {  	s26 =	sshll.u32 s19, $0x7;
	s15 =	sshll.u32 s20, $0x7;
	s21 =	sshll.u32 s16, $0x4  }
0xf: {  	s22 =	sshll.u32 s17, $0x4;
	s23 =	sshll.u32 s18, $0x4;
	s16 =	simm.s32 $0x1A780  }
0x10: {  	s6 =	sadd.s32 s6, s0;
	s0 =	sadd.s32 s7, s0;
	[dreg:$0x5] =	wrdreg s3  }
0x11: {  	s7 =	sadd.s32 s5, s2;
	s1 =	smax.u32 s1, $0x1;
	s10 =	sadd.s32 s10, s2  }
0x12: {  	s11 =	sadd.s32 s11, s2;
	s12 =	sadd.s32 s12, s2;
	s15 =	sadd.s32 s15, s2  }
0x13: {  	s6 =	sadd.s32 $0x3400, s6;
	s0 =	sadd.s32 $0x35200, s0;
	[dreg:$0x6] =	wrdreg s1  }
0x14: {  	s1 =	sshll.u32 s25, $0x4;
	s25 =	sshll.u32 s20, $0x4;
	[dreg:$0x4] =	wrdreg s6  }
0x15: {  	s6 =	sor.u32 $0x50, s13;
	s13 =	sadd.s32 s14, s2;
	s14 =	sadd.s32 s26, s2  }
0x16: {  	s17 =	sadd.s32 s8, s0;
	s20 =	sadd.s32 s21, s0;
	s21 =	sadd.s32 s22, s0  }
0x17: {  	s22 =	sadd.s32 s23, s0;
	s26 =	simm.s32 $0x14000;
	s24 =	sshll.u32 s6, $0x7  }
0x18: {  	s5 =	sshll.u32 s6, $0x4;
	s9 =	sadd.s32 s24, s2;
	s24 =	sshll.u32 s19, $0x4  }
0x19: {  	s18 =	sadd.s32 s5, s0;
	s19 =	sadd.s32 s1, s0;
	s1 =	simm.s32 $0x2  }
0x1a: {  	v0 =	vimm.f32 $0.0e+00;
	s23 =	sadd.s32 s24, s0;
	s24 =	sadd.s32 s25, s0;
	s25 =	simm.s32 $0x3  }
.LBB2_1:
0x1b: {  	s3 =	simm.s32 $0x0  }
0x1c: {  	s0 =	sand.u32 $0xFE00, s3  }
0x1d: {  	s3 =	sand.u32 $0x70, s3;
	s5 =	sshrl.u32 s0, $0x2  }
0x1e: {  	s0 =	simm.s32 $0x40;
	s5 =	sor.u32 s3, s5;
	s3 =	simm.s32 $0x0  }
.LBB2_2:
0x1f: {  	p0 =	sne.s32 s0, $0x9FC0  }
0x20: {  	[tilespmem:s5+$0x1A780] =	vst v0;
	s3 =	sadd.s32 $0x10, s3;
	s5 =	smov.u32 s0;
	s0 =	sadd.s32 $0x40, s0  }
.Ltmp0:
0x21: {  	(pc) =	sbr.rel @p0 .LBB2_2-.Ltmp0, $4  }
0x22: {  	_ = 	snop  }
0x23: {  	s5 =	sand.u32 $0xFE00, s5  }
0x24: {  	s6 =	sand.u32 $0x70, s3;
	s5 =	sshrl.u32 s5, $0x2  }
0x25: {  	s5 =	sor.u32 s6, s5  }
0x26: {  	[tilespmem:s5+$0x1A780] =	vst v0  }
0x27: {  	[spmem:s7] =	stream.linear.scatter [tilespmem:s16], [sflag:$0x3], $0x2800, $0x38;
	[tilespmem:$0x1F780] =	vst v63  }
0x28: {  	_ =	swait.ge [sflag:s25], $0x2800  }
0x29: {  	[sflag:s25] =	ssyncset.done $0x0  }
0x2a: {  	[sflag:s25] =	ssyncadd.s32 $0xFFFFD800  }
0x2b: {  	[spmem:s9] =	stream.linear.scatter [tilespmem:s16], [sflag:$0x3], $0x2800, $0x38;
	[tilespmem:$0x1F780] =	vst v63  }
0x2c: {  	_ =	swait.ge [sflag:s25], $0x2800  }
0x2d: {  	[sflag:s25] =	ssyncset.done $0x0  }
0x2e: {  	[sflag:s25] =	ssyncadd.s32 $0xFFFFD800  }
0x2f: {  	[spmem:s10] =	stream.linear.scatter [tilespmem:s16], [sflag:$0x3], $0x2800, $0x38;
	[tilespmem:$0x1F780] =	vst v63  }
0x30: {  	_ =	swait.ge [sflag:s25], $0x2800  }
0x31: {  	[sflag:s25] =	ssyncset.done $0x0  }
0x32: {  	[sflag:s25] =	ssyncadd.s32 $0xFFFFD800  }
0x33: {  	[spmem:s11] =	stream.linear.scatter [tilespmem:s16], [sflag:$0x3], $0x2800, $0x38;
	[tilespmem:$0x1F780] =	vst v63  }
0x34: {  	_ =	swait.ge [sflag:s25], $0x2800  }
0x35: {  	[sflag:s25] =	ssyncset.done $0x0  }
0x36: {  	[sflag:s25] =	ssyncadd.s32 $0xFFFFD800  }
0x37: {  	[spmem:s12] =	stream.linear.scatter [tilespmem:s16], [sflag:$0x3], $0x2800, $0x38;
	[tilespmem:$0x1F780] =	vst v63  }
0x38: {  	_ =	swait.ge [sflag:s25], $0x2800  }
0x39: {  	[sflag:s25] =	ssyncset.done $0x0  }
0x3a: {  	[sflag:s25] =	ssyncadd.s32 $0xFFFFD800  }
0x3b: {  	[spmem:s13] =	stream.linear.scatter [tilespmem:s16], [sflag:$0x3], $0x2800, $0x38;
	[tilespmem:$0x1F780] =	vst v63  }
0x3c: {  	_ =	swait.ge [sflag:s25], $0x2800  }
0x3d: {  	[sflag:s25] =	ssyncset.done $0x0  }
0x3e: {  	[sflag:s25] =	ssyncadd.s32 $0xFFFFD800  }
0x3f: {  	[spmem:s14] =	stream.linear.scatter [tilespmem:s16], [sflag:$0x3], $0x2800, $0x38;
	[tilespmem:$0x1F780] =	vst v63  }
0x40: {  	_ =	swait.ge [sflag:s25], $0x2800  }
0x41: {  	[sflag:s25] =	ssyncset.done $0x0  }
0x42: {  	[sflag:s25] =	ssyncadd.s32 $0xFFFFD800  }
0x43: {  	[spmem:s15] =	stream.linear.scatter [tilespmem:s16], [sflag:$0x3], $0x2800, $0x38;
	[tilespmem:$0x1F780] =	vst v63  }
0x44: {  	_ =	swait.ge [sflag:s25], $0x2800  }
0x45: {  	[sflag:s25] =	ssyncset.done $0x0  }
0x46: {  	[sflag:s25] =	ssyncadd.s32 $0xFFFFD800  }
0x47: {  	[bflag:$0x0] =	sbarrier.arrive $0xFFFF  }
0x48: {  	s0 =	simm.s32 $0x0;
	s3 =	rddreg [dreg:$0x4]  }
0x49: {  	[tilespmem:s26], [sflag:$0x3] =	stream.linear.gather [hbm4b:s3+s0], $0x2710, $0x38;
	[tilespmem:$0x1F780] =	vst v63  }
0x4a: {  	_ =	swait.ge [sflag:s25], $0x2710  }
0x4b: {  	[sflag:s25] =	ssyncset.done $0x0  }
0x4c: {  	s8 =	simm.s32 $0x16780;
	s6 =	rddreg [dreg:$0x5];
	[sflag:s25] =	ssyncadd.s32 $0xFFFFD8F0  }
0x4d: {  	[tilespmem:s8], [sflag:$0x3] =	stream.linear.gather [hbm4b:s6+s0], $0x3E80, $0x38;
	[tilespmem:$0x1F780] =	vst v63  }
0x4e: {  	_ =	swait.ge [sflag:s25], $0x3E80  }
0x4f: {  	[sflag:s25] =	ssyncset.done $0x0  }
0x50: {  	[sflag:s25] =	ssyncadd.s32 $0xFFFFC180  }
0x51: {  	[tilespmem:s16], [sflag:$0x1] =	stream.indirect.gather [hbm4b:s4+s29], $0x80, s26, s29, $0xb8;
	[tilespmem:$0x1F780] =	vst v63  }
0x52: {  	s3 =	simm.s32 $0x14050  }
0x53: {  	[tilespmem:s30], [sflag:$0x2] =	stream.indirect.gather [hbm4b:s4+s29], $0x80, s3, s29, $0xb8;
	[tilespmem:$0x1F780] =	vst v63  }
0x54: {  	_ =	swait.ge [sflag:s31], $0x2800  }
0x55: {  	[sflag:s31] =	ssyncset.done $0x0  }
0x56: {  	s5 =	simm.s32 $0x16780;
	[sflag:s31] =	ssyncadd.s32 $0xFFFFD800  }
0x57: {  	[spmem:s2] =	stream.indirect.scatter.add.f32 [tilespmem:s16], [sflag:$0x3], $0x80, s5, s29, $0xb8;
	[tilespmem:$0x1F780] =	vst v63  }
0x58: {  	_ =	swait.ge [sflag:s25], $0x2800  }
0x59: {  	[sflag:s25] =	ssyncset.done $0x0  }
0x5a: {  	s6 =	simm.s32 $0x140A0;
	[sflag:s25] =	ssyncadd.s32 $0xFFFFD800  }
0x5b: {  	[tilespmem:s16], [sflag:$0x1] =	stream.indirect.gather [hbm4b:s4+s29], $0x80, s6, s29, $0xb8;
	[tilespmem:$0x1F780] =	vst v63  }
0x5c: {  	_ =	swait.ge [sflag:s1], $0x2800  }
0x5d: {  	[sflag:s1] =	ssyncset.done $0x0  }
0x5e: {  	s8 =	simm.s32 $0x16800;
	[sflag:s1] =	ssyncadd.s32 $0xFFFFD800  }
0x5f: {  	[spmem:s2] =	stream.indirect.scatter.add.f32 [tilespmem:s30], [sflag:$0x3], $0x80, s8, s29, $0xb8;
	[tilespmem:$0x1F780] =	vst v63  }
0x60: {  	s0 =	simm.s32 $0x14140;
	_ =	swait.ge [sflag:s25], $0x2800  }
0x61: {  	s3 =	simm.s32 $0x400;
	s5 =	simm.s32 $0x800;
	[sflag:s25] =	ssyncset.done $0x0  }
.LBB2_4:
0x62: {  	p0 =	sne.s32 s5, $0xF400;
	s6 =	sadd.s32 $0xFFFFFFB0, s0;
	[sflag:s25] =	ssyncadd.s32 $0xFFFFD800  }
0x63: {  	[tilespmem:s30], [sflag:$0x2] =	stream.indirect.gather [hbm4b:s4+s29], $0x80, s6, s29, $0xb8;
	[tilespmem:$0x1F780] =	vst v63  }
0x64: {  	s6 =	smov.u32 s5;
	s5 =	sadd.s32 $0x400, s5;
	_ =	swait.ge [sflag:s31], $0x2800  }
0x65: {  	s8 =	sshra.s32 s3, $0x2;
	s3 =	smov.u32 s6;
	[sflag:s31] =	ssyncset.done $0x0  }
0x66: {  	s6 =	sadd.s32 $0x16780, s8;
	[sflag:s31] =	ssyncadd.s32 $0xFFFFD800  }
0x67: {  	[spmem:s2] =	stream.indirect.scatter.add.f32 [tilespmem:s16], [sflag:$0x3], $0x80, s6, s29, $0xb8;
	[tilespmem:$0x1F780] =	vst v63  }
0x68: {  	_ =	swait.ge [sflag:s25], $0x2800  }
0x69: {  	[sflag:s25] =	ssyncset.done $0x0  }
0x6a: {  	[sflag:s25] =	ssyncadd.s32 $0xFFFFD800  }
0x6b: {  	[tilespmem:s16], [sflag:$0x1] =	stream.indirect.gather [hbm4b:s4+s29], $0x80, s0, s29, $0xb8;
	[tilespmem:$0x1F780] =	vst v63  }
0x6c: {  	_ =	swait.ge [sflag:s1], $0x2800  }
.Ltmp1:
0x6d: {  	[sflag:s1] =	ssyncset.done $0x0;
	(pc) =	sbr.rel @p0 .LBB2_4-.Ltmp1, $4  }
0x6e: {  	s6 =	sadd.s32 $0x16800, s8;
	[sflag:s1] =	ssyncadd.s32 $0xFFFFD800  }
0x6f: {  	[spmem:s2] =	stream.indirect.scatter.add.f32 [tilespmem:s30], [sflag:$0x3], $0x80, s6, s29, $0xb8;
	[tilespmem:$0x1F780] =	vst v63  }
0x70: {  	_ =	swait.ge [sflag:s25], $0x2800  }
0x71: {  	s0 =	sadd.s32 $0xA0, s0;
	[sflag:s25] =	ssyncset.done $0x0  }
0x72: {  	s5 =	sadd.s32 $0xFFFFFFB0, s0;
	[sflag:s25] =	ssyncadd.s32 $0xFFFFD800  }
0x73: {  	[tilespmem:s30], [sflag:$0x2] =	stream.indirect.gather [hbm4b:s4+s29], $0x80, s5, s29, $0xb8;
	[tilespmem:$0x1F780] =	vst v63  }
0x74: {  	_ =	swait.ge [sflag:s31], $0x2800  }
0x75: {  	s3 =	sshra.s32 s3, $0x2;
	[sflag:s31] =	ssyncset.done $0x0  }
0x76: {  	s8 =	sadd.s32 $0x16780, s3;
	[sflag:s31] =	ssyncadd.s32 $0xFFFFD800  }
0x77: {  	[spmem:s2] =	stream.indirect.scatter.add.f32 [tilespmem:s16], [sflag:$0x3], $0x80, s8, s29, $0xb8;
	[tilespmem:$0x1F780] =	vst v63  }
0x78: {  	_ =	swait.ge [sflag:s25], $0x2800  }
0x79: {  	[sflag:s25] =	ssyncset.done $0x0  }
0x7a: {  	[sflag:s25] =	ssyncadd.s32 $0xFFFFD800  }
0x7b: {  	[tilespmem:s16], [sflag:$0x1] =	stream.indirect.gather [hbm4b:s4+s29], $0x80, s0, s29, $0xb8;
	[tilespmem:$0x1F780] =	vst v63  }
0x7c: {  	_ =	swait.ge [sflag:s1], $0x2800  }
0x7d: {  	[sflag:s1] =	ssyncset.done $0x0  }
0x7e: {  	s6 =	sadd.s32 $0x16800, s3;
	[sflag:s1] =	ssyncadd.s32 $0xFFFFD800  }
0x7f: {  	[spmem:s2] =	stream.indirect.scatter.add.f32 [tilespmem:s30], [sflag:$0x3], $0x80, s6, s29, $0xb8;
	[tilespmem:$0x1F780] =	vst v63  }
0x80: {  	_ =	swait.ge [sflag:s25], $0x2800  }
0x81: {  	[sflag:s25] =	ssyncset.done $0x0  }
0x82: {  	[sflag:s25] =	ssyncadd.s32 $0xFFFFD800  }
0x83: {  	_ =	swait.ge [sflag:s31], $0x2800  }
0x84: {  	[sflag:s31] =	ssyncset.done $0x0  }
0x85: {  	s8 =	simm.s32 $0x1A580;
	[sflag:s31] =	ssyncadd.s32 $0xFFFFD800  }
0x86: {  	[spmem:s2] =	stream.indirect.scatter.add.f32 [tilespmem:s16], [sflag:$0x3], $0x80, s8, s29, $0xb8;
	[tilespmem:$0x1F780] =	vst v63  }
0x87: {  	_ =	swait.ge [sflag:s25], $0x2800  }
0x88: {  	s3 =	stileid.u32;
	[sflag:s25] =	ssyncset.done $0x0  }
0x89: {  	s0 =	sshll.u32 s3, $0x6;
	[sflag:s25] =	ssyncadd.s32 $0xFFFFD800  }
0x8a: {  	s5 =	sshrl.u32 s7, $0x3;
	s0 =	sor.u32 $0x1C03, s0;
	[bflag:$0x0] =	sbarrier.arrive $0xFFFF  }
0x8b: {  	[hbm:s17], [sflag:s0] =	dma.local [spmem:s5], $0x500  }
0x8c: {  	_ =	swait.ge [sflag:s25], $0x500  }
0x8d: {  	[sflag:s25] =	ssyncset.done $0x0  }
0x8e: {  	s6 =	sshrl.u32 s9, $0x3;
	[sflag:s25] =	ssyncadd.s32 $0xFFFFFB00  }
0x8f: {  	[hbm:s18], [sflag:s0] =	dma.local [spmem:s6], $0x500  }
0x90: {  	_ =	swait.ge [sflag:s25], $0x500  }
0x91: {  	[sflag:s25] =	ssyncset.done $0x0  }
0x92: {  	s8 =	sshrl.u32 s10, $0x3;
	[sflag:s25] =	ssyncadd.s32 $0xFFFFFB00  }
0x93: {  	[hbm:s19], [sflag:s0] =	dma.local [spmem:s8], $0x500  }
0x94: {  	_ =	swait.ge [sflag:s25], $0x500  }
0x95: {  	[sflag:s25] =	ssyncset.done $0x0  }
0x96: {  	s5 =	sshrl.u32 s11, $0x3;
	[sflag:s25] =	ssyncadd.s32 $0xFFFFFB00  }
0x97: {  	[hbm:s20], [sflag:s0] =	dma.local [spmem:s5], $0x500  }
0x98: {  	_ =	swait.ge [sflag:s25], $0x500  }
0x99: {  	[sflag:s25] =	ssyncset.done $0x0  }
0x9a: {  	s6 =	sshrl.u32 s12, $0x3;
	[sflag:s25] =	ssyncadd.s32 $0xFFFFFB00  }
0x9b: {  	[hbm:s21], [sflag:s0] =	dma.local [spmem:s6], $0x500  }
0x9c: {  	_ =	swait.ge [sflag:s25], $0x500  }
0x9d: {  	[sflag:s25] =	ssyncset.done $0x0  }
0x9e: {  	s8 =	sshrl.u32 s13, $0x3;
	[sflag:s25] =	ssyncadd.s32 $0xFFFFFB00  }
0x9f: {  	[hbm:s22], [sflag:s0] =	dma.local [spmem:s8], $0x500  }
0xa0: {  	_ =	swait.ge [sflag:s25], $0x500  }
0xa1: {  	[sflag:s25] =	ssyncset.done $0x0  }
0xa2: {  	s5 =	sshrl.u32 s14, $0x3;
	[sflag:s25] =	ssyncadd.s32 $0xFFFFFB00  }
0xa3: {  	[hbm:s23], [sflag:s0] =	dma.local [spmem:s5], $0x500  }
0xa4: {  	_ =	swait.ge [sflag:s25], $0x500  }
0xa5: {  	[sflag:s25] =	ssyncset.done $0x0  }
0xa6: {  	s6 =	sshrl.u32 s15, $0x3;
	[sflag:s25] =	ssyncadd.s32 $0xFFFFFB00  }
0xa7: {  	[hbm:s24], [sflag:s0] =	dma.local [spmem:s6], $0x500  }
0xa8: {  	_ =	swait.ge [sflag:s25], $0x500  }
0xa9: {  	s28 =	sadd.s32 $0x1, s28;
	s8 =	rddreg [dreg:$0x6]  }
0xaa: {  	p0 =	sne.s32 s28, s8  }
.Ltmp2:
0xab: {  	_ = 	snop;
	(pc) =	sbr.rel @p0 .LBB2_1-.Ltmp2, $3  }
0xac: {  	_ =	sdelay $0x1  }
0xad: {  	[sflag:s25] =	ssyncset.done $0x0  }
0xae: {  	[sflag:s25] =	ssyncadd.s32 $0xFFFFFB00  }
0xaf: {  	_ =	sfence.sel $0x180000  }
0xb0: {  	[bflag:$0x0] =	sbarrier.arrive $0xFFFF  }
0xb1: {  	_ =	strace $0x9000004D  }
0xb2: {  	s0 =	stileid.u32;
	[bflag:$0x2] =	sbarrier.arrive $0xFFFF  }
0xb3: {  	p0 =	sne.s32 s0, $0x0;
	s0 =	rddreg [dreg:$0x3]  }
0xb4: {  	s0 =	sadd.s32 @!p0 $0x100000, s0  }
0xb5: {  	[sflag:s0] =	ssyncadd.tile.s32 @!p0 $0x1;
	_ =	shalt  }
.Lfunc_end2:
_tile_overlayer_lowered:
.L_overlay_start_2:
0xb6: {  	(tag) =	ssettag $0x2  }
0xb7: {  	s0 =	rddreg [dreg:$0x0];
	s2 =	stileid.u32  }
0xb8: {  	s1 =	rddreg [dreg:$0x1];
	p0 =	sne.s32 s2, $0x0  }
0xb9: {  	s3 =	rddreg [dreg:$0x2];
	[bflag:$0x3] =	sbarrier.arrive $0xFFFF;
	s2 =	simm.s32 @!p0 $0x1C03  }
0xba: {  	[timem:s3], [sflag:s2] =	dma.local @!p0 [hbm:s0], s1  }
0xbb: {  	s0 =	simm.s32 @!p0 $0x3  }
0xbc: {  	_ =	swait.ge @!p0 [sflag:s0], s1  }
0xbd: {  	s1 =	ssub.s32 @!p0 $0x0, s1;
	[sflag:s0] =	ssyncset.done @!p0 $0x0  }
0xbe: {  	[sflag:s0] =	ssyncadd.s32 @!p0 s1  }
0xbf: {  	[bflag:$0x3] =	sbarrier.arrive $0xFFFF  }
0xc0: {  	_ =	shalt  }

// kernel: kernel.19.cloned.1.call-start
scs
__scs_entry_jumppad:
0x0: {  	(pc) =	sbr.rel $0x88, $3  }
0x1: {  	(tag) =	ssettag $0x0;
	lr =	simm.s32 $0x1  }
0x2: {  	[smem:$0x3F95] =	sst lr;
	_ =	strace $0xD0000000  }
0x3: {  	_ = 	snop  }
0x4: {  	_ = 	snop  }
0x5: {  	_ = 	snop  }
0x6: {  	_ = 	snop  }
0x7: {  	_ = 	snop  }
__scs_overlays_trampoline_lowered:
0x8: {  	[smem:$0x3FA4] =	sst s0  }
0x9: {  	[smem:$0x3FA5] =	sst s1  }
0xa: {  	[smem:$0x3FA6] =	sst s2  }
0xb: {  	[smem:$0x3FA7] =	sst s3  }
0xc: {  	[smem:$0x3FA8] =	sst s4  }
0xd: {  	[smem:$0x3FA9] =	sst s5  }
0xe: {  	[smem:$0x3FAA] =	sst s6  }
0xf: {  	[smem:$0x3FAB] =	sst s7  }
0x10: {  	[smem:$0x3FAC] =	sst s8  }
0x11: {  	[smem:$0x3FAD] =	sst s9;
	s0 =	simm.s32 @!p0 $0x0  }
0x12: {  	s1 =	sld [smem:$0x3F93];
	s0 =	simm.s32 @p0 $0x1  }
0x13: {  	[smem:$0x3FAE] =	sst s0;
	s0 =	simm.s32 @!p1 $0x0  }
0x14: {  	s2 =	sld [smem:$0x3F92];
	s0 =	simm.s32 @p1 $0x1  }
0x15: {  	[smem:$0x3FAF] =	sst s0;
	s0 =	simm.s32 @!p2 $0x0  }
0x16: {  	s3 =	sld [smem:$0x3FDB];
	s0 =	simm.s32 @p2 $0x1  }
0x17: {  	s4 =	simm.s32 $0x1BF5;
	[smem:$0x3FB1] =	sst s0  }
0x18: {  	s0 =	sld [smem:$0x3F94];
	_ =	swait.ge [sflag:s4], $0x0  }
0x19: {  	s7 =	sld [smem:$0x3F95]  }
0x1a: {  	s8 =	sadd.s32 $0xFFFFE003, lr  }
0x1b: {  	s9 =	sadd.s32 $0xFFFFFEF7, lr;
	s5 =	simm.s32 $0xFFFFFFFF;
	p2 =	slt.u32 s8, $0xFFFFF086  }
0x1c: {  	p1 =	slt.u32 s9, $0xF7A;
	s5 =	simm.s32 @!p2 $0x0  }
0x1d: {  	s5 =	simm.s32 @p1 $0x1;
	p0 =	seq.s32 s7, s2  }
0x1e: {  	s7 =	smul.u32 @!p0 $0xF7A, s2;
	p2 =	seq.s32 @!p0 s5, $0x0  }
0x1f: {  	s9 =	smul.u32 $0xF7A, s1;
	s8 =	simm.s32 @!p0 $0x1BF5;
	p2 =	por !p2, p0  }
0x20: {  	[sflag:s8] =	ssyncset.s32 @!p0 $0xFFFFF086;
	s6 =	sadd.s32 @!p0 s3, s7;
	s7 =	simm.s32 @!p0 $0x108  }
0x21: {  	s3 =	sadd.s32 s3, s9;
	s6 =	sadd.s32 @!p0 $0x88, s6;
	s7 =	simm.s32 @p2 $0x1082  }
0x22: {  	[simem:s7], [sflag:s8] =	dma.local @!p0 [hbm:s6], $0xF7A  }
0x23: {  	s9 =	sor.u32 $0xD0000000, s2;
	s6 =	simm.s32 $0x108;
	_ =	swait.ge @!p0 [sflag:s8], $0x0  }
0x24: {  	s3 =	sadd.s32 $0x88, s3;
	s6 =	simm.s32 @!p1 $0x1082;
	[sflag:s4] =	ssyncset.s32 $0xFFFFF086  }
0x25: {  	[simem:s6], [sflag:s4] =	dma.local [hbm:s3], $0xF7A  }
0x26: {  	[smem:$0x3F95] =	sst s1;
	(tag) =	ssettag s2;
	_ =	strace s9  }
0x27: {  	s1 =	sld [smem:$0x3FA5]  }
0x28: {  	s2 =	sld [smem:$0x3FA6]  }
0x29: {  	s4 =	sld [smem:$0x3FA8]  }
0x2a: {  	p0 =	seq.s32 s5, $0x0;
	s5 =	sld [smem:$0x3FA9]  }
0x2b: {  	s6 =	sld [smem:$0x3FAA]  }
0x2c: {  	s7 =	sld [smem:$0x3FAB]  }
0x2d: {  	s3 =	simm.s32 $0x108;
	s8 =	sld [smem:$0x3FAC]  }
0x2e: {  	s3 =	simm.s32 @!p0 $0x1082;
	s9 =	sld [smem:$0x3FAD]  }
0x2f: {  	lr =	sadd.s32 s0, s3;
	s0 =	sld [smem:$0x3FA4]  }
0x30: {  	s3 =	sld [smem:$0x3FA7]  }
0x31: {  	[smem:$0x3FB0] =	sst s10  }
0x32: {  	s10 =	sld [smem:$0x3FAE];
	_ =	sdelay $0x3  }
0x33: {  	p0 =	seq.s32 s10, $0x1;
	s10 =	sld [smem:$0x3FB0];
	_ =	sdelay $0x3  }
0x34: {  	[smem:$0x3FB0] =	sst s10  }
0x35: {  	s10 =	sld [smem:$0x3FAF];
	_ =	sdelay $0x3  }
0x36: {  	p1 =	seq.s32 s10, $0x1;
	s10 =	sld [smem:$0x3FB0];
	_ =	sdelay $0x3  }
0x37: {  	[smem:$0x3FB0] =	sst s10  }
0x38: {  	s10 =	sld [smem:$0x3FB1]  }
0x39: {  	_ = 	snop;
	(pc) =	sbr.ind lr, $3  }
0x3a: {  	_ = 	snop  }
0x3b: {  	_ = 	snop  }
0x3c: {  	p2 =	seq.s32 s10, $0x1;
	s10 =	sld [smem:$0x3FB0]  }
0x3d: {  	_ =	shalt  }
0x3e: {  	_ =	shalt  }
0x3f: {  	_ =	shalt  }
0x40: {  	_ =	shalt  }
0x41: {  	_ =	shalt  }
0x42: {  	_ =	shalt  }
0x43: {  	_ =	shalt  }
0x44: {  	_ =	shalt  }
0x45: {  	_ =	shalt  }
0x46: {  	_ =	shalt  }
0x47: {  	_ =	shalt  }
0x48: {  	_ =	shalt  }
0x49: {  	_ =	shalt  }
0x4a: {  	_ =	shalt  }
0x4b: {  	_ =	shalt  }
0x4c: {  	_ =	shalt  }
0x4d: {  	_ =	shalt  }
0x4e: {  	_ =	shalt  }
0x4f: {  	_ =	shalt  }
0x50: {  	_ =	shalt  }
0x51: {  	_ =	shalt  }
0x52: {  	_ =	shalt  }
0x53: {  	_ =	shalt  }
0x54: {  	_ =	shalt  }
0x55: {  	_ =	shalt  }
0x56: {  	_ =	shalt  }
0x57: {  	_ =	shalt  }
0x58: {  	_ =	shalt  }
0x59: {  	_ =	shalt  }
0x5a: {  	_ =	shalt  }
0x5b: {  	_ =	shalt  }
0x5c: {  	_ =	shalt  }
0x5d: {  	_ =	shalt  }
0x5e: {  	_ =	shalt  }
0x5f: {  	_ =	shalt  }
0x60: {  	_ =	shalt  }
0x61: {  	_ =	shalt  }
0x62: {  	_ =	shalt  }
0x63: {  	_ =	shalt  }
0x64: {  	_ =	shalt  }
0x65: {  	_ =	shalt  }
0x66: {  	_ =	shalt  }
0x67: {  	_ =	shalt  }
0x68: {  	_ =	shalt  }
0x69: {  	_ =	shalt  }
0x6a: {  	_ =	shalt  }
0x6b: {  	_ =	shalt  }
0x6c: {  	_ =	shalt  }
0x6d: {  	_ =	shalt  }
0x6e: {  	_ =	shalt  }
0x6f: {  	_ =	shalt  }
0x70: {  	_ =	shalt  }
0x71: {  	_ =	shalt  }
0x72: {  	_ =	shalt  }
0x73: {  	_ =	shalt  }
0x74: {  	_ =	shalt  }
0x75: {  	_ =	shalt  }
0x76: {  	_ =	shalt  }
0x77: {  	_ =	shalt  }
0x78: {  	_ =	shalt  }
0x79: {  	_ =	shalt  }
0x7a: {  	_ =	shalt  }
0x7b: {  	_ =	shalt  }
0x7c: {  	_ =	shalt  }
0x7d: {  	_ =	shalt  }
0x7e: {  	_ =	shalt  }
0x7f: {  	_ =	shalt  }
0x80: {  	_ =	shalt  }
0x81: {  	_ =	shalt  }
0x82: {  	_ =	shalt  }
0x83: {  	_ =	shalt  }
0x84: {  	_ =	shalt  }
0x85: {  	_ =	shalt  }
0x86: {  	_ =	shalt  }
0x87: {  	_ =	shalt  }
.Lfunc_end0:
.L_simem_size_0:
called_computation.3_lowered:
.L_overlay_start_0:
0x88: {  	s2 =	sld [smem:$0x3FD9]  }
0x89: {  	s3 =	sld [smem:$0x3FFE];
	_ =	sdelay $0x1  }
0x8a: {  	s1 =	srdreg.scid  }
0x8b: {  	s0 =	sand.u32 $0x1, s1  }
0x8c: {  	s17 =	sshll.u32 s0, $0xA;
	s2 =	sadd.s32 s3, s2  }
0x8d: {  	s2 =	sadd.s32 s2, s17  }
0x8e: {  	[smem:$0x3FBC] =	sst s2  }
0x8f: {  	_ = 	snop  }
0x90: {  	s2 =	sld [smem:$0x3FD0];
	(tm) =	ssettm $0x1  }
0x91: {  	s18 =	sld [smem:$0x3FFB];
	_ =	sdelay $0x3  }
0x92: {  	_ =	strace s18  }
0x93: {  	s3 =	sld [smem:$0x3FFC];
	_ =	sdelay $0x3  }
0x94: {  	_ =	strace s3  }
0x95: {  	s3 =	sld [smem:$0x3FFD];
	_ =	sdelay $0x3  }
0x96: {  	_ =	strace s3  }
0x97: {  	_ =	strace $0x8FFFFFFF  }
0x98: {  	s19 =	sld [smem:$0x3FDB];
	_ =	sdelay $0x1  }
0x99: {  	s4 =	simm.s32 $_scs_section_size  }
0x9a: {  	s5 =	simm.s32 $_size__tile_overlayer_lowered;
	s6 =	simm.s32 $_tile_overlayer_lowered  }
0x9b: {  	s22 =	simm.s32 $0x1BFF;
	s21 =	sshll.u32 s6, $0x1;
	s3 =	sadd.s32 s4, s19  }
0x9c: {  	s7 =	simm.s32 $0x0;
	s20 =	sshll.u32 s5, $0x1;
	s5 =	sadd.s32 s21, s3  }
0x9d: {  	[timem:s7], [sflag:s22] =	dma.local [hbm:s5], s20  }
0x9e: {  	_ =	swait.ge [sflag:s22], s20  }
0x9f: {  	s4 =	ssub.s32 $0x0, s20;
	[sflag:s22] =	ssyncset.done $0x0  }
0xa0: {  	[sflag:s22] =	ssyncadd.s32 s4;
	_ =	sdelay $0x1  }
0xa1: {  	s23 =	simm.s32 $0x1B8B  }
0xa2: {  	_ =	swait.ge [sflag:s23], $0x1  }
0xa3: {  	[sflag:s23] =	ssyncset.done $0x0  }
0xa4: {  	s25 =	simm.s32 $0x1B8E;
	s24 =	sld [smem:$0x3FFE];
	[sflag:s23] =	ssyncadd.s32 $0xFFFFFFFF  }
0xa5: {  	s26 =	simm.s32 $execute0_lowered;
	[smem:$0x3FD2] =	sst s25  }
0xa6: {  	s5 =	sshll.u32 s26, $0x1;
	_ =	strace $0x8000004F;
	[dreg:$0x1] =	wrdreg $0xFFFFFFFF  }
0xa7: {  	s28 =	simm.s32 $_size_execute0_lowered;
	s3 =	sadd.s32 s3, s5;
	[dreg:$0x0] =	wrdreg $0x0  }
0xa8: {  	s5 =	sshll.u32 s28, $0x1;
	[dreg:$0x2] =	wrdreg s3  }
0xa9: {  	[dreg:$0x3] =	wrdreg s5  }
0xaa: {  	[dreg:$0x4] =	wrdreg $0xC0  }
0xab: {  	_ =	task [dreg:s7], $0x5FFFF  }
0xac: {  	[dreg:$0x1] =	wrdreg $0xFFFFFFFF  }
0xad: {  	[dreg:$0x0] =	wrdreg $0x60  }
0xae: {  	[dreg:$0x2] =	wrdreg s24  }
0xaf: {  	[dreg:$0x3] =	wrdreg s2  }
0xb0: {  	[dreg:$0x4] =	wrdreg $0x0  }
0xb1: {  	[dreg:$0x5] =	wrdreg $0x9  }
0xb2: {  	_ =	task.clear_ibuf [dreg:s7], $0x6FFFF;
	_ =	strace $0x9000004F  }
0xb3: {  	s29 =	simm.s32 $0x9;
	_ =	strace $0x80000051  }
0xb4: {  	_ =	swait.ge [sflag:s29], $0x1  }
0xb5: {  	[sflag:s29] =	ssyncadd.s32 $0xFFFFFFFF  }
0xb6: {  	_ =	strace $0x90000051  }
0xb7: {  	_ =	sfence  }
0xb8: {  	s30 =	sld [smem:$0x0];
	_ =	sdelay $0x2  }
0xb9: {  	s31 =	sshll.u32 s1, $0xD;
	s1 =	sshrl.u32 s1, $0x2  }
0xba: {  	s3 =	sand.u32 $0x4000, s31;
	s1 =	sadd.s32 s1, s30  }
0xbb: {  	s0 =	sor.u32 s3, s0;
	s1 =	sshll.u32 s1, $0x11  }
0xbc: {  	s0 =	sor.u32 s1, s0  }
0xbd: {  	s0 =	sadd.s32 $0x8F2B, s0  }
0xbe: {  	[sflag:s0] =	ssyncadd.remote.s32 $0x1  }
0xbf: {  	_ =	sfence.sel $0xFFFF  }
0xc0: {  	[dreg:$0x0] =	wrdreg $0xFFFFFFFF;
	(pc) =	sbr.abs _section_cstart, $3  }
0xc1: {  	[dreg:$0x1] =	wrdreg $0xFFFFFFFF  }
0xc2: {  	_ =	task.clear_ibuf [dreg:s7], $0x2FFFF;
	_ =	strace $0x9FFFFFFF  }
0xc3: {  	(tm) =	ssettm $0x7FFFFFFF  }
tec
execute0_lowered:
.L_overlay_start_1:
0x0: {  	(tag) =	ssettag $0x1  }
0x1: {  	s0 =	rddreg [dreg:$0x0];
	s1 =	srdreg.scid  }
0x2: {  	s9 =	stileid.u32;
	s3 =	rddreg [dreg:$0x1]  }
0x3: {  	s2 =	rddreg [dreg:$0x2];
	s25 =	simm.s32 $0x0;
	s29 =	simm.s32 $0x50  }
0x4: {  	s30 =	simm.s32 $0x1CF80;
	s31 =	simm.s32 $0x1;
	s28 =	simm.s32 $0x0  }
0x5: {  	s1 =	sand.u32 $0x1, s1;
	s4 =	sshll.u32 s9, $0x1;
	s13 =	smul.u32 $0x280, s9  }
0x6: {  	[smem:$0x7FF] =	sst s25;
	s8 =	smul.u32 $0x50000, s9;
	s5 =	sor.u32 s1, s4  }
0x7: {  	s7 =	smul.u32 $0x28000, s1;
	_ =	strace $0x80000050;
	s1 =	ssub.s32 $0x2, s1  }
0x8: {  	s4 =	sadd.s32 $0xD200, s0;
	s6 =	smul.u32 $0x4E2, s5;
	s26 =	sshrl.u32 s1, $0x1  }
0x9: {  	s5 =	sshll.u32 s5, $0xB;
	s25 =	sadd.s32 $0xA0, s13;
	s16 =	sadd.s32 $0xF0, s13  }
0xa: {  	s17 =	sadd.s32 $0x140, s13;
	s18 =	sadd.s32 $0x190, s13;
	s19 =	sadd.s32 $0x1E0, s13  }
0xb: {  	s20 =	sadd.s32 $0x230, s13;
	s1 =	ssub.s32 s1, s26;
	s3 =	sadd.s32 s3, s5  }
0xc: {  	s5 =	sshrl.u32 s8, $0x2;
	s8 =	smul.u32 $0x2800, s9;
	s10 =	sshll.u32 s25, $0x7  }
0xd: {  	s11 =	sshll.u32 s16, $0x7;
	s12 =	sshll.u32 s17, $0x7;
	s14 =	sshll.u32 s18, $0x7  }
0xe: {  	s26 =	sshll.u32 s19, $0x7;
	s15 =	sshll.u32 s20, $0x7;
	s21 =	sshll.u32 s16, $0x4  }
0xf: {  	s22 =	sshll.u32 s17, $0x4;
	s23 =	sshll.u32 s18, $0x4;
	s16 =	simm.s32 $0x1A780  }
0x10: {  	s6 =	sadd.s32 s6, s0;
	s0 =	sadd.s32 s7, s0;
	[dreg:$0x5] =	wrdreg s3  }
0x11: {  	s7 =	sadd.s32 s5, s2;
	s1 =	smax.u32 s1, $0x1;
	s10 =	sadd.s32 s10, s2  }
0x12: {  	s11 =	sadd.s32 s11, s2;
	s12 =	sadd.s32 s12, s2;
	s15 =	sadd.s32 s15, s2  }
0x13: {  	s6 =	sadd.s32 $0x3400, s6;
	s0 =	sadd.s32 $0x35200, s0;
	[dreg:$0x6] =	wrdreg s1  }
0x14: {  	s1 =	sshll.u32 s25, $0x4;
	s25 =	sshll.u32 s20, $0x4;
	[dreg:$0x4] =	wrdreg s6  }
0x15: {  	s6 =	sor.u32 $0x50, s13;
	s13 =	sadd.s32 s14, s2;
	s14 =	sadd.s32 s26, s2  }
0x16: {  	s17 =	sadd.s32 s8, s0;
	s20 =	sadd.s32 s21, s0;
	s21 =	sadd.s32 s22, s0  }
0x17: {  	s22 =	sadd.s32 s23, s0;
	s26 =	simm.s32 $0x14000;
	s24 =	sshll.u32 s6, $0x7  }
0x18: {  	s5 =	sshll.u32 s6, $0x4;
	s9 =	sadd.s32 s24, s2;
	s24 =	sshll.u32 s19, $0x4  }
0x19: {  	s18 =	sadd.s32 s5, s0;
	s19 =	sadd.s32 s1, s0;
	s1 =	simm.s32 $0x2  }
0x1a: {  	v0 =	vimm.f32 $0.0e+00;
	s23 =	sadd.s32 s24, s0;
	s24 =	sadd.s32 s25, s0;
	s25 =	simm.s32 $0x3  }
.LBB2_1:
0x1b: {  	s3 =	simm.s32 $0x0  }
0x1c: {  	s0 =	sand.u32 $0xFE00, s3  }
0x1d: {  	s3 =	sand.u32 $0x70, s3;
	s5 =	sshrl.u32 s0, $0x2  }
0x1e: {  	s0 =	simm.s32 $0x40;
	s5 =	sor.u32 s3, s5;
	s3 =	simm.s32 $0x0  }
.LBB2_2:
0x1f: {  	p0 =	sne.s32 s0, $0x9FC0  }
0x20: {  	[tilespmem:s5+$0x1A780] =	vst v0;
	s3 =	sadd.s32 $0x10, s3;
	s5 =	smov.u32 s0;
	s0 =	sadd.s32 $0x40, s0  }
.Ltmp0:
0x21: {  	(pc) =	sbr.rel @p0 .LBB2_2-.Ltmp0, $4  }
0x22: {  	_ = 	snop  }
0x23: {  	s5 =	sand.u32 $0xFE00, s5  }
0x24: {  	s6 =	sand.u32 $0x70, s3;
	s5 =	sshrl.u32 s5, $0x2  }
0x25: {  	s5 =	sor.u32 s6, s5  }
0x26: {  	[tilespmem:s5+$0x1A780] =	vst v0  }
0x27: {  	[spmem:s7] =	stream.linear.scatter [tilespmem:s16], [sflag:$0x3], $0x2800, $0x38;
	[tilespmem:$0x1F780] =	vst v63  }
0x28: {  	_ =	swait.ge [sflag:s25], $0x2800  }
0x29: {  	[sflag:s25] =	ssyncset.done $0x0  }
0x2a: {  	[sflag:s25] =	ssyncadd.s32 $0xFFFFD800  }
0x2b: {  	[spmem:s9] =	stream.linear.scatter [tilespmem:s16], [sflag:$0x3], $0x2800, $0x38;
	[tilespmem:$0x1F780] =	vst v63  }
0x2c: {  	_ =	swait.ge [sflag:s25], $0x2800  }
0x2d: {  	[sflag:s25] =	ssyncset.done $0x0  }
0x2e: {  	[sflag:s25] =	ssyncadd.s32 $0xFFFFD800  }
0x2f: {  	[spmem:s10] =	stream.linear.scatter [tilespmem:s16], [sflag:$0x3], $0x2800, $0x38;
	[tilespmem:$0x1F780] =	vst v63  }
0x30: {  	_ =	swait.ge [sflag:s25], $0x2800  }
0x31: {  	[sflag:s25] =	ssyncset.done $0x0  }
0x32: {  	[sflag:s25] =	ssyncadd.s32 $0xFFFFD800  }
0x33: {  	[spmem:s11] =	stream.linear.scatter [tilespmem:s16], [sflag:$0x3], $0x2800, $0x38;
	[tilespmem:$0x1F780] =	vst v63  }
0x34: {  	_ =	swait.ge [sflag:s25], $0x2800  }
0x35: {  	[sflag:s25] =	ssyncset.done $0x0  }
0x36: {  	[sflag:s25] =	ssyncadd.s32 $0xFFFFD800  }
0x37: {  	[spmem:s12] =	stream.linear.scatter [tilespmem:s16], [sflag:$0x3], $0x2800, $0x38;
	[tilespmem:$0x1F780] =	vst v63  }
0x38: {  	_ =	swait.ge [sflag:s25], $0x2800  }
0x39: {  	[sflag:s25] =	ssyncset.done $0x0  }
0x3a: {  	[sflag:s25] =	ssyncadd.s32 $0xFFFFD800  }
0x3b: {  	[spmem:s13] =	stream.linear.scatter [tilespmem:s16], [sflag:$0x3], $0x2800, $0x38;
	[tilespmem:$0x1F780] =	vst v63  }
0x3c: {  	_ =	swait.ge [sflag:s25], $0x2800  }
0x3d: {  	[sflag:s25] =	ssyncset.done $0x0  }
0x3e: {  	[sflag:s25] =	ssyncadd.s32 $0xFFFFD800  }
0x3f: {  	[spmem:s14] =	stream.linear.scatter [tilespmem:s16], [sflag:$0x3], $0x2800, $0x38;
	[tilespmem:$0x1F780] =	vst v63  }
0x40: {  	_ =	swait.ge [sflag:s25], $0x2800  }
0x41: {  	[sflag:s25] =	ssyncset.done $0x0  }
0x42: {  	[sflag:s25] =	ssyncadd.s32 $0xFFFFD800  }
0x43: {  	[spmem:s15] =	stream.linear.scatter [tilespmem:s16], [sflag:$0x3], $0x2800, $0x38;
	[tilespmem:$0x1F780] =	vst v63  }
0x44: {  	_ =	swait.ge [sflag:s25], $0x2800  }
0x45: {  	[sflag:s25] =	ssyncset.done $0x0  }
0x46: {  	[sflag:s25] =	ssyncadd.s32 $0xFFFFD800  }
0x47: {  	[bflag:$0x0] =	sbarrier.arrive $0xFFFF  }
0x48: {  	s0 =	simm.s32 $0x0;
	s3 =	rddreg [dreg:$0x4]  }
0x49: {  	[tilespmem:s26], [sflag:$0x3] =	stream.linear.gather [hbm4b:s3+s0], $0x2710, $0x38;
	[tilespmem:$0x1F780] =	vst v63  }
0x4a: {  	_ =	swait.ge [sflag:s25], $0x2710  }
0x4b: {  	[sflag:s25] =	ssyncset.done $0x0  }
0x4c: {  	s8 =	simm.s32 $0x16780;
	s6 =	rddreg [dreg:$0x5];
	[sflag:s25] =	ssyncadd.s32 $0xFFFFD8F0  }
0x4d: {  	[tilespmem:s8], [sflag:$0x3] =	stream.linear.gather [hbm4b:s6+s0], $0x3E80, $0x38;
	[tilespmem:$0x1F780] =	vst v63  }
0x4e: {  	_ =	swait.ge [sflag:s25], $0x3E80  }
0x4f: {  	[sflag:s25] =	ssyncset.done $0x0  }
0x50: {  	[sflag:s25] =	ssyncadd.s32 $0xFFFFC180  }
0x51: {  	[tilespmem:s16], [sflag:$0x1] =	stream.indirect.gather [hbm4b:s4+s29], $0x80, s26, s29, $0xb8;
	[tilespmem:$0x1F780] =	vst v63  }
0x52: {  	s3 =	simm.s32 $0x14050  }
0x53: {  	[tilespmem:s30], [sflag:$0x2] =	stream.indirect.gather [hbm4b:s4+s29], $0x80, s3, s29, $0xb8;
	[tilespmem:$0x1F780] =	vst v63  }
0x54: {  	_ =	swait.ge [sflag:s31], $0x2800  }
0x55: {  	[sflag:s31] =	ssyncset.done $0x0  }
0x56: {  	s5 =	simm.s32 $0x16780;
	[sflag:s31] =	ssyncadd.s32 $0xFFFFD800  }
0x57: {  	[spmem:s2] =	stream.indirect.scatter.add.f32 [tilespmem:s16], [sflag:$0x3], $0x80, s5, s29, $0xb8;
	[tilespmem:$0x1F780] =	vst v63  }
0x58: {  	_ =	swait.ge [sflag:s25], $0x2800  }
0x59: {  	[sflag:s25] =	ssyncset.done $0x0  }
0x5a: {  	s6 =	simm.s32 $0x140A0;
	[sflag:s25] =	ssyncadd.s32 $0xFFFFD800  }
0x5b: {  	[tilespmem:s16], [sflag:$0x1] =	stream.indirect.gather [hbm4b:s4+s29], $0x80, s6, s29, $0xb8;
	[tilespmem:$0x1F780] =	vst v63  }
0x5c: {  	_ =	swait.ge [sflag:s1], $0x2800  }
0x5d: {  	[sflag:s1] =	ssyncset.done $0x0  }
0x5e: {  	s8 =	simm.s32 $0x16800;
	[sflag:s1] =	ssyncadd.s32 $0xFFFFD800  }
0x5f: {  	[spmem:s2] =	stream.indirect.scatter.add.f32 [tilespmem:s30], [sflag:$0x3], $0x80, s8, s29, $0xb8;
	[tilespmem:$0x1F780] =	vst v63  }
0x60: {  	s0 =	simm.s32 $0x14140;
	_ =	swait.ge [sflag:s25], $0x2800  }
0x61: {  	s3 =	simm.s32 $0x400;
	s5 =	simm.s32 $0x800;
	[sflag:s25] =	ssyncset.done $0x0  }
.LBB2_4:
0x62: {  	p0 =	sne.s32 s5, $0xF400;
	s6 =	sadd.s32 $0xFFFFFFB0, s0;
	[sflag:s25] =	ssyncadd.s32 $0xFFFFD800  }
0x63: {  	[tilespmem:s30], [sflag:$0x2] =	stream.indirect.gather [hbm4b:s4+s29], $0x80, s6, s29, $0xb8;
	[tilespmem:$0x1F780] =	vst v63  }
0x64: {  	s6 =	smov.u32 s5;
	s5 =	sadd.s32 $0x400, s5;
	_ =	swait.ge [sflag:s31], $0x2800  }
0x65: {  	s8 =	sshra.s32 s3, $0x2;
	s3 =	smov.u32 s6;
	[sflag:s31] =	ssyncset.done $0x0  }
0x66: {  	s6 =	sadd.s32 $0x16780, s8;
	[sflag:s31] =	ssyncadd.s32 $0xFFFFD800  }
0x67: {  	[spmem:s2] =	stream.indirect.scatter.add.f32 [tilespmem:s16], [sflag:$0x3], $0x80, s6, s29, $0xb8;
	[tilespmem:$0x1F780] =	vst v63  }
0x68: {  	_ =	swait.ge [sflag:s25], $0x2800  }
0x69: {  	[sflag:s25] =	ssyncset.done $0x0  }
0x6a: {  	[sflag:s25] =	ssyncadd.s32 $0xFFFFD800  }
0x6b: {  	[tilespmem:s16], [sflag:$0x1] =	stream.indirect.gather [hbm4b:s4+s29], $0x80, s0, s29, $0xb8;
	[tilespmem:$0x1F780] =	vst v63  }
0x6c: {  	_ =	swait.ge [sflag:s1], $0x2800  }
.Ltmp1:
0x6d: {  	[sflag:s1] =	ssyncset.done $0x0;
	(pc) =	sbr.rel @p0 .LBB2_4-.Ltmp1, $4  }
0x6e: {  	s6 =	sadd.s32 $0x16800, s8;
	[sflag:s1] =	ssyncadd.s32 $0xFFFFD800  }
0x6f: {  	[spmem:s2] =	stream.indirect.scatter.add.f32 [tilespmem:s30], [sflag:$0x3], $0x80, s6, s29, $0xb8;
	[tilespmem:$0x1F780] =	vst v63  }
0x70: {  	_ =	swait.ge [sflag:s25], $0x2800  }
0x71: {  	s0 =	sadd.s32 $0xA0, s0;
	[sflag:s25] =	ssyncset.done $0x0  }
0x72: {  	s5 =	sadd.s32 $0xFFFFFFB0, s0;
	[sflag:s25] =	ssyncadd.s32 $0xFFFFD800  }
0x73: {  	[tilespmem:s30], [sflag:$0x2] =	stream.indirect.gather [hbm4b:s4+s29], $0x80, s5, s29, $0xb8;
	[tilespmem:$0x1F780] =	vst v63  }
0x74: {  	_ =	swait.ge [sflag:s31], $0x2800  }
0x75: {  	s3 =	sshra.s32 s3, $0x2;
	[sflag:s31] =	ssyncset.done $0x0  }
0x76: {  	s8 =	sadd.s32 $0x16780, s3;
	[sflag:s31] =	ssyncadd.s32 $0xFFFFD800  }
0x77: {  	[spmem:s2] =	stream.indirect.scatter.add.f32 [tilespmem:s16], [sflag:$0x3], $0x80, s8, s29, $0xb8;
	[tilespmem:$0x1F780] =	vst v63  }
0x78: {  	_ =	swait.ge [sflag:s25], $0x2800  }
0x79: {  	[sflag:s25] =	ssyncset.done $0x0  }
0x7a: {  	[sflag:s25] =	ssyncadd.s32 $0xFFFFD800  }
0x7b: {  	[tilespmem:s16], [sflag:$0x1] =	stream.indirect.gather [hbm4b:s4+s29], $0x80, s0, s29, $0xb8;
	[tilespmem:$0x1F780] =	vst v63  }
0x7c: {  	_ =	swait.ge [sflag:s1], $0x2800  }
0x7d: {  	[sflag:s1] =	ssyncset.done $0x0  }
0x7e: {  	s6 =	sadd.s32 $0x16800, s3;
	[sflag:s1] =	ssyncadd.s32 $0xFFFFD800  }
0x7f: {  	[spmem:s2] =	stream.indirect.scatter.add.f32 [tilespmem:s30], [sflag:$0x3], $0x80, s6, s29, $0xb8;
	[tilespmem:$0x1F780] =	vst v63  }
0x80: {  	_ =	swait.ge [sflag:s25], $0x2800  }
0x81: {  	[sflag:s25] =	ssyncset.done $0x0  }
0x82: {  	[sflag:s25] =	ssyncadd.s32 $0xFFFFD800  }
0x83: {  	_ =	swait.ge [sflag:s31], $0x2800  }
0x84: {  	[sflag:s31] =	ssyncset.done $0x0  }
0x85: {  	s8 =	simm.s32 $0x1A580;
	[sflag:s31] =	ssyncadd.s32 $0xFFFFD800  }
0x86: {  	[spmem:s2] =	stream.indirect.scatter.add.f32 [tilespmem:s16], [sflag:$0x3], $0x80, s8, s29, $0xb8;
	[tilespmem:$0x1F780] =	vst v63  }
0x87: {  	_ =	swait.ge [sflag:s25], $0x2800  }
0x88: {  	s3 =	stileid.u32;
	[sflag:s25] =	ssyncset.done $0x0  }
0x89: {  	s0 =	sshll.u32 s3, $0x6;
	[sflag:s25] =	ssyncadd.s32 $0xFFFFD800  }
0x8a: {  	s5 =	sshrl.u32 s7, $0x3;
	s0 =	sor.u32 $0x1C03, s0;
	[bflag:$0x0] =	sbarrier.arrive $0xFFFF  }
0x8b: {  	[hbm:s17], [sflag:s0] =	dma.local [spmem:s5], $0x500  }
0x8c: {  	_ =	swait.ge [sflag:s25], $0x500  }
0x8d: {  	[sflag:s25] =	ssyncset.done $0x0  }
0x8e: {  	s6 =	sshrl.u32 s9, $0x3;
	[sflag:s25] =	ssyncadd.s32 $0xFFFFFB00  }
0x8f: {  	[hbm:s18], [sflag:s0] =	dma.local [spmem:s6], $0x500  }
0x90: {  	_ =	swait.ge [sflag:s25], $0x500  }
0x91: {  	[sflag:s25] =	ssyncset.done $0x0  }
0x92: {  	s8 =	sshrl.u32 s10, $0x3;
	[sflag:s25] =	ssyncadd.s32 $0xFFFFFB00  }
0x93: {  	[hbm:s19], [sflag:s0] =	dma.local [spmem:s8], $0x500  }
0x94: {  	_ =	swait.ge [sflag:s25], $0x500  }
0x95: {  	[sflag:s25] =	ssyncset.done $0x0  }
0x96: {  	s5 =	sshrl.u32 s11, $0x3;
	[sflag:s25] =	ssyncadd.s32 $0xFFFFFB00  }
0x97: {  	[hbm:s20], [sflag:s0] =	dma.local [spmem:s5], $0x500  }
0x98: {  	_ =	swait.ge [sflag:s25], $0x500  }
0x99: {  	[sflag:s25] =	ssyncset.done $0x0  }
0x9a: {  	s6 =	sshrl.u32 s12, $0x3;
	[sflag:s25] =	ssyncadd.s32 $0xFFFFFB00  }
0x9b: {  	[hbm:s21], [sflag:s0] =	dma.local [spmem:s6], $0x500  }
0x9c: {  	_ =	swait.ge [sflag:s25], $0x500  }
0x9d: {  	[sflag:s25] =	ssyncset.done $0x0  }
0x9e: {  	s8 =	sshrl.u32 s13, $0x3;
	[sflag:s25] =	ssyncadd.s32 $0xFFFFFB00  }
0x9f: {  	[hbm:s22], [sflag:s0] =	dma.local [spmem:s8], $0x500  }
0xa0: {  	_ =	swait.ge [sflag:s25], $0x500  }
0xa1: {  	[sflag:s25] =	ssyncset.done $0x0  }
0xa2: {  	s5 =	sshrl.u32 s14, $0x3;
	[sflag:s25] =	ssyncadd.s32 $0xFFFFFB00  }
0xa3: {  	[hbm:s23], [sflag:s0] =	dma.local [spmem:s5], $0x500  }
0xa4: {  	_ =	swait.ge [sflag:s25], $0x500  }
0xa5: {  	[sflag:s25] =	ssyncset.done $0x0  }
0xa6: {  	s6 =	sshrl.u32 s15, $0x3;
	[sflag:s25] =	ssyncadd.s32 $0xFFFFFB00  }
0xa7: {  	[hbm:s24], [sflag:s0] =	dma.local [spmem:s6], $0x500  }
0xa8: {  	_ =	swait.ge [sflag:s25], $0x500  }
0xa9: {  	s28 =	sadd.s32 $0x1, s28;
	s8 =	rddreg [dreg:$0x6]  }
0xaa: {  	p0 =	sne.s32 s28, s8  }
.Ltmp2:
0xab: {  	_ = 	snop;
	(pc) =	sbr.rel @p0 .LBB2_1-.Ltmp2, $3  }
0xac: {  	_ =	sdelay $0x1  }
0xad: {  	[sflag:s25] =	ssyncset.done $0x0  }
0xae: {  	[sflag:s25] =	ssyncadd.s32 $0xFFFFFB00  }
0xaf: {  	_ =	sfence.sel $0x180000  }
0xb0: {  	[bflag:$0x0] =	sbarrier.arrive $0xFFFF  }
0xb1: {  	_ =	strace $0x90000050  }
0xb2: {  	s0 =	stileid.u32;
	[bflag:$0x2] =	sbarrier.arrive $0xFFFF  }
0xb3: {  	p0 =	sne.s32 s0, $0x0;
	s0 =	rddreg [dreg:$0x3]  }
0xb4: {  	s0 =	sadd.s32 @!p0 $0x100000, s0  }
0xb5: {  	[sflag:s0] =	ssyncadd.tile.s32 @!p0 $0x1;
	_ =	shalt  }
.Lfunc_end2:
_tile_overlayer_lowered:
.L_overlay_start_2:
0xb6: {  	(tag) =	ssettag $0x2  }
0xb7: {  	s0 =	rddreg [dreg:$0x0];
	s2 =	stileid.u32  }
0xb8: {  	s1 =	rddreg [dreg:$0x1];
	p0 =	sne.s32 s2, $0x0  }
0xb9: {  	s3 =	rddreg [dreg:$0x2];
	[bflag:$0x3] =	sbarrier.arrive $0xFFFF;
	s2 =	simm.s32 @!p0 $0x1C03  }
0xba: {  	[timem:s3], [sflag:s2] =	dma.local @!p0 [hbm:s0], s1  }
0xbb: {  	s0 =	simm.s32 @!p0 $0x3  }
0xbc: {  	_ =	swait.ge @!p0 [sflag:s0], s1  }
0xbd: {  	s1 =	ssub.s32 @!p0 $0x0, s1;
	[sflag:s0] =	ssyncset.done @!p0 $0x0  }
0xbe: {  	[sflag:s0] =	ssyncadd.s32 @!p0 s1  }
0xbf: {  	[bflag:$0x3] =	sbarrier.arrive $0xFFFF  }
0xc0: {  	_ =	shalt  }

</sc_bundles>
